<compile_context>
chip_gen: v7x
topology: tpu7x:2x2x1
jax: 0.10.2.dev20260603
libtpu: 0.0.44.dev20260713+nightly
codegen_flags: <defaults>
</compile_context>

<pallas_src>
import functools

import jax
import jax.numpy as jnp
from jax import lax
from jax.experimental import pallas as pl
from jax.experimental.pallas import tpu as pltpu
from jax.experimental.pallas import tpu_sc as plsc

N = 10000
E = 320000
D = 128
NC = 2
NS = 16
NW = NC * NS
CHUNK = 128
CPT = 80
HALF = CPT // 2
EPT = CHUNK * CPT
E_PAD = EPT * NW
N_PAD = 10240
RPT = N_PAD // NS
ZR = 128
DS = 16
ROWS_B = 1024

_mesh = plsc.VectorSubcoreMesh(core_axis_name="c", subcore_axis_name="s")



def _zero_1d(zbuf, acc_s, r0):
    for g in range(RPT // 16):
        zbuf[pl.ds(16 * g, 16)] = jnp.zeros((16,), jnp.float32)
    pltpu.sync_copy(zbuf, acc_s.at[pl.ds(r0, RPT)])


def _out_1d(acc_s, obuf, out, c, r0):
    pltpu.sync_copy(acc_s.at[pl.ds(r0, RPT)], obuf)
    pltpu.sync_copy(obuf, out.at[pl.ds(c * N_PAD + r0, RPT)])


_HW = 8


def _hist_body(dst3, out, didx, vbuf, obuf, acc_s, sem):
    c = lax.axis_index("c")
    s = lax.axis_index("s")
    wid = s * NC + c
    r0 = s * RPT
    _zero_1d(obuf, acc_s, r0)
    pltpu.sync_copy(dst3.at[wid], didx)
    for g in range(CHUNK // 16):
        vbuf[pl.ds(16 * g, 16)] = jnp.ones((16,), jnp.float32)
    plsc.subcore_barrier()

    @pl.loop(0, _HW)
    def _(j):
        pltpu.async_copy(vbuf, acc_s.at[didx.at[j]], sem, add=True)

    @pl.loop(_HW, CPT)
    def _(j):
        pltpu.make_async_copy(vbuf, acc_s.at[didx.at[0]], sem).wait()
        pltpu.async_copy(vbuf, acc_s.at[didx.at[j]], sem, add=True)

    @pl.loop(0, _HW)
    def _(j):
        pltpu.make_async_copy(vbuf, acc_s.at[didx.at[0]], sem).wait()

    plsc.subcore_barrier()
    _out_1d(acc_s, obuf, out, c, r0)


_hist_kernel = functools.partial(
    pl.kernel,
    out_type=jax.ShapeDtypeStruct((NC * N_PAD,), jnp.float32),
    mesh=_mesh,
    compiler_params=pltpu.CompilerParams(needs_layout_passes=False),
    scratch_types=[
        pltpu.VMEM((CPT, CHUNK), jnp.int32),
        pltpu.VMEM((CHUNK,), jnp.float32),
        pltpu.VMEM((RPT,), jnp.float32),
        pltpu.VMEM_SHARED((N_PAD,), jnp.float32),
        pltpu.SemaphoreType.DMA,
    ],
)(_hist_body)


def _narrow_body(src3, dst3, tab, out, sidx, didx, tab_v, vbuf0, vbuf1, obuf,
                 acc_s, sem0, sem1):
    c = lax.axis_index("c")
    s = lax.axis_index("s")
    wid = s * NC + c
    r0 = s * RPT
    _zero_1d(obuf, acc_s, r0)
    pltpu.sync_copy(src3.at[wid], sidx)
    pltpu.sync_copy(dst3.at[wid], didx)
    pltpu.sync_copy(tab, tab_v)
    plsc.subcore_barrier()

    def fill(vbuf, j):
        for g in range(CHUNK // 16):
            src_v = sidx[j, pl.ds(16 * g, 16)]
            vbuf[pl.ds(16 * g, 16)] = plsc.load_gather(tab_v, [src_v])

    fill(vbuf0, 0)
    pltpu.async_copy(vbuf0, acc_s.at[didx.at[0]], sem0, add=True)
    fill(vbuf1, 1)
    pltpu.async_copy(vbuf1, acc_s.at[didx.at[1]], sem1, add=True)

    @pl.loop(1, CPT // 2)
    def _(k):
        j = 2 * k
        pltpu.make_async_copy(vbuf0, acc_s.at[didx.at[0]], sem0).wait()
        fill(vbuf0, j)
        pltpu.async_copy(vbuf0, acc_s.at[didx.at[j]], sem0, add=True)
        pltpu.make_async_copy(vbuf1, acc_s.at[didx.at[0]], sem1).wait()
        fill(vbuf1, j + 1)
        pltpu.async_copy(vbuf1, acc_s.at[didx.at[j + 1]], sem1, add=True)

    pltpu.make_async_copy(vbuf0, acc_s.at[didx.at[0]], sem0).wait()
    pltpu.make_async_copy(vbuf1, acc_s.at[didx.at[0]], sem1).wait()

    plsc.subcore_barrier()
    _out_1d(acc_s, obuf, out, c, r0)


_agg_narrow = functools.partial(
    pl.kernel,
    out_type=jax.ShapeDtypeStruct((NC * N_PAD,), jnp.float32),
    mesh=_mesh,
    compiler_params=pltpu.CompilerParams(needs_layout_passes=False),
    scratch_types=[
        pltpu.VMEM((CPT, CHUNK), jnp.int32),
        pltpu.VMEM((CPT, CHUNK), jnp.int32),
        pltpu.VMEM((N_PAD,), jnp.float32),
        pltpu.VMEM((CHUNK,), jnp.float32),
        pltpu.VMEM((CHUNK,), jnp.float32),
        pltpu.VMEM((RPT,), jnp.float32),
        pltpu.VMEM_SHARED((N_PAD,), jnp.float32),
        pltpu.SemaphoreType.DMA,
        pltpu.SemaphoreType.DMA,
    ],
)(_narrow_body)


def _wide_body(src3, dst3, tab, out, sidx, didx, rows0, rows1, acc_s,
               sem0, sem1):
    c = lax.axis_index("c")
    s = lax.axis_index("s")
    wid = s * NC + c
    r0 = s * RPT
    sbuf = rows0.at[pl.ds(0, ZR)]

    @pl.loop(0, ZR)
    def _(i):
        for g in range(D // 16):
            rows0[i, pl.ds(16 * g, 16)] = jnp.zeros((16,), jnp.float32)

    @pl.loop(0, RPT // ZR)
    def _(k):
        pltpu.sync_copy(sbuf, acc_s.at[pl.ds(r0 + ZR * k, ZR)])

    plsc.subcore_barrier()

    for h in range(2):
        pltpu.sync_copy(src3.at[wid, pl.ds(h * HALF, HALF)], sidx)
        pltpu.sync_copy(dst3.at[wid, pl.ds(h * HALF, HALF)], didx)
        pltpu.async_copy(tab.at[sidx.at[0]], rows0, sem0)

        @pl.loop(0, HALF // 2 - 1)
        def _(k):
            j = 2 * k
            pltpu.async_copy(tab.at[sidx.at[j + 1]], rows1, sem1)
            pltpu.make_async_copy(tab.at[sidx.at[j]], rows0, sem0).wait()
            pltpu.sync_copy(rows0, acc_s.at[didx.at[j]], add=True)
            pltpu.async_copy(tab.at[sidx.at[j + 2]], rows0, sem0)
            pltpu.make_async_copy(tab.at[sidx.at[j + 1]], rows1, sem1).wait()
            pltpu.sync_copy(rows1, acc_s.at[didx.at[j + 1]], add=True)

        pltpu.async_copy(tab.at[sidx.at[HALF - 1]], rows1, sem1)
        pltpu.make_async_copy(tab.at[sidx.at[HALF - 2]], rows0, sem0).wait()
        pltpu.sync_copy(rows0, acc_s.at[didx.at[HALF - 2]], add=True)
        pltpu.make_async_copy(tab.at[sidx.at[HALF - 1]], rows1, sem1).wait()
        pltpu.sync_copy(rows1, acc_s.at[didx.at[HALF - 1]], add=True)

    plsc.subcore_barrier()

    @pl.loop(0, RPT // ZR)
    def _(k):
        pltpu.sync_copy(acc_s.at[pl.ds(r0 + ZR * k, ZR)], sbuf)
        pltpu.sync_copy(sbuf, out.at[c, pl.ds(r0 + ZR * k, ZR)])


_agg_wide = functools.partial(
    pl.kernel,
    out_type=jax.ShapeDtypeStruct((NC, N_PAD, D), jnp.float32),
    mesh=_mesh,
    compiler_params=pltpu.CompilerParams(needs_layout_passes=False),
    scratch_types=[
        pltpu.VMEM((HALF, CHUNK), jnp.int32),
        pltpu.VMEM((HALF, CHUNK), jnp.int32),
        pltpu.VMEM((CHUNK, D), jnp.float32),
        pltpu.VMEM((CHUNK, D), jnp.float32),
        pltpu.VMEM_SHARED((N_PAD, D), jnp.float32),
        pltpu.SemaphoreType.DMA,
        pltpu.SemaphoreType.DMA,
    ],
)(_wide_body)



GB = ROWS_B // D


def _eye():
    r = lax.broadcasted_iota(jnp.int32, (D, D), 0)
    c = lax.broadcasted_iota(jnp.int32, (D, D), 1)
    return (r == c).astype(jnp.float32)


def _lanes_to_col(p_lane, eye, ones_col):
    return jnp.dot(
        eye * p_lane,
        ones_col,
        preferred_element_type=jnp.float32,
        precision=lax.Precision.HIGHEST,
    )


def _tc0_body(x_ref, w_ref, xw_ref):
    xw_ref[...] = jnp.dot(
        x_ref[...], w_ref[...], preferred_element_type=jnp.float32
    )


def _tc0(x, W1):
    return pl.pallas_call(
        _tc0_body,
        grid=(N_PAD // ROWS_B,),
        in_specs=[
            pl.BlockSpec((ROWS_B, D), lambda i: (i, 0)),
            pl.BlockSpec((D, D), lambda i: (0, 0)),
        ],
        out_specs=pl.BlockSpec((ROWS_B, D), lambda i: (i, 0)),
        out_shape=jax.ShapeDtypeStruct((N_PAD, D), jnp.float32),
    )(x, W1)


def _tc1_body(p_ref, xw_ref, y_ref, dinv_ref):
    eye = _eye()
    ones_col = jnp.ones((D, 1), jnp.float32)
    for a in range(GB):
        deg_lane = p_ref[0, a : a + 1, :] + p_ref[1, a : a + 1, :] + 1.0
        dv = lax.rsqrt(_lanes_to_col(deg_lane, eye, ones_col))
        r = pl.ds(a * D, D)
        y_ref[r, :] = xw_ref[r, :] * dv
        dinv_ref[r, :] = jnp.broadcast_to(dv, (D, DS))


def _tc1(p, xw):
    return pl.pallas_call(
        _tc1_body,
        grid=(N_PAD // ROWS_B,),
        in_specs=[
            pl.BlockSpec((NC, GB, D), lambda i: (0, i, 0)),
            pl.BlockSpec((ROWS_B, D), lambda i: (i, 0)),
        ],
        out_specs=[
            pl.BlockSpec((ROWS_B, D), lambda i: (i, 0)),
            pl.BlockSpec((ROWS_B, DS), lambda i: (i, 0)),
        ],
        out_shape=[
            jax.ShapeDtypeStruct((N_PAD, D), jnp.float32),
            jax.ShapeDtypeStruct((N_PAD, DS), jnp.float32),
        ],
    )(p, xw)


def _tc2_body(p_ref, y_ref, dinv_ref, b1_ref, w2_ref, z16_ref):
    agg = p_ref[0] + p_ref[1] + y_ref[...]
    h = jnp.maximum(agg * dinv_ref[:, 0:1] + b1_ref[...], 0.0)
    z = jnp.dot(h, w2_ref[...], preferred_element_type=jnp.float32)
    z16_ref[...] = z * dinv_ref[...]


def _tc2(p, y, dinv, b1r, W2w):
    return pl.pallas_call(
        _tc2_body,
        grid=(N_PAD // ROWS_B,),
        in_specs=[
            pl.BlockSpec((NC, ROWS_B, D), lambda i: (0, i, 0)),
            pl.BlockSpec((ROWS_B, D), lambda i: (i, 0)),
            pl.BlockSpec((ROWS_B, DS), lambda i: (i, 0)),
            pl.BlockSpec((1, D), lambda i: (0, 0)),
            pl.BlockSpec((D, DS), lambda i: (0, 0)),
        ],
        out_specs=pl.BlockSpec((ROWS_B, DS), lambda i: (i, 0)),
        out_shape=jax.ShapeDtypeStruct((N_PAD, DS), jnp.float32),
    )(p, y, dinv, b1r, W2w)


def _tc3_body(p_ref, z16_ref, dinv_ref, b2_ref, out_ref):
    eye = _eye()
    ones_col = jnp.ones((D, 1), jnp.float32)
    for a in range(GB):
        t_lane = p_ref[0, a : a + 1, :] + p_ref[1, a : a + 1, :]
        t_col = _lanes_to_col(t_lane, eye, ones_col)
        r = pl.ds(a * D, D)
        t = t_col + z16_ref[r, 0:1]
        out_ref[r, :] = jax.nn.sigmoid(t * dinv_ref[r, 0:1] + b2_ref[...])


def _tc3(p, z16, dinv, b2r):
    return pl.pallas_call(
        _tc3_body,
        grid=(N_PAD // ROWS_B,),
        in_specs=[
            pl.BlockSpec((NC, GB, D), lambda i: (0, i, 0)),
            pl.BlockSpec((ROWS_B, DS), lambda i: (i, 0)),
            pl.BlockSpec((ROWS_B, DS), lambda i: (i, 0)),
            pl.BlockSpec((1, 1), lambda i: (0, 0)),
        ],
        out_specs=pl.BlockSpec((ROWS_B, 1), lambda i: (i, 0)),
        out_shape=jax.ShapeDtypeStruct((N, 1), jnp.float32),
    )(p, z16, dinv, b2r)



def kernel(x, edge_index, W1, b1, W2, b2):
    src = edge_index[0]
    dst = edge_index[1]
    pad = (jnp.arange(E_PAD - E, dtype=jnp.int32) & 127) + N
    src3 = jnp.concatenate([src, pad]).reshape(NW, CPT, CHUNK)
    dst3 = jnp.concatenate([dst, pad]).reshape(NW, CPT, CHUNK)

    x_pad = jnp.concatenate([x, jnp.zeros((N_PAD - N, D), jnp.float32)])

    xw = _tc0(x_pad, W1)
    degp = _hist_kernel(dst3).reshape(NC, N_PAD // D, D)

    y, dinv = _tc1(degp, xw)

    aggp = _agg_wide(src3, dst3, y)

    b1r = b1.reshape(1, D)
    W2w = jnp.concatenate([W2, jnp.zeros((D, DS - 1), jnp.float32)], axis=1)
    z16 = _tc2(aggp, y, dinv, b1r, W2w)
    z_flat = z16[:, 0]

    agg2p = _agg_narrow(src3, dst3, z_flat).reshape(NC, N_PAD // D, D)

    b2r = b2.reshape(1, 1)
    return _tc3(agg2p, z16, dinv, b2r)

# --- scband reference (transcript-rebuilt; emitter-appended) ---
"""Pipeline reference for scband-species-gcn-6932077216413 (READ-ONLY COPY).

The authoritative reference and input builder live on the scoring server;
editing this copy changes nothing except your own understanding.
"""

import jax, jax.numpy as jnp
import numpy as np

N_NODES = 10000
N_EDGES = 320000
D_IN = 128
D_HID = 128


def gcn_conv(x, edge_index, W, b):
    # GCNConv: add self-loops, symmetric normalization, linear transform, aggregate, bias
    n = x.shape[0]
    self_loops = jnp.arange(n, dtype=edge_index.dtype)
    src = jnp.concatenate([edge_index[0], self_loops])
    dst = jnp.concatenate([edge_index[1], self_loops])
    deg = jax.ops.segment_sum(jnp.ones_like(dst, dtype=x.dtype), dst, num_segments=n)
    dinv = jnp.where(deg > 0, deg ** -0.5, 0.0)
    norm = dinv[src] * dinv[dst]
    xw = x @ W
    msg = xw[src] * norm[:, None]
    out = jax.ops.segment_sum(msg, dst, num_segments=n)
    return out + b


def setup_inputs(seed: int = 0) -> dict:
    key = jax.random.key(seed)
    k1, k2, k3, k4, k5, k6 = jax.random.split(key, 6)
    x = jax.random.normal(k1, (N_NODES, D_IN), dtype=jnp.float32)
    edge_index = jax.random.randint(k2, (2, N_EDGES), 0, N_NODES, dtype=jnp.int32)
    s1 = (6.0 / (D_IN + D_HID)) ** 0.5
    W1 = jax.random.uniform(k3, (D_IN, D_HID), dtype=jnp.float32, minval=-s1, maxval=s1)
    b1 = jnp.zeros((D_HID,), dtype=jnp.float32)
    s2 = (6.0 / (D_HID + 1)) ** 0.5
    W2 = jax.random.uniform(k4, (D_HID, 1), dtype=jnp.float32, minval=-s2, maxval=s2)
    b2 = jnp.zeros((1,), dtype=jnp.float32)
    return {"x": x, "edge_index": edge_index, "W1": W1, "b1": b1, "W2": W2, "b2": b2}


def reference(x, edge_index, W1, b1, W2, b2):
    h = jax.nn.relu(gcn_conv(x, edge_index, W1, b1))
    return jax.nn.sigmoid(gcn_conv(h, edge_index, W2, b2))

if __name__ == "__main__":
    import jax
    _d = setup_inputs()
    print(jax.jit(kernel)(*tuple(_d.values())))

</pallas_src>

<mosaic_0001>
#map = affine_map<(d0, d1) -> (0, 0, 0)>
#map1 = affine_map<(d0, d1) -> (0)>
module attributes {stable_mosaic.version = 14 : i64} {
  func.func @_narrow_body(%arg0: i32, %arg1: i32, %arg2: memref<32x80x128xi32, #tpu.memory_space<hbm>>, %arg3: memref<32x80x128xi32, #tpu.memory_space<hbm>>, %arg4: memref<10240xf32, #tpu.memory_space<hbm>>, %arg5: memref<20480xf32, #tpu.memory_space<hbm>>, %arg6: memref<80x128xi32, #tpu.memory_space<vmem>>, %arg7: memref<80x128xi32, #tpu.memory_space<vmem>>, %arg8: memref<10240xf32, #tpu.memory_space<vmem>>, %arg9: memref<128xf32, #tpu.memory_space<vmem>>, %arg10: memref<128xf32, #tpu.memory_space<vmem>>, %arg11: memref<640xf32, #tpu.memory_space<vmem>>, %arg12: memref<10240xf32, #tpu.memory_space<vmem_shared>>, %arg13: memref<!tpu.dma_semaphore, #tpu.memory_space<semaphore_mem>>, %arg14: memref<!tpu.dma_semaphore, #tpu.memory_space<semaphore_mem>>) attributes {dimension_semantics = [#tpu.dimension_semantics<core_parallel>, #tpu.dimension_semantics<subcore_parallel>], iteration_bounds = array<i64: 2, 16>, scalar_prefetch = 0 : i64, scratch_operands = 9 : i64, tpu.core_type = #tpu.core_type<sc_vector_subcore>, window_params = [{transform_indices = #map}, {transform_indices = #map}, {transform_indices = #map1}, {transform_indices = #map1}]} {
    %mul3A = arith.constant 2 : i32
    %mul3A_0 = arith.muli %arg1, %mul3A : i32
    %add3A = arith.addi %mul3A_0, %arg0 : i32
    %mul3A_1 = arith.constant 640 : i32
    %mul3A_2 = arith.muli %arg1, %mul3A_1 : i32
    %broadcast_in_dim3A = arith.constant 0.000000e+00 : f32
    %broadcast_in_dim3A_3 = vector.broadcast %broadcast_in_dim3A : f32 to vector<16xf32>
    %swap3A = arith.constant 0 : index
    %swap3A_4 = tpu.vector_load %arg11[%swap3A] {strides = array<i32>} : memref<640xf32, #tpu.memory_space<vmem>>, vector<16xf32>,
    tpu.vector_store %arg11[%swap3A], %broadcast_in_dim3A_3 {strides = array<i32>} : memref<640xf32, #tpu.memory_space<vmem>>, vector<16xf32>,
    %broadcast_in_dim3A_5 = arith.constant 0.000000e+00 : f32
    %broadcast_in_dim3A_6 = vector.broadcast %broadcast_in_dim3A_5 : f32 to vector<16xf32>
    %swap3A_7 = arith.constant 16 : index
    %swap3A_8 = tpu.vector_load %arg11[%swap3A_7] {strides = array<i32>} : memref<640xf32, #tpu.memory_space<vmem>>, vector<16xf32>,
    tpu.vector_store %arg11[%swap3A_7], %broadcast_in_dim3A_6 {strides = array<i32>} : memref<640xf32, #tpu.memory_space<vmem>>, vector<16xf32>,
    %broadcast_in_dim3A_9 = arith.constant 0.000000e+00 : f32
    %broadcast_in_dim3A_10 = vector.broadcast %broadcast_in_dim3A_9 : f32 to vector<16xf32>
    %swap3A_11 = arith.constant 32 : index
    %swap3A_12 = tpu.vector_load %arg11[%swap3A_11] {strides = array<i32>} : memref<640xf32, #tpu.memory_space<vmem>>, vector<16xf32>,
    tpu.vector_store %arg11[%swap3A_11], %broadcast_in_dim3A_10 {strides = array<i32>} : memref<640xf32, #tpu.memory_space<vmem>>, vector<16xf32>,
    %broadcast_in_dim3A_13 = arith.constant 0.000000e+00 : f32
    %broadcast_in_dim3A_14 = vector.broadcast %broadcast_in_dim3A_13 : f32 to vector<16xf32>
    %swap3A_15 = arith.constant 48 : index
    %swap3A_16 = tpu.vector_load %arg11[%swap3A_15] {strides = array<i32>} : memref<640xf32, #tpu.memory_space<vmem>>, vector<16xf32>,
    tpu.vector_store %arg11[%swap3A_15], %broadcast_in_dim3A_14 {strides = array<i32>} : memref<640xf32, #tpu.memory_space<vmem>>, vector<16xf32>,
    %broadcast_in_dim3A_17 = arith.constant 0.000000e+00 : f32
    %broadcast_in_dim3A_18 = vector.broadcast %broadcast_in_dim3A_17 : f32 to vector<16xf32>
    %swap3A_19 = arith.constant 64 : index
    %swap3A_20 = tpu.vector_load %arg11[%swap3A_19] {strides = array<i32>} : memref<640xf32, #tpu.memory_space<vmem>>, vector<16xf32>,
    tpu.vector_store %arg11[%swap3A_19], %broadcast_in_dim3A_18 {strides = array<i32>} : memref<640xf32, #tpu.memory_space<vmem>>, vector<16xf32>,
    %broadcast_in_dim3A_21 = arith.constant 0.000000e+00 : f32
    %broadcast_in_dim3A_22 = vector.broadcast %broadcast_in_dim3A_21 : f32 to vector<16xf32>
    %swap3A_23 = arith.constant 80 : index
    %swap3A_24 = tpu.vector_load %arg11[%swap3A_23] {strides = array<i32>} : memref<640xf32, #tpu.memory_space<vmem>>, vector<16xf32>,
    tpu.vector_store %arg11[%swap3A_23], %broadcast_in_dim3A_22 {strides = array<i32>} : memref<640xf32, #tpu.memory_space<vmem>>, vector<16xf32>,
    %broadcast_in_dim3A_25 = arith.constant 0.000000e+00 : f32
    %broadcast_in_dim3A_26 = vector.broadcast %broadcast_in_dim3A_25 : f32 to vector<16xf32>
    %swap3A_27 = arith.constant 96 : index
    %swap3A_28 = tpu.vector_load %arg11[%swap3A_27] {strides = array<i32>} : memref<640xf32, #tpu.memory_space<vmem>>, vector<16xf32>,
    tpu.vector_store %arg11[%swap3A_27], %broadcast_in_dim3A_26 {strides = array<i32>} : memref<640xf32, #tpu.memory_space<vmem>>, vector<16xf32>,
    %broadcast_in_dim3A_29 = arith.constant 0.000000e+00 : f32
    %broadcast_in_dim3A_30 = vector.broadcast %broadcast_in_dim3A_29 : f32 to vector<16xf32>
    %swap3A_31 = arith.constant 112 : index
    %swap3A_32 = tpu.vector_load %arg11[%swap3A_31] {strides = array<i32>} : memref<640xf32, #tpu.memory_space<vmem>>, vector<16xf32>,
    tpu.vector_store %arg11[%swap3A_31], %broadcast_in_dim3A_30 {strides = array<i32>} : memref<640xf32, #tpu.memory_space<vmem>>, vector<16xf32>,
    %broadcast_in_dim3A_33 = arith.constant 0.000000e+00 : f32
    %broadcast_in_dim3A_34 = vector.broadcast %broadcast_in_dim3A_33 : f32 to vector<16xf32>
    %swap3A_35 = arith.constant 128 : index
    %swap3A_36 = tpu.vector_load %arg11[%swap3A_35] {strides = array<i32>} : memref<640xf32, #tpu.memory_space<vmem>>, vector<16xf32>,
    tpu.vector_store %arg11[%swap3A_35], %broadcast_in_dim3A_34 {strides = array<i32>} : memref<640xf32, #tpu.memory_space<vmem>>, vector<16xf32>,
    %broadcast_in_dim3A_37 = arith.constant 0.000000e+00 : f32
    %broadcast_in_dim3A_38 = vector.broadcast %broadcast_in_dim3A_37 : f32 to vector<16xf32>
    %swap3A_39 = arith.constant 144 : index
    %swap3A_40 = tpu.vector_load %arg11[%swap3A_39] {strides = array<i32>} : memref<640xf32, #tpu.memory_space<vmem>>, vector<16xf32>,
    tpu.vector_store %arg11[%swap3A_39], %broadcast_in_dim3A_38 {strides = array<i32>} : memref<640xf32, #tpu.memory_space<vmem>>, vector<16xf32>,
    %broadcast_in_dim3A_41 = arith.constant 0.000000e+00 : f32
    %broadcast_in_dim3A_42 = vector.broadcast %broadcast_in_dim3A_41 : f32 to vector<16xf32>
    %swap3A_43 = arith.constant 160 : index
    %swap3A_44 = tpu.vector_load %arg11[%swap3A_43] {strides = array<i32>} : memref<640xf32, #tpu.memory_space<vmem>>, vector<16xf32>,
    tpu.vector_store %arg11[%swap3A_43], %broadcast_in_dim3A_42 {strides = array<i32>} : memref<640xf32, #tpu.memory_space<vmem>>, vector<16xf32>,
    %broadcast_in_dim3A_45 = arith.constant 0.000000e+00 : f32
    %broadcast_in_dim3A_46 = vector.broadcast %broadcast_in_dim3A_45 : f32 to vector<16xf32>
    %swap3A_47 = arith.constant 176 : index
    %swap3A_48 = tpu.vector_load %arg11[%swap3A_47] {strides = array<i32>} : memref<640xf32, #tpu.memory_space<vmem>>, vector<16xf32>,
    tpu.vector_store %arg11[%swap3A_47], %broadcast_in_dim3A_46 {strides = array<i32>} : memref<640xf32, #tpu.memory_space<vmem>>, vector<16xf32>,
    %broadcast_in_dim3A_49 = arith.constant 0.000000e+00 : f32
    %broadcast_in_dim3A_50 = vector.broadcast %broadcast_in_dim3A_49 : f32 to vector<16xf32>
    %swap3A_51 = arith.constant 192 : index
    %swap3A_52 = tpu.vector_load %arg11[%swap3A_51] {strides = array<i32>} : memref<640xf32, #tpu.memory_space<vmem>>, vector<16xf32>,
    tpu.vector_store %arg11[%swap3A_51], %broadcast_in_dim3A_50 {strides = array<i32>} : memref<640xf32, #tpu.memory_space<vmem>>, vector<16xf32>,
    %broadcast_in_dim3A_53 = arith.constant 0.000000e+00 : f32
    %broadcast_in_dim3A_54 = vector.broadcast %broadcast_in_dim3A_53 : f32 to vector<16xf32>
    %swap3A_55 = arith.constant 208 : index
    %swap3A_56 = tpu.vector_load %arg11[%swap3A_55] {strides = array<i32>} : memref<640xf32, #tpu.memory_space<vmem>>, vector<16xf32>,
    tpu.vector_store %arg11[%swap3A_55], %broadcast_in_dim3A_54 {strides = array<i32>} : memref<640xf32, #tpu.memory_space<vmem>>, vector<16xf32>,
    %broadcast_in_dim3A_57 = arith.constant 0.000000e+00 : f32
    %broadcast_in_dim3A_58 = vector.broadcast %broadcast_in_dim3A_57 : f32 to vector<16xf32>
    %swap3A_59 = arith.constant 224 : index
    %swap3A_60 = tpu.vector_load %arg11[%swap3A_59] {strides = array<i32>} : memref<640xf32, #tpu.memory_space<vmem>>, vector<16xf32>,
    tpu.vector_store %arg11[%swap3A_59], %broadcast_in_dim3A_58 {strides = array<i32>} : memref<640xf32, #tpu.memory_space<vmem>>, vector<16xf32>,
    %broadcast_in_dim3A_61 = arith.constant 0.000000e+00 : f32
    %broadcast_in_dim3A_62 = vector.broadcast %broadcast_in_dim3A_61 : f32 to vector<16xf32>
    %swap3A_63 = arith.constant 240 : index
    %swap3A_64 = tpu.vector_load %arg11[%swap3A_63] {strides = array<i32>} : memref<640xf32, #tpu.memory_space<vmem>>, vector<16xf32>,
    tpu.vector_store %arg11[%swap3A_63], %broadcast_in_dim3A_62 {strides = array<i32>} : memref<640xf32, #tpu.memory_space<vmem>>, vector<16xf32>,
    %broadcast_in_dim3A_65 = arith.constant 0.000000e+00 : f32
    %broadcast_in_dim3A_66 = vector.broadcast %broadcast_in_dim3A_65 : f32 to vector<16xf32>
    %swap3A_67 = arith.constant 256 : index
    %swap3A_68 = tpu.vector_load %arg11[%swap3A_67] {strides = array<i32>} : memref<640xf32, #tpu.memory_space<vmem>>, vector<16xf32>,
    tpu.vector_store %arg11[%swap3A_67], %broadcast_in_dim3A_66 {strides = array<i32>} : memref<640xf32, #tpu.memory_space<vmem>>, vector<16xf32>,
    %broadcast_in_dim3A_69 = arith.constant 0.000000e+00 : f32
    %broadcast_in_dim3A_70 = vector.broadcast %broadcast_in_dim3A_69 : f32 to vector<16xf32>
    %swap3A_71 = arith.constant 272 : index
    %swap3A_72 = tpu.vector_load %arg11[%swap3A_71] {strides = array<i32>} : memref<640xf32, #tpu.memory_space<vmem>>, vector<16xf32>,
    tpu.vector_store %arg11[%swap3A_71], %broadcast_in_dim3A_70 {strides = array<i32>} : memref<640xf32, #tpu.memory_space<vmem>>, vector<16xf32>,
    %broadcast_in_dim3A_73 = arith.constant 0.000000e+00 : f32
    %broadcast_in_dim3A_74 = vector.broadcast %broadcast_in_dim3A_73 : f32 to vector<16xf32>
    %swap3A_75 = arith.constant 288 : index
    %swap3A_76 = tpu.vector_load %arg11[%swap3A_75] {strides = array<i32>} : memref<640xf32, #tpu.memory_space<vmem>>, vector<16xf32>,
    tpu.vector_store %arg11[%swap3A_75], %broadcast_in_dim3A_74 {strides = array<i32>} : memref<640xf32, #tpu.memory_space<vmem>>, vector<16xf32>,
    %broadcast_in_dim3A_77 = arith.constant 0.000000e+00 : f32
    %broadcast_in_dim3A_78 = vector.broadcast %broadcast_in_dim3A_77 : f32 to vector<16xf32>
    %swap3A_79 = arith.constant 304 : index
    %swap3A_80 = tpu.vector_load %arg11[%swap3A_79] {strides = array<i32>} : memref<640xf32, #tpu.memory_space<vmem>>, vector<16xf32>,
    tpu.vector_store %arg11[%swap3A_79], %broadcast_in_dim3A_78 {strides = array<i32>} : memref<640xf32, #tpu.memory_space<vmem>>, vector<16xf32>,
    %broadcast_in_dim3A_81 = arith.constant 0.000000e+00 : f32
    %broadcast_in_dim3A_82 = vector.broadcast %broadcast_in_dim3A_81 : f32 to vector<16xf32>
    %swap3A_83 = arith.constant 320 : index
    %swap3A_84 = tpu.vector_load %arg11[%swap3A_83] {strides = array<i32>} : memref<640xf32, #tpu.memory_space<vmem>>, vector<16xf32>,
    tpu.vector_store %arg11[%swap3A_83], %broadcast_in_dim3A_82 {strides = array<i32>} : memref<640xf32, #tpu.memory_space<vmem>>, vector<16xf32>,
    %broadcast_in_dim3A_85 = arith.constant 0.000000e+00 : f32
    %broadcast_in_dim3A_86 = vector.broadcast %broadcast_in_dim3A_85 : f32 to vector<16xf32>
    %swap3A_87 = arith.constant 336 : index
    %swap3A_88 = tpu.vector_load %arg11[%swap3A_87] {strides = array<i32>} : memref<640xf32, #tpu.memory_space<vmem>>, vector<16xf32>,
    tpu.vector_store %arg11[%swap3A_87], %broadcast_in_dim3A_86 {strides = array<i32>} : memref<640xf32, #tpu.memory_space<vmem>>, vector<16xf32>,
    %broadcast_in_dim3A_89 = arith.constant 0.000000e+00 : f32
    %broadcast_in_dim3A_90 = vector.broadcast %broadcast_in_dim3A_89 : f32 to vector<16xf32>
    %swap3A_91 = arith.constant 352 : index
    %swap3A_92 = tpu.vector_load %arg11[%swap3A_91] {strides = array<i32>} : memref<640xf32, #tpu.memory_space<vmem>>, vector<16xf32>,
    tpu.vector_store %arg11[%swap3A_91], %broadcast_in_dim3A_90 {strides = array<i32>} : memref<640xf32, #tpu.memory_space<vmem>>, vector<16xf32>,
    %broadcast_in_dim3A_93 = arith.constant 0.000000e+00 : f32
    %broadcast_in_dim3A_94 = vector.broadcast %broadcast_in_dim3A_93 : f32 to vector<16xf32>
    %swap3A_95 = arith.constant 368 : index
    %swap3A_96 = tpu.vector_load %arg11[%swap3A_95] {strides = array<i32>} : memref<640xf32, #tpu.memory_space<vmem>>, vector<16xf32>,
    tpu.vector_store %arg11[%swap3A_95], %broadcast_in_dim3A_94 {strides = array<i32>} : memref<640xf32, #tpu.memory_space<vmem>>, vector<16xf32>,
    %broadcast_in_dim3A_97 = arith.constant 0.000000e+00 : f32
    %broadcast_in_dim3A_98 = vector.broadcast %broadcast_in_dim3A_97 : f32 to vector<16xf32>
    %swap3A_99 = arith.constant 384 : index
    %swap3A_100 = tpu.vector_load %arg11[%swap3A_99] {strides = array<i32>} : memref<640xf32, #tpu.memory_space<vmem>>, vector<16xf32>,
    tpu.vector_store %arg11[%swap3A_99], %broadcast_in_dim3A_98 {strides = array<i32>} : memref<640xf32, #tpu.memory_space<vmem>>, vector<16xf32>,
    %broadcast_in_dim3A_101 = arith.constant 0.000000e+00 : f32
    %broadcast_in_dim3A_102 = vector.broadcast %broadcast_in_dim3A_101 : f32 to vector<16xf32>
    %swap3A_103 = arith.constant 400 : index
    %swap3A_104 = tpu.vector_load %arg11[%swap3A_103] {strides = array<i32>} : memref<640xf32, #tpu.memory_space<vmem>>, vector<16xf32>,
    tpu.vector_store %arg11[%swap3A_103], %broadcast_in_dim3A_102 {strides = array<i32>} : memref<640xf32, #tpu.memory_space<vmem>>, vector<16xf32>,
    %broadcast_in_dim3A_105 = arith.constant 0.000000e+00 : f32
    %broadcast_in_dim3A_106 = vector.broadcast %broadcast_in_dim3A_105 : f32 to vector<16xf32>
    %swap3A_107 = arith.constant 416 : index
    %swap3A_108 = tpu.vector_load %arg11[%swap3A_107] {strides = array<i32>} : memref<640xf32, #tpu.memory_space<vmem>>, vector<16xf32>,
    tpu.vector_store %arg11[%swap3A_107], %broadcast_in_dim3A_106 {strides = array<i32>} : memref<640xf32, #tpu.memory_space<vmem>>, vector<16xf32>,
    %broadcast_in_dim3A_109 = arith.constant 0.000000e+00 : f32
    %broadcast_in_dim3A_110 = vector.broadcast %broadcast_in_dim3A_109 : f32 to vector<16xf32>
    %swap3A_111 = arith.constant 432 : index
    %swap3A_112 = tpu.vector_load %arg11[%swap3A_111] {strides = array<i32>} : memref<640xf32, #tpu.memory_space<vmem>>, vector<16xf32>,
    tpu.vector_store %arg11[%swap3A_111], %broadcast_in_dim3A_110 {strides = array<i32>} : memref<640xf32, #tpu.memory_space<vmem>>, vector<16xf32>,
    %broadcast_in_dim3A_113 = arith.constant 0.000000e+00 : f32
    %broadcast_in_dim3A_114 = vector.broadcast %broadcast_in_dim3A_113 : f32 to vector<16xf32>
    %swap3A_115 = arith.constant 448 : index
    %swap3A_116 = tpu.vector_load %arg11[%swap3A_115] {strides = array<i32>} : memref<640xf32, #tpu.memory_space<vmem>>, vector<16xf32>,
    tpu.vector_store %arg11[%swap3A_115], %broadcast_in_dim3A_114 {strides = array<i32>} : memref<640xf32, #tpu.memory_space<vmem>>, vector<16xf32>,
    %broadcast_in_dim3A_117 = arith.constant 0.000000e+00 : f32
    %broadcast_in_dim3A_118 = vector.broadcast %broadcast_in_dim3A_117 : f32 to vector<16xf32>
    %swap3A_119 = arith.constant 464 : index
    %swap3A_120 = tpu.vector_load %arg11[%swap3A_119] {strides = array<i32>} : memref<640xf32, #tpu.memory_space<vmem>>, vector<16xf32>,
    tpu.vector_store %arg11[%swap3A_119], %broadcast_in_dim3A_118 {strides = array<i32>} : memref<640xf32, #tpu.memory_space<vmem>>, vector<16xf32>,
    %broadcast_in_dim3A_121 = arith.constant 0.000000e+00 : f32
    %broadcast_in_dim3A_122 = vector.broadcast %broadcast_in_dim3A_121 : f32 to vector<16xf32>
    %swap3A_123 = arith.constant 480 : index
    %swap3A_124 = tpu.vector_load %arg11[%swap3A_123] {strides = array<i32>} : memref<640xf32, #tpu.memory_space<vmem>>, vector<16xf32>,
    tpu.vector_store %arg11[%swap3A_123], %broadcast_in_dim3A_122 {strides = array<i32>} : memref<640xf32, #tpu.memory_space<vmem>>, vector<16xf32>,
    %broadcast_in_dim3A_125 = arith.constant 0.000000e+00 : f32
    %broadcast_in_dim3A_126 = vector.broadcast %broadcast_in_dim3A_125 : f32 to vector<16xf32>
    %swap3A_127 = arith.constant 496 : index
    %swap3A_128 = tpu.vector_load %arg11[%swap3A_127] {strides = array<i32>} : memref<640xf32, #tpu.memory_space<vmem>>, vector<16xf32>,
    tpu.vector_store %arg11[%swap3A_127], %broadcast_in_dim3A_126 {strides = array<i32>} : memref<640xf32, #tpu.memory_space<vmem>>, vector<16xf32>,
    %broadcast_in_dim3A_129 = arith.constant 0.000000e+00 : f32
    %broadcast_in_dim3A_130 = vector.broadcast %broadcast_in_dim3A_129 : f32 to vector<16xf32>
    %swap3A_131 = arith.constant 512 : index
    %swap3A_132 = tpu.vector_load %arg11[%swap3A_131] {strides = array<i32>} : memref<640xf32, #tpu.memory_space<vmem>>, vector<16xf32>,
    tpu.vector_store %arg11[%swap3A_131], %broadcast_in_dim3A_130 {strides = array<i32>} : memref<640xf32, #tpu.memory_space<vmem>>, vector<16xf32>,
    %broadcast_in_dim3A_133 = arith.constant 0.000000e+00 : f32
    %broadcast_in_dim3A_134 = vector.broadcast %broadcast_in_dim3A_133 : f32 to vector<16xf32>
    %swap3A_135 = arith.constant 528 : index
    %swap3A_136 = tpu.vector_load %arg11[%swap3A_135] {strides = array<i32>} : memref<640xf32, #tpu.memory_space<vmem>>, vector<16xf32>,
    tpu.vector_store %arg11[%swap3A_135], %broadcast_in_dim3A_134 {strides = array<i32>} : memref<640xf32, #tpu.memory_space<vmem>>, vector<16xf32>,
    %broadcast_in_dim3A_137 = arith.constant 0.000000e+00 : f32
    %broadcast_in_dim3A_138 = vector.broadcast %broadcast_in_dim3A_137 : f32 to vector<16xf32>
    %swap3A_139 = arith.constant 544 : index
    %swap3A_140 = tpu.vector_load %arg11[%swap3A_139] {strides = array<i32>} : memref<640xf32, #tpu.memory_space<vmem>>, vector<16xf32>,
    tpu.vector_store %arg11[%swap3A_139], %broadcast_in_dim3A_138 {strides = array<i32>} : memref<640xf32, #tpu.memory_space<vmem>>, vector<16xf32>,
    %broadcast_in_dim3A_141 = arith.constant 0.000000e+00 : f32
    %broadcast_in_dim3A_142 = vector.broadcast %broadcast_in_dim3A_141 : f32 to vector<16xf32>
    %swap3A_143 = arith.constant 560 : index
    %swap3A_144 = tpu.vector_load %arg11[%swap3A_143] {strides = array<i32>} : memref<640xf32, #tpu.memory_space<vmem>>, vector<16xf32>,
    tpu.vector_store %arg11[%swap3A_143], %broadcast_in_dim3A_142 {strides = array<i32>} : memref<640xf32, #tpu.memory_space<vmem>>, vector<16xf32>,
    %broadcast_in_dim3A_145 = arith.constant 0.000000e+00 : f32
    %broadcast_in_dim3A_146 = vector.broadcast %broadcast_in_dim3A_145 : f32 to vector<16xf32>
    %swap3A_147 = arith.constant 576 : index
    %swap3A_148 = tpu.vector_load %arg11[%swap3A_147] {strides = array<i32>} : memref<640xf32, #tpu.memory_space<vmem>>, vector<16xf32>,
    tpu.vector_store %arg11[%swap3A_147], %broadcast_in_dim3A_146 {strides = array<i32>} : memref<640xf32, #tpu.memory_space<vmem>>, vector<16xf32>,
    %broadcast_in_dim3A_149 = arith.constant 0.000000e+00 : f32
    %broadcast_in_dim3A_150 = vector.broadcast %broadcast_in_dim3A_149 : f32 to vector<16xf32>
    %swap3A_151 = arith.constant 592 : index
    %swap3A_152 = tpu.vector_load %arg11[%swap3A_151] {strides = array<i32>} : memref<640xf32, #tpu.memory_space<vmem>>, vector<16xf32>,
    tpu.vector_store %arg11[%swap3A_151], %broadcast_in_dim3A_150 {strides = array<i32>} : memref<640xf32, #tpu.memory_space<vmem>>, vector<16xf32>,
    %broadcast_in_dim3A_153 = arith.constant 0.000000e+00 : f32
    %broadcast_in_dim3A_154 = vector.broadcast %broadcast_in_dim3A_153 : f32 to vector<16xf32>
    %swap3A_155 = arith.constant 608 : index
    %swap3A_156 = tpu.vector_load %arg11[%swap3A_155] {strides = array<i32>} : memref<640xf32, #tpu.memory_space<vmem>>, vector<16xf32>,
    tpu.vector_store %arg11[%swap3A_155], %broadcast_in_dim3A_154 {strides = array<i32>} : memref<640xf32, #tpu.memory_space<vmem>>, vector<16xf32>,
    %broadcast_in_dim3A_157 = arith.constant 0.000000e+00 : f32
    %broadcast_in_dim3A_158 = vector.broadcast %broadcast_in_dim3A_157 : f32 to vector<16xf32>
    %swap3A_159 = arith.constant 624 : index
    %swap3A_160 = tpu.vector_load %arg11[%swap3A_159] {strides = array<i32>} : memref<640xf32, #tpu.memory_space<vmem>>, vector<16xf32>,
    tpu.vector_store %arg11[%swap3A_159], %broadcast_in_dim3A_158 {strides = array<i32>} : memref<640xf32, #tpu.memory_space<vmem>>, vector<16xf32>,
    "tpu.region"() ({
      %run_scoped3A = tpu.sem_alloc : memref<!tpu.dma_semaphore, #tpu.memory_space<semaphore_mem>>
      %dma_start3A_301 = tpu.memref_slice %arg12[%mul3A_2] : memref<10240xf32, #tpu.memory_space<vmem_shared>> -> memref<640xf32, #tpu.memory_space<vmem_shared>>
      %dma_start3A_302 = tpu.memref_slice %arg12[%mul3A_2] : memref<10240xf32, #tpu.memory_space<vmem_shared>> -> memref<640xf32, #tpu.memory_space<vmem_shared>>
      tpu.enqueue_dma source(%arg11 : memref<640xf32, #tpu.memory_space<vmem>>) target(%dma_start3A_302 : memref<640xf32, #tpu.memory_space<vmem_shared>>) target_semaphore(%run_scoped3A : memref<!tpu.dma_semaphore, #tpu.memory_space<semaphore_mem>>)
      %dma_wait3A_303 = tpu.memref_slice %arg12[%mul3A_2] : memref<10240xf32, #tpu.memory_space<vmem_shared>> -> memref<640xf32, #tpu.memory_space<vmem_shared>>
      %dma_wait3A_304 = tpu.memref_slice %arg12[%mul3A_2] : memref<10240xf32, #tpu.memory_space<vmem_shared>> -> memref<640xf32, #tpu.memory_space<vmem_shared>>
      tpu.wait_dma2 semaphore(%run_scoped3A : memref<!tpu.dma_semaphore, #tpu.memory_space<semaphore_mem>>) src(%arg11 : memref<640xf32, #tpu.memory_space<vmem>>) dst(%dma_wait3A_304 : memref<640xf32, #tpu.memory_space<vmem_shared>>)
      tpu.yield
    }) : () -> ()
    "tpu.region"() ({
      %run_scoped3A = tpu.sem_alloc : memref<!tpu.dma_semaphore, #tpu.memory_space<semaphore_mem>>
      %dma_start3A_301 = arith.constant 0 : i32
      %dma_start3A_302 = arith.constant 0 : i32
      %dma_start3A_303 = tpu.memref_slice %arg2[%add3A, %dma_start3A_301, %dma_start3A_302] : memref<32x80x128xi32, #tpu.memory_space<hbm>> -> memref<1x80x128xi32, #tpu.memory_space<hbm>>
      %dma_start3A_304 = tpu.memref_squeeze %dma_start3A_303 : memref<1x80x128xi32, #tpu.memory_space<hbm>> -> memref<80x128xi32, #tpu.memory_space<hbm>>
      %dma_start3A_305 = arith.constant 0 : i32
      %dma_start3A_306 = arith.constant 0 : i32
      %dma_start3A_307 = tpu.memref_slice %arg2[%add3A, %dma_start3A_305, %dma_start3A_306] : memref<32x80x128xi32, #tpu.memory_space<hbm>> -> memref<1x80x128xi32, #tpu.memory_space<hbm>>
      %dma_start3A_308 = tpu.memref_squeeze %dma_start3A_307 : memref<1x80x128xi32, #tpu.memory_space<hbm>> -> memref<80x128xi32, #tpu.memory_space<hbm>>
      tpu.enqueue_dma source(%dma_start3A_308 : memref<80x128xi32, #tpu.memory_space<hbm>>) target(%arg6 : memref<80x128xi32, #tpu.memory_space<vmem>>) target_semaphore(%run_scoped3A : memref<!tpu.dma_semaphore, #tpu.memory_space<semaphore_mem>>)
      %dma_wait3A_309 = arith.constant 0 : i32
      %dma_wait3A_310 = arith.constant 0 : i32
      %dma_wait3A_311 = tpu.memref_slice %arg2[%add3A, %dma_wait3A_309, %dma_wait3A_310] : memref<32x80x128xi32, #tpu.memory_space<hbm>> -> memref<1x80x128xi32, #tpu.memory_space<hbm>>
      %dma_wait3A_312 = tpu.memref_squeeze %dma_wait3A_311 : memref<1x80x128xi32, #tpu.memory_space<hbm>> -> memref<80x128xi32, #tpu.memory_space<hbm>>
      %dma_wait3A_313 = arith.constant 0 : i32
      %dma_wait3A_314 = arith.constant 0 : i32
      %dma_wait3A_315 = tpu.memref_slice %arg2[%add3A, %dma_wait3A_313, %dma_wait3A_314] : memref<32x80x128xi32, #tpu.memory_space<hbm>> -> memref<1x80x128xi32, #tpu.memory_space<hbm>>
      %dma_wait3A_316 = tpu.memref_squeeze %dma_wait3A_315 : memref<1x80x128xi32, #tpu.memory_space<hbm>> -> memref<80x128xi32, #tpu.memory_space<hbm>>
      tpu.wait_dma2 semaphore(%run_scoped3A : memref<!tpu.dma_semaphore, #tpu.memory_space<semaphore_mem>>) src(%dma_wait3A_316 : memref<80x128xi32, #tpu.memory_space<hbm>>) dst(%arg6 : memref<80x128xi32, #tpu.memory_space<vmem>>)
      tpu.yield
    }) : () -> ()
    "tpu.region"() ({
      %run_scoped3A = tpu.sem_alloc : memref<!tpu.dma_semaphore, #tpu.memory_space<semaphore_mem>>
      %dma_start3A_301 = arith.constant 0 : i32
      %dma_start3A_302 = arith.constant 0 : i32
      %dma_start3A_303 = tpu.memref_slice %arg3[%add3A, %dma_start3A_301, %dma_start3A_302] : memref<32x80x128xi32, #tpu.memory_space<hbm>> -> memref<1x80x128xi32, #tpu.memory_space<hbm>>
      %dma_start3A_304 = tpu.memref_squeeze %dma_start3A_303 : memref<1x80x128xi32, #tpu.memory_space<hbm>> -> memref<80x128xi32, #tpu.memory_space<hbm>>
      %dma_start3A_305 = arith.constant 0 : i32
      %dma_start3A_306 = arith.constant 0 : i32
      %dma_start3A_307 = tpu.memref_slice %arg3[%add3A, %dma_start3A_305, %dma_start3A_306] : memref<32x80x128xi32, #tpu.memory_space<hbm>> -> memref<1x80x128xi32, #tpu.memory_space<hbm>>
      %dma_start3A_308 = tpu.memref_squeeze %dma_start3A_307 : memref<1x80x128xi32, #tpu.memory_space<hbm>> -> memref<80x128xi32, #tpu.memory_space<hbm>>
      tpu.enqueue_dma source(%dma_start3A_308 : memref<80x128xi32, #tpu.memory_space<hbm>>) target(%arg7 : memref<80x128xi32, #tpu.memory_space<vmem>>) target_semaphore(%run_scoped3A : memref<!tpu.dma_semaphore, #tpu.memory_space<semaphore_mem>>)
      %dma_wait3A_309 = arith.constant 0 : i32
      %dma_wait3A_310 = arith.constant 0 : i32
      %dma_wait3A_311 = tpu.memref_slice %arg3[%add3A, %dma_wait3A_309, %dma_wait3A_310] : memref<32x80x128xi32, #tpu.memory_space<hbm>> -> memref<1x80x128xi32, #tpu.memory_space<hbm>>
      %dma_wait3A_312 = tpu.memref_squeeze %dma_wait3A_311 : memref<1x80x128xi32, #tpu.memory_space<hbm>> -> memref<80x128xi32, #tpu.memory_space<hbm>>
      %dma_wait3A_313 = arith.constant 0 : i32
      %dma_wait3A_314 = arith.constant 0 : i32
      %dma_wait3A_315 = tpu.memref_slice %arg3[%add3A, %dma_wait3A_313, %dma_wait3A_314] : memref<32x80x128xi32, #tpu.memory_space<hbm>> -> memref<1x80x128xi32, #tpu.memory_space<hbm>>
      %dma_wait3A_316 = tpu.memref_squeeze %dma_wait3A_315 : memref<1x80x128xi32, #tpu.memory_space<hbm>> -> memref<80x128xi32, #tpu.memory_space<hbm>>
      tpu.wait_dma2 semaphore(%run_scoped3A : memref<!tpu.dma_semaphore, #tpu.memory_space<semaphore_mem>>) src(%dma_wait3A_316 : memref<80x128xi32, #tpu.memory_space<hbm>>) dst(%arg7 : memref<80x128xi32, #tpu.memory_space<vmem>>)
      tpu.yield
    }) : () -> ()
    "tpu.region"() ({
      %run_scoped3A = tpu.sem_alloc : memref<!tpu.dma_semaphore, #tpu.memory_space<semaphore_mem>>
      tpu.enqueue_dma source(%arg4 : memref<10240xf32, #tpu.memory_space<hbm>>) target(%arg8 : memref<10240xf32, #tpu.memory_space<vmem>>) target_semaphore(%run_scoped3A : memref<!tpu.dma_semaphore, #tpu.memory_space<semaphore_mem>>)
      tpu.wait_dma2 semaphore(%run_scoped3A : memref<!tpu.dma_semaphore, #tpu.memory_space<semaphore_mem>>) src(%arg4 : memref<10240xf32, #tpu.memory_space<hbm>>) dst(%arg8 : memref<10240xf32, #tpu.memory_space<vmem>>)
      tpu.yield
    }) : () -> ()
    %barrier3A = arith.constant 0 : index
    tpu.barrier barrier_id(%barrier3A)
    %get3A = arith.constant 0 : i32
    %get3A_161 = arith.index_cast %get3A : i32 to index
    %get3A_162 = arith.constant 0 : index
    %get3A_163 = tpu.vector_load %arg6[%get3A_161, %get3A_162] {strides = array<i32>} : memref<80x128xi32, #tpu.memory_space<vmem>>, vector<16xi32>,
    %gather3A = tpu.vector_load_idx %arg8[%get3A_163] : memref<10240xf32, #tpu.memory_space<vmem>>[vector<16xi32>], vector<16xf32>,
    %swap3A_164 = arith.constant 0 : index
    %swap3A_165 = tpu.vector_load %arg9[%swap3A_164] {strides = array<i32>} : memref<128xf32, #tpu.memory_space<vmem>>, vector<16xf32>,
    tpu.vector_store %arg9[%swap3A_164], %gather3A {strides = array<i32>} : memref<128xf32, #tpu.memory_space<vmem>>, vector<16xf32>,
    %get3A_166 = arith.constant 0 : i32
    %get3A_167 = arith.index_cast %get3A_166 : i32 to index
    %get3A_168 = arith.constant 16 : index
    %get3A_169 = tpu.vector_load %arg6[%get3A_167, %get3A_168] {strides = array<i32>} : memref<80x128xi32, #tpu.memory_space<vmem>>, vector<16xi32>,
    %gather3A_170 = tpu.vector_load_idx %arg8[%get3A_169] : memref<10240xf32, #tpu.memory_space<vmem>>[vector<16xi32>], vector<16xf32>,
    %swap3A_171 = arith.constant 16 : index
    %swap3A_172 = tpu.vector_load %arg9[%swap3A_171] {strides = array<i32>} : memref<128xf32, #tpu.memory_space<vmem>>, vector<16xf32>,
    tpu.vector_store %arg9[%swap3A_171], %gather3A_170 {strides = array<i32>} : memref<128xf32, #tpu.memory_space<vmem>>, vector<16xf32>,
    %get3A_173 = arith.constant 0 : i32
    %get3A_174 = arith.index_cast %get3A_173 : i32 to index
    %get3A_175 = arith.constant 32 : index
    %get3A_176 = tpu.vector_load %arg6[%get3A_174, %get3A_175] {strides = array<i32>} : memref<80x128xi32, #tpu.memory_space<vmem>>, vector<16xi32>,
    %gather3A_177 = tpu.vector_load_idx %arg8[%get3A_176] : memref<10240xf32, #tpu.memory_space<vmem>>[vector<16xi32>], vector<16xf32>,
    %swap3A_178 = arith.constant 32 : index
    %swap3A_179 = tpu.vector_load %arg9[%swap3A_178] {strides = array<i32>} : memref<128xf32, #tpu.memory_space<vmem>>, vector<16xf32>,
    tpu.vector_store %arg9[%swap3A_178], %gather3A_177 {strides = array<i32>} : memref<128xf32, #tpu.memory_space<vmem>>, vector<16xf32>,
    %get3A_180 = arith.constant 0 : i32
    %get3A_181 = arith.index_cast %get3A_180 : i32 to index
    %get3A_182 = arith.constant 48 : index
    %get3A_183 = tpu.vector_load %arg6[%get3A_181, %get3A_182] {strides = array<i32>} : memref<80x128xi32, #tpu.memory_space<vmem>>, vector<16xi32>,
    %gather3A_184 = tpu.vector_load_idx %arg8[%get3A_183] : memref<10240xf32, #tpu.memory_space<vmem>>[vector<16xi32>], vector<16xf32>,
    %swap3A_185 = arith.constant 48 : index
    %swap3A_186 = tpu.vector_load %arg9[%swap3A_185] {strides = array<i32>} : memref<128xf32, #tpu.memory_space<vmem>>, vector<16xf32>,
    tpu.vector_store %arg9[%swap3A_185], %gather3A_184 {strides = array<i32>} : memref<128xf32, #tpu.memory_space<vmem>>, vector<16xf32>,
    %get3A_187 = arith.constant 0 : i32
    %get3A_188 = arith.index_cast %get3A_187 : i32 to index
    %get3A_189 = arith.constant 64 : index
    %get3A_190 = tpu.vector_load %arg6[%get3A_188, %get3A_189] {strides = array<i32>} : memref<80x128xi32, #tpu.memory_space<vmem>>, vector<16xi32>,
    %gather3A_191 = tpu.vector_load_idx %arg8[%get3A_190] : memref<10240xf32, #tpu.memory_space<vmem>>[vector<16xi32>], vector<16xf32>,
    %swap3A_192 = arith.constant 64 : index
    %swap3A_193 = tpu.vector_load %arg9[%swap3A_192] {strides = array<i32>} : memref<128xf32, #tpu.memory_space<vmem>>, vector<16xf32>,
    tpu.vector_store %arg9[%swap3A_192], %gather3A_191 {strides = array<i32>} : memref<128xf32, #tpu.memory_space<vmem>>, vector<16xf32>,
    %get3A_194 = arith.constant 0 : i32
    %get3A_195 = arith.index_cast %get3A_194 : i32 to index
    %get3A_196 = arith.constant 80 : index
    %get3A_197 = tpu.vector_load %arg6[%get3A_195, %get3A_196] {strides = array<i32>} : memref<80x128xi32, #tpu.memory_space<vmem>>, vector<16xi32>,
    %gather3A_198 = tpu.vector_load_idx %arg8[%get3A_197] : memref<10240xf32, #tpu.memory_space<vmem>>[vector<16xi32>], vector<16xf32>,
    %swap3A_199 = arith.constant 80 : index
    %swap3A_200 = tpu.vector_load %arg9[%swap3A_199] {strides = array<i32>} : memref<128xf32, #tpu.memory_space<vmem>>, vector<16xf32>,
    tpu.vector_store %arg9[%swap3A_199], %gather3A_198 {strides = array<i32>} : memref<128xf32, #tpu.memory_space<vmem>>, vector<16xf32>,
    %get3A_201 = arith.constant 0 : i32
    %get3A_202 = arith.index_cast %get3A_201 : i32 to index
    %get3A_203 = arith.constant 96 : index
    %get3A_204 = tpu.vector_load %arg6[%get3A_202, %get3A_203] {strides = array<i32>} : memref<80x128xi32, #tpu.memory_space<vmem>>, vector<16xi32>,
    %gather3A_205 = tpu.vector_load_idx %arg8[%get3A_204] : memref<10240xf32, #tpu.memory_space<vmem>>[vector<16xi32>], vector<16xf32>,
    %swap3A_206 = arith.constant 96 : index
    %swap3A_207 = tpu.vector_load %arg9[%swap3A_206] {strides = array<i32>} : memref<128xf32, #tpu.memory_space<vmem>>, vector<16xf32>,
    tpu.vector_store %arg9[%swap3A_206], %gather3A_205 {strides = array<i32>} : memref<128xf32, #tpu.memory_space<vmem>>, vector<16xf32>,
    %get3A_208 = arith.constant 0 : i32
    %get3A_209 = arith.index_cast %get3A_208 : i32 to index
    %get3A_210 = arith.constant 112 : index
    %get3A_211 = tpu.vector_load %arg6[%get3A_209, %get3A_210] {strides = array<i32>} : memref<80x128xi32, #tpu.memory_space<vmem>>, vector<16xi32>,
    %gather3A_212 = tpu.vector_load_idx %arg8[%get3A_211] : memref<10240xf32, #tpu.memory_space<vmem>>[vector<16xi32>], vector<16xf32>,
    %swap3A_213 = arith.constant 112 : index
    %swap3A_214 = tpu.vector_load %arg9[%swap3A_213] {strides = array<i32>} : memref<128xf32, #tpu.memory_space<vmem>>, vector<16xf32>,
    tpu.vector_store %arg9[%swap3A_213], %gather3A_212 {strides = array<i32>} : memref<128xf32, #tpu.memory_space<vmem>>, vector<16xf32>,
    %dma_start3A = arith.constant 0 : i32
    %dma_start3A_215 = arith.constant 0 : i32
    %dma_start3A_216 = tpu.memref_slice %arg7[%dma_start3A, %dma_start3A_215] : memref<80x128xi32, #tpu.memory_space<vmem>> -> memref<1x128xi32, #tpu.memory_space<vmem>>
    %dma_start3A_217 = tpu.memref_squeeze %dma_start3A_216 : memref<1x128xi32, #tpu.memory_space<vmem>> -> memref<128xi32, #tpu.memory_space<vmem>>
    %dma_start3A_218 = arith.constant 0 : i32
    %dma_start3A_219 = tpu.memref_slice %arg12[%dma_start3A_218] : memref<10240xf32, #tpu.memory_space<vmem_shared>> -> memref<10240xf32, #tpu.memory_space<vmem_shared>>
    tpu.enqueue_indirect_dma source(%arg9 : memref<128xf32, #tpu.memory_space<vmem>>) target(%dma_start3A_219 : memref<10240xf32, #tpu.memory_space<vmem_shared>>) offsets(%dma_start3A_217 : memref<128xi32, #tpu.memory_space<vmem>>) semaphore(%arg13 : memref<!tpu.dma_semaphore, #tpu.memory_space<semaphore_mem>>) {add = true}
    %get3A_220 = arith.constant 1 : i32
    %get3A_221 = arith.index_cast %get3A_220 : i32 to index
    %get3A_222 = arith.constant 0 : index
    %get3A_223 = tpu.vector_load %arg6[%get3A_221, %get3A_222] {strides = array<i32>} : memref<80x128xi32, #tpu.memory_space<vmem>>, vector<16xi32>,
    %gather3A_224 = tpu.vector_load_idx %arg8[%get3A_223] : memref<10240xf32, #tpu.memory_space<vmem>>[vector<16xi32>], vector<16xf32>,
    %swap3A_225 = arith.constant 0 : index
    %swap3A_226 = tpu.vector_load %arg10[%swap3A_225] {strides = array<i32>} : memref<128xf32, #tpu.memory_space<vmem>>, vector<16xf32>,
    tpu.vector_store %arg10[%swap3A_225], %gather3A_224 {strides = array<i32>} : memref<128xf32, #tpu.memory_space<vmem>>, vector<16xf32>,
    %get3A_227 = arith.constant 1 : i32
    %get3A_228 = arith.index_cast %get3A_227 : i32 to index
    %get3A_229 = arith.constant 16 : index
    %get3A_230 = tpu.vector_load %arg6[%get3A_228, %get3A_229] {strides = array<i32>} : memref<80x128xi32, #tpu.memory_space<vmem>>, vector<16xi32>,
    %gather3A_231 = tpu.vector_load_idx %arg8[%get3A_230] : memref<10240xf32, #tpu.memory_space<vmem>>[vector<16xi32>], vector<16xf32>,
    %swap3A_232 = arith.constant 16 : index
    %swap3A_233 = tpu.vector_load %arg10[%swap3A_232] {strides = array<i32>} : memref<128xf32, #tpu.memory_space<vmem>>, vector<16xf32>,
    tpu.vector_store %arg10[%swap3A_232], %gather3A_231 {strides = array<i32>} : memref<128xf32, #tpu.memory_space<vmem>>, vector<16xf32>,
    %get3A_234 = arith.constant 1 : i32
    %get3A_235 = arith.index_cast %get3A_234 : i32 to index
    %get3A_236 = arith.constant 32 : index
    %get3A_237 = tpu.vector_load %arg6[%get3A_235, %get3A_236] {strides = array<i32>} : memref<80x128xi32, #tpu.memory_space<vmem>>, vector<16xi32>,
    %gather3A_238 = tpu.vector_load_idx %arg8[%get3A_237] : memref<10240xf32, #tpu.memory_space<vmem>>[vector<16xi32>], vector<16xf32>,
    %swap3A_239 = arith.constant 32 : index
    %swap3A_240 = tpu.vector_load %arg10[%swap3A_239] {strides = array<i32>} : memref<128xf32, #tpu.memory_space<vmem>>, vector<16xf32>,
    tpu.vector_store %arg10[%swap3A_239], %gather3A_238 {strides = array<i32>} : memref<128xf32, #tpu.memory_space<vmem>>, vector<16xf32>,
    %get3A_241 = arith.constant 1 : i32
    %get3A_242 = arith.index_cast %get3A_241 : i32 to index
    %get3A_243 = arith.constant 48 : index
    %get3A_244 = tpu.vector_load %arg6[%get3A_242, %get3A_243] {strides = array<i32>} : memref<80x128xi32, #tpu.memory_space<vmem>>, vector<16xi32>,
    %gather3A_245 = tpu.vector_load_idx %arg8[%get3A_244] : memref<10240xf32, #tpu.memory_space<vmem>>[vector<16xi32>], vector<16xf32>,
    %swap3A_246 = arith.constant 48 : index
    %swap3A_247 = tpu.vector_load %arg10[%swap3A_246] {strides = array<i32>} : memref<128xf32, #tpu.memory_space<vmem>>, vector<16xf32>,
    tpu.vector_store %arg10[%swap3A_246], %gather3A_245 {strides = array<i32>} : memref<128xf32, #tpu.memory_space<vmem>>, vector<16xf32>,
    %get3A_248 = arith.constant 1 : i32
    %get3A_249 = arith.index_cast %get3A_248 : i32 to index
    %get3A_250 = arith.constant 64 : index
    %get3A_251 = tpu.vector_load %arg6[%get3A_249, %get3A_250] {strides = array<i32>} : memref<80x128xi32, #tpu.memory_space<vmem>>, vector<16xi32>,
    %gather3A_252 = tpu.vector_load_idx %arg8[%get3A_251] : memref<10240xf32, #tpu.memory_space<vmem>>[vector<16xi32>], vector<16xf32>,
    %swap3A_253 = arith.constant 64 : index
    %swap3A_254 = tpu.vector_load %arg10[%swap3A_253] {strides = array<i32>} : memref<128xf32, #tpu.memory_space<vmem>>, vector<16xf32>,
    tpu.vector_store %arg10[%swap3A_253], %gather3A_252 {strides = array<i32>} : memref<128xf32, #tpu.memory_space<vmem>>, vector<16xf32>,
    %get3A_255 = arith.constant 1 : i32
    %get3A_256 = arith.index_cast %get3A_255 : i32 to index
    %get3A_257 = arith.constant 80 : index
    %get3A_258 = tpu.vector_load %arg6[%get3A_256, %get3A_257] {strides = array<i32>} : memref<80x128xi32, #tpu.memory_space<vmem>>, vector<16xi32>,
    %gather3A_259 = tpu.vector_load_idx %arg8[%get3A_258] : memref<10240xf32, #tpu.memory_space<vmem>>[vector<16xi32>], vector<16xf32>,
    %swap3A_260 = arith.constant 80 : index
    %swap3A_261 = tpu.vector_load %arg10[%swap3A_260] {strides = array<i32>} : memref<128xf32, #tpu.memory_space<vmem>>, vector<16xf32>,
    tpu.vector_store %arg10[%swap3A_260], %gather3A_259 {strides = array<i32>} : memref<128xf32, #tpu.memory_space<vmem>>, vector<16xf32>,
    %get3A_262 = arith.constant 1 : i32
    %get3A_263 = arith.index_cast %get3A_262 : i32 to index
    %get3A_264 = arith.constant 96 : index
    %get3A_265 = tpu.vector_load %arg6[%get3A_263, %get3A_264] {strides = array<i32>} : memref<80x128xi32, #tpu.memory_space<vmem>>, vector<16xi32>,
    %gather3A_266 = tpu.vector_load_idx %arg8[%get3A_265] : memref<10240xf32, #tpu.memory_space<vmem>>[vector<16xi32>], vector<16xf32>,
    %swap3A_267 = arith.constant 96 : index
    %swap3A_268 = tpu.vector_load %arg10[%swap3A_267] {strides = array<i32>} : memref<128xf32, #tpu.memory_space<vmem>>, vector<16xf32>,
    tpu.vector_store %arg10[%swap3A_267], %gather3A_266 {strides = array<i32>} : memref<128xf32, #tpu.memory_space<vmem>>, vector<16xf32>,
    %get3A_269 = arith.constant 1 : i32
    %get3A_270 = arith.index_cast %get3A_269 : i32 to index
    %get3A_271 = arith.constant 112 : index
    %get3A_272 = tpu.vector_load %arg6[%get3A_270, %get3A_271] {strides = array<i32>} : memref<80x128xi32, #tpu.memory_space<vmem>>, vector<16xi32>,
    %gather3A_273 = tpu.vector_load_idx %arg8[%get3A_272] : memref<10240xf32, #tpu.memory_space<vmem>>[vector<16xi32>], vector<16xf32>,
    %swap3A_274 = arith.constant 112 : index
    %swap3A_275 = tpu.vector_load %arg10[%swap3A_274] {strides = array<i32>} : memref<128xf32, #tpu.memory_space<vmem>>, vector<16xf32>,
    tpu.vector_store %arg10[%swap3A_274], %gather3A_273 {strides = array<i32>} : memref<128xf32, #tpu.memory_space<vmem>>, vector<16xf32>,
    %dma_start3A_276 = arith.constant 1 : i32
    %dma_start3A_277 = arith.constant 0 : i32
    %dma_start3A_278 = tpu.memref_slice %arg7[%dma_start3A_276, %dma_start3A_277] : memref<80x128xi32, #tpu.memory_space<vmem>> -> memref<1x128xi32, #tpu.memory_space<vmem>>
    %dma_start3A_279 = tpu.memref_squeeze %dma_start3A_278 : memref<1x128xi32, #tpu.memory_space<vmem>> -> memref<128xi32, #tpu.memory_space<vmem>>
    %dma_start3A_280 = arith.constant 0 : i32
    %dma_start3A_281 = tpu.memref_slice %arg12[%dma_start3A_280] : memref<10240xf32, #tpu.memory_space<vmem_shared>> -> memref<10240xf32, #tpu.memory_space<vmem_shared>>
    tpu.enqueue_indirect_dma source(%arg10 : memref<128xf32, #tpu.memory_space<vmem>>) target(%dma_start3A_281 : memref<10240xf32, #tpu.memory_space<vmem_shared>>) offsets(%dma_start3A_279 : memref<128xi32, #tpu.memory_space<vmem>>) semaphore(%arg14 : memref<!tpu.dma_semaphore, #tpu.memory_space<semaphore_mem>>) {add = true}
    %scan3A = arith.constant 0 : i32
    %scan3A_282 = arith.constant 39 : i32
    %scan3A_283 = arith.addi %scan3A, %scan3A_282 : i32
    %scan3A_284 = arith.constant 1 : i32
    scf.for %scan3A_301 = %scan3A to %scan3A_283 step %scan3A_284  : i32 {
      %mul3A_302 = arith.constant 1 : i32
      %mul3A_303 = arith.muli %scan3A_301, %mul3A_302 : i32
      %add3A_304 = arith.constant 1 : i32
      %add3A_305 = arith.addi %add3A_304, %mul3A_303 : i32
      %mul3A_306 = arith.constant 2 : i32
      %mul3A_307 = arith.muli %mul3A_306, %add3A_305 : i32
      %dma_wait3A_308 = arith.constant 0 : i32
      %dma_wait3A_309 = arith.constant 0 : i32
      %dma_wait3A_310 = tpu.memref_slice %arg7[%dma_wait3A_308, %dma_wait3A_309] : memref<80x128xi32, #tpu.memory_space<vmem>> -> memref<1x128xi32, #tpu.memory_space<vmem>>
      %dma_wait3A_311 = tpu.memref_squeeze %dma_wait3A_310 : memref<1x128xi32, #tpu.memory_space<vmem>> -> memref<128xi32, #tpu.memory_space<vmem>>
      %dma_wait3A_312 = arith.constant 0 : i32
      %dma_wait3A_313 = tpu.memref_slice %arg12[%dma_wait3A_312] : memref<10240xf32, #tpu.memory_space<vmem_shared>> -> memref<10240xf32, #tpu.memory_space<vmem_shared>>
      tpu.wait_indirect_dma semaphore(%arg13 : memref<!tpu.dma_semaphore, #tpu.memory_space<semaphore_mem>>) src(%arg9 : memref<128xf32, #tpu.memory_space<vmem>>) dst(%dma_wait3A_313 : memref<10240xf32, #tpu.memory_space<vmem_shared>>)
      %get3A_314 = arith.index_cast %mul3A_307 : i32 to index
      %get3A_315 = arith.constant 0 : index
      %get3A_316 = tpu.vector_load %arg6[%get3A_314, %get3A_315] {strides = array<i32>} : memref<80x128xi32, #tpu.memory_space<vmem>>, vector<16xi32>,
      %gather3A_317 = tpu.vector_load_idx %arg8[%get3A_316] : memref<10240xf32, #tpu.memory_space<vmem>>[vector<16xi32>], vector<16xf32>,
      %swap3A_318 = arith.constant 0 : index
      %swap3A_319 = tpu.vector_load %arg9[%swap3A_318] {strides = array<i32>} : memref<128xf32, #tpu.memory_space<vmem>>, vector<16xf32>,
      tpu.vector_store %arg9[%swap3A_318], %gather3A_317 {strides = array<i32>} : memref<128xf32, #tpu.memory_space<vmem>>, vector<16xf32>,
      %get3A_320 = arith.index_cast %mul3A_307 : i32 to index
      %get3A_321 = arith.constant 16 : index
      %get3A_322 = tpu.vector_load %arg6[%get3A_320, %get3A_321] {strides = array<i32>} : memref<80x128xi32, #tpu.memory_space<vmem>>, vector<16xi32>,
      %gather3A_323 = tpu.vector_load_idx %arg8[%get3A_322] : memref<10240xf32, #tpu.memory_space<vmem>>[vector<16xi32>], vector<16xf32>,
      %swap3A_324 = arith.constant 16 : index
      %swap3A_325 = tpu.vector_load %arg9[%swap3A_324] {strides = array<i32>} : memref<128xf32, #tpu.memory_space<vmem>>, vector<16xf32>,
      tpu.vector_store %arg9[%swap3A_324], %gather3A_323 {strides = array<i32>} : memref<128xf32, #tpu.memory_space<vmem>>, vector<16xf32>,
      %get3A_326 = arith.index_cast %mul3A_307 : i32 to index
      %get3A_327 = arith.constant 32 : index
      %get3A_328 = tpu.vector_load %arg6[%get3A_326, %get3A_327] {strides = array<i32>} : memref<80x128xi32, #tpu.memory_space<vmem>>, vector<16xi32>,
      %gather3A_329 = tpu.vector_load_idx %arg8[%get3A_328] : memref<10240xf32, #tpu.memory_space<vmem>>[vector<16xi32>], vector<16xf32>,
      %swap3A_330 = arith.constant 32 : index
      %swap3A_331 = tpu.vector_load %arg9[%swap3A_330] {strides = array<i32>} : memref<128xf32, #tpu.memory_space<vmem>>, vector<16xf32>,
      tpu.vector_store %arg9[%swap3A_330], %gather3A_329 {strides = array<i32>} : memref<128xf32, #tpu.memory_space<vmem>>, vector<16xf32>,
      %get3A_332 = arith.index_cast %mul3A_307 : i32 to index
      %get3A_333 = arith.constant 48 : index
      %get3A_334 = tpu.vector_load %arg6[%get3A_332, %get3A_333] {strides = array<i32>} : memref<80x128xi32, #tpu.memory_space<vmem>>, vector<16xi32>,
      %gather3A_335 = tpu.vector_load_idx %arg8[%get3A_334] : memref<10240xf32, #tpu.memory_space<vmem>>[vector<16xi32>], vector<16xf32>,
      %swap3A_336 = arith.constant 48 : index
      %swap3A_337 = tpu.vector_load %arg9[%swap3A_336] {strides = array<i32>} : memref<128xf32, #tpu.memory_space<vmem>>, vector<16xf32>,
      tpu.vector_store %arg9[%swap3A_336], %gather3A_335 {strides = array<i32>} : memref<128xf32, #tpu.memory_space<vmem>>, vector<16xf32>,
      %get3A_338 = arith.index_cast %mul3A_307 : i32 to index
      %get3A_339 = arith.constant 64 : index
      %get3A_340 = tpu.vector_load %arg6[%get3A_338, %get3A_339] {strides = array<i32>} : memref<80x128xi32, #tpu.memory_space<vmem>>, vector<16xi32>,
      %gather3A_341 = tpu.vector_load_idx %arg8[%get3A_340] : memref<10240xf32, #tpu.memory_space<vmem>>[vector<16xi32>], vector<16xf32>,
      %swap3A_342 = arith.constant 64 : index
      %swap3A_343 = tpu.vector_load %arg9[%swap3A_342] {strides = array<i32>} : memref<128xf32, #tpu.memory_space<vmem>>, vector<16xf32>,
      tpu.vector_store %arg9[%swap3A_342], %gather3A_341 {strides = array<i32>} : memref<128xf32, #tpu.memory_space<vmem>>, vector<16xf32>,
      %get3A_344 = arith.index_cast %mul3A_307 : i32 to index
      %get3A_345 = arith.constant 80 : index
      %get3A_346 = tpu.vector_load %arg6[%get3A_344, %get3A_345] {strides = array<i32>} : memref<80x128xi32, #tpu.memory_space<vmem>>, vector<16xi32>,
      %gather3A_347 = tpu.vector_load_idx %arg8[%get3A_346] : memref<10240xf32, #tpu.memory_space<vmem>>[vector<16xi32>], vector<16xf32>,
      %swap3A_348 = arith.constant 80 : index
      %swap3A_349 = tpu.vector_load %arg9[%swap3A_348] {strides = array<i32>} : memref<128xf32, #tpu.memory_space<vmem>>, vector<16xf32>,
      tpu.vector_store %arg9[%swap3A_348], %gather3A_347 {strides = array<i32>} : memref<128xf32, #tpu.memory_space<vmem>>, vector<16xf32>,
      %get3A_350 = arith.index_cast %mul3A_307 : i32 to index
      %get3A_351 = arith.constant 96 : index
      %get3A_352 = tpu.vector_load %arg6[%get3A_350, %get3A_351] {strides = array<i32>} : memref<80x128xi32, #tpu.memory_space<vmem>>, vector<16xi32>,
      %gather3A_353 = tpu.vector_load_idx %arg8[%get3A_352] : memref<10240xf32, #tpu.memory_space<vmem>>[vector<16xi32>], vector<16xf32>,
      %swap3A_354 = arith.constant 96 : index
      %swap3A_355 = tpu.vector_load %arg9[%swap3A_354] {strides = array<i32>} : memref<128xf32, #tpu.memory_space<vmem>>, vector<16xf32>,
      tpu.vector_store %arg9[%swap3A_354], %gather3A_353 {strides = array<i32>} : memref<128xf32, #tpu.memory_space<vmem>>, vector<16xf32>,
      %get3A_356 = arith.index_cast %mul3A_307 : i32 to index
      %get3A_357 = arith.constant 112 : index
      %get3A_358 = tpu.vector_load %arg6[%get3A_356, %get3A_357] {strides = array<i32>} : memref<80x128xi32, #tpu.memory_space<vmem>>, vector<16xi32>,
      %gather3A_359 = tpu.vector_load_idx %arg8[%get3A_358] : memref<10240xf32, #tpu.memory_space<vmem>>[vector<16xi32>], vector<16xf32>,
      %swap3A_360 = arith.constant 112 : index
      %swap3A_361 = tpu.vector_load %arg9[%swap3A_360] {strides = array<i32>} : memref<128xf32, #tpu.memory_space<vmem>>, vector<16xf32>,
      tpu.vector_store %arg9[%swap3A_360], %gather3A_359 {strides = array<i32>} : memref<128xf32, #tpu.memory_space<vmem>>, vector<16xf32>,
      %dma_start3A_362 = arith.constant 0 : i32
      %dma_start3A_363 = tpu.memref_slice %arg7[%mul3A_307, %dma_start3A_362] : memref<80x128xi32, #tpu.memory_space<vmem>> -> memref<1x128xi32, #tpu.memory_space<vmem>>
      %dma_start3A_364 = tpu.memref_squeeze %dma_start3A_363 : memref<1x128xi32, #tpu.memory_space<vmem>> -> memref<128xi32, #tpu.memory_space<vmem>>
      %dma_start3A_365 = arith.constant 0 : i32
      %dma_start3A_366 = tpu.memref_slice %arg12[%dma_start3A_365] : memref<10240xf32, #tpu.memory_space<vmem_shared>> -> memref<10240xf32, #tpu.memory_space<vmem_shared>>
      tpu.enqueue_indirect_dma source(%arg9 : memref<128xf32, #tpu.memory_space<vmem>>) target(%dma_start3A_366 : memref<10240xf32, #tpu.memory_space<vmem_shared>>) offsets(%dma_start3A_364 : memref<128xi32, #tpu.memory_space<vmem>>) semaphore(%arg13 : memref<!tpu.dma_semaphore, #tpu.memory_space<semaphore_mem>>) {add = true}
      %dma_wait3A_367 = arith.constant 0 : i32
      %dma_wait3A_368 = arith.constant 0 : i32
      %dma_wait3A_369 = tpu.memref_slice %arg7[%dma_wait3A_367, %dma_wait3A_368] : memref<80x128xi32, #tpu.memory_space<vmem>> -> memref<1x128xi32, #tpu.memory_space<vmem>>
      %dma_wait3A_370 = tpu.memref_squeeze %dma_wait3A_369 : memref<1x128xi32, #tpu.memory_space<vmem>> -> memref<128xi32, #tpu.memory_space<vmem>>
      %dma_wait3A_371 = arith.constant 0 : i32
      %dma_wait3A_372 = tpu.memref_slice %arg12[%dma_wait3A_371] : memref<10240xf32, #tpu.memory_space<vmem_shared>> -> memref<10240xf32, #tpu.memory_space<vmem_shared>>
      tpu.wait_indirect_dma semaphore(%arg14 : memref<!tpu.dma_semaphore, #tpu.memory_space<semaphore_mem>>) src(%arg10 : memref<128xf32, #tpu.memory_space<vmem>>) dst(%dma_wait3A_372 : memref<10240xf32, #tpu.memory_space<vmem_shared>>)
      %add3A_373 = arith.constant 1 : i32
      %add3A_374 = arith.addi %mul3A_307, %add3A_373 : i32
      %get3A_375 = arith.index_cast %add3A_374 : i32 to index
      %get3A_376 = arith.constant 0 : index
      %get3A_377 = tpu.vector_load %arg6[%get3A_375, %get3A_376] {strides = array<i32>} : memref<80x128xi32, #tpu.memory_space<vmem>>, vector<16xi32>,
      %gather3A_378 = tpu.vector_load_idx %arg8[%get3A_377] : memref<10240xf32, #tpu.memory_space<vmem>>[vector<16xi32>], vector<16xf32>,
      %swap3A_379 = arith.constant 0 : index
      %swap3A_380 = tpu.vector_load %arg10[%swap3A_379] {strides = array<i32>} : memref<128xf32, #tpu.memory_space<vmem>>, vector<16xf32>,
      tpu.vector_store %arg10[%swap3A_379], %gather3A_378 {strides = array<i32>} : memref<128xf32, #tpu.memory_space<vmem>>, vector<16xf32>,
      %get3A_381 = arith.index_cast %add3A_374 : i32 to index
      %get3A_382 = arith.constant 16 : index
      %get3A_383 = tpu.vector_load %arg6[%get3A_381, %get3A_382] {strides = array<i32>} : memref<80x128xi32, #tpu.memory_space<vmem>>, vector<16xi32>,
      %gather3A_384 = tpu.vector_load_idx %arg8[%get3A_383] : memref<10240xf32, #tpu.memory_space<vmem>>[vector<16xi32>], vector<16xf32>,
      %swap3A_385 = arith.constant 16 : index
      %swap3A_386 = tpu.vector_load %arg10[%swap3A_385] {strides = array<i32>} : memref<128xf32, #tpu.memory_space<vmem>>, vector<16xf32>,
      tpu.vector_store %arg10[%swap3A_385], %gather3A_384 {strides = array<i32>} : memref<128xf32, #tpu.memory_space<vmem>>, vector<16xf32>,
      %get3A_387 = arith.index_cast %add3A_374 : i32 to index
      %get3A_388 = arith.constant 32 : index
      %get3A_389 = tpu.vector_load %arg6[%get3A_387, %get3A_388] {strides = array<i32>} : memref<80x128xi32, #tpu.memory_space<vmem>>, vector<16xi32>,
      %gather3A_390 = tpu.vector_load_idx %arg8[%get3A_389] : memref<10240xf32, #tpu.memory_space<vmem>>[vector<16xi32>], vector<16xf32>,
      %swap3A_391 = arith.constant 32 : index
      %swap3A_392 = tpu.vector_load %arg10[%swap3A_391] {strides = array<i32>} : memref<128xf32, #tpu.memory_space<vmem>>, vector<16xf32>,
      tpu.vector_store %arg10[%swap3A_391], %gather3A_390 {strides = array<i32>} : memref<128xf32, #tpu.memory_space<vmem>>, vector<16xf32>,
      %get3A_393 = arith.index_cast %add3A_374 : i32 to index
      %get3A_394 = arith.constant 48 : index
      %get3A_395 = tpu.vector_load %arg6[%get3A_393, %get3A_394] {strides = array<i32>} : memref<80x128xi32, #tpu.memory_space<vmem>>, vector<16xi32>,
      %gather3A_396 = tpu.vector_load_idx %arg8[%get3A_395] : memref<10240xf32, #tpu.memory_space<vmem>>[vector<16xi32>], vector<16xf32>,
      %swap3A_397 = arith.constant 48 : index
      %swap3A_398 = tpu.vector_load %arg10[%swap3A_397] {strides = array<i32>} : memref<128xf32, #tpu.memory_space<vmem>>, vector<16xf32>,
      tpu.vector_store %arg10[%swap3A_397], %gather3A_396 {strides = array<i32>} : memref<128xf32, #tpu.memory_space<vmem>>, vector<16xf32>,
      %get3A_399 = arith.index_cast %add3A_374 : i32 to index
      %get3A_400 = arith.constant 64 : index
      %get3A_401 = tpu.vector_load %arg6[%get3A_399, %get3A_400] {strides = array<i32>} : memref<80x128xi32, #tpu.memory_space<vmem>>, vector<16xi32>,
      %gather3A_402 = tpu.vector_load_idx %arg8[%get3A_401] : memref<10240xf32, #tpu.memory_space<vmem>>[vector<16xi32>], vector<16xf32>,
      %swap3A_403 = arith.constant 64 : index
      %swap3A_404 = tpu.vector_load %arg10[%swap3A_403] {strides = array<i32>} : memref<128xf32, #tpu.memory_space<vmem>>, vector<16xf32>,
      tpu.vector_store %arg10[%swap3A_403], %gather3A_402 {strides = array<i32>} : memref<128xf32, #tpu.memory_space<vmem>>, vector<16xf32>,
      %get3A_405 = arith.index_cast %add3A_374 : i32 to index
      %get3A_406 = arith.constant 80 : index
      %get3A_407 = tpu.vector_load %arg6[%get3A_405, %get3A_406] {strides = array<i32>} : memref<80x128xi32, #tpu.memory_space<vmem>>, vector<16xi32>,
      %gather3A_408 = tpu.vector_load_idx %arg8[%get3A_407] : memref<10240xf32, #tpu.memory_space<vmem>>[vector<16xi32>], vector<16xf32>,
      %swap3A_409 = arith.constant 80 : index
      %swap3A_410 = tpu.vector_load %arg10[%swap3A_409] {strides = array<i32>} : memref<128xf32, #tpu.memory_space<vmem>>, vector<16xf32>,
      tpu.vector_store %arg10[%swap3A_409], %gather3A_408 {strides = array<i32>} : memref<128xf32, #tpu.memory_space<vmem>>, vector<16xf32>,
      %get3A_411 = arith.index_cast %add3A_374 : i32 to index
      %get3A_412 = arith.constant 96 : index
      %get3A_413 = tpu.vector_load %arg6[%get3A_411, %get3A_412] {strides = array<i32>} : memref<80x128xi32, #tpu.memory_space<vmem>>, vector<16xi32>,
      %gather3A_414 = tpu.vector_load_idx %arg8[%get3A_413] : memref<10240xf32, #tpu.memory_space<vmem>>[vector<16xi32>], vector<16xf32>,
      %swap3A_415 = arith.constant 96 : index
      %swap3A_416 = tpu.vector_load %arg10[%swap3A_415] {strides = array<i32>} : memref<128xf32, #tpu.memory_space<vmem>>, vector<16xf32>,
      tpu.vector_store %arg10[%swap3A_415], %gather3A_414 {strides = array<i32>} : memref<128xf32, #tpu.memory_space<vmem>>, vector<16xf32>,
      %get3A_417 = arith.index_cast %add3A_374 : i32 to index
      %get3A_418 = arith.constant 112 : index
      %get3A_419 = tpu.vector_load %arg6[%get3A_417, %get3A_418] {strides = array<i32>} : memref<80x128xi32, #tpu.memory_space<vmem>>, vector<16xi32>,
      %gather3A_420 = tpu.vector_load_idx %arg8[%get3A_419] : memref<10240xf32, #tpu.memory_space<vmem>>[vector<16xi32>], vector<16xf32>,
      %swap3A_421 = arith.constant 112 : index
      %swap3A_422 = tpu.vector_load %arg10[%swap3A_421] {strides = array<i32>} : memref<128xf32, #tpu.memory_space<vmem>>, vector<16xf32>,
      tpu.vector_store %arg10[%swap3A_421], %gather3A_420 {strides = array<i32>} : memref<128xf32, #tpu.memory_space<vmem>>, vector<16xf32>,
      %add3A_423 = arith.constant 1 : i32
      %add3A_424 = arith.addi %mul3A_307, %add3A_423 : i32
      %dma_start3A_425 = arith.constant 0 : i32
      %dma_start3A_426 = tpu.memref_slice %arg7[%add3A_424, %dma_start3A_425] : memref<80x128xi32, #tpu.memory_space<vmem>> -> memref<1x128xi32, #tpu.memory_space<vmem>>
      %dma_start3A_427 = tpu.memref_squeeze %dma_start3A_426 : memref<1x128xi32, #tpu.memory_space<vmem>> -> memref<128xi32, #tpu.memory_space<vmem>>
      %dma_start3A_428 = arith.constant 0 : i32
      %dma_start3A_429 = tpu.memref_slice %arg12[%dma_start3A_428] : memref<10240xf32, #tpu.memory_space<vmem_shared>> -> memref<10240xf32, #tpu.memory_space<vmem_shared>>
      tpu.enqueue_indirect_dma source(%arg10 : memref<128xf32, #tpu.memory_space<vmem>>) target(%dma_start3A_429 : memref<10240xf32, #tpu.memory_space<vmem_shared>>) offsets(%dma_start3A_427 : memref<128xi32, #tpu.memory_space<vmem>>) semaphore(%arg14 : memref<!tpu.dma_semaphore, #tpu.memory_space<semaphore_mem>>) {add = true}
    }
    %scan3A_285 = arith.constant 39 : i32
    %dma_wait3A = arith.constant 0 : i32
    %dma_wait3A_286 = arith.constant 0 : i32
    %dma_wait3A_287 = tpu.memref_slice %arg7[%dma_wait3A, %dma_wait3A_286] : memref<80x128xi32, #tpu.memory_space<vmem>> -> memref<1x128xi32, #tpu.memory_space<vmem>>
    %dma_wait3A_288 = tpu.memref_squeeze %dma_wait3A_287 : memref<1x128xi32, #tpu.memory_space<vmem>> -> memref<128xi32, #tpu.memory_space<vmem>>
    %dma_wait3A_289 = arith.constant 0 : i32
    %dma_wait3A_290 = tpu.memref_slice %arg12[%dma_wait3A_289] : memref<10240xf32, #tpu.memory_space<vmem_shared>> -> memref<10240xf32, #tpu.memory_space<vmem_shared>>
    tpu.wait_indirect_dma semaphore(%arg13 : memref<!tpu.dma_semaphore, #tpu.memory_space<semaphore_mem>>) src(%arg9 : memref<128xf32, #tpu.memory_space<vmem>>) dst(%dma_wait3A_290 : memref<10240xf32, #tpu.memory_space<vmem_shared>>)
    %dma_wait3A_291 = arith.constant 0 : i32
    %dma_wait3A_292 = arith.constant 0 : i32
    %dma_wait3A_293 = tpu.memref_slice %arg7[%dma_wait3A_291, %dma_wait3A_292] : memref<80x128xi32, #tpu.memory_space<vmem>> -> memref<1x128xi32, #tpu.memory_space<vmem>>
    %dma_wait3A_294 = tpu.memref_squeeze %dma_wait3A_293 : memref<1x128xi32, #tpu.memory_space<vmem>> -> memref<128xi32, #tpu.memory_space<vmem>>
    %dma_wait3A_295 = arith.constant 0 : i32
    %dma_wait3A_296 = tpu.memref_slice %arg12[%dma_wait3A_295] : memref<10240xf32, #tpu.memory_space<vmem_shared>> -> memref<10240xf32, #tpu.memory_space<vmem_shared>>
    tpu.wait_indirect_dma semaphore(%arg14 : memref<!tpu.dma_semaphore, #tpu.memory_space<semaphore_mem>>) src(%arg10 : memref<128xf32, #tpu.memory_space<vmem>>) dst(%dma_wait3A_296 : memref<10240xf32, #tpu.memory_space<vmem_shared>>)
    %barrier3A_297 = arith.constant 0 : index
    tpu.barrier barrier_id(%barrier3A_297)
    "tpu.region"() ({
      %run_scoped3A = tpu.sem_alloc : memref<!tpu.dma_semaphore, #tpu.memory_space<semaphore_mem>>
      %dma_start3A_301 = tpu.memref_slice %arg12[%mul3A_2] : memref<10240xf32, #tpu.memory_space<vmem_shared>> -> memref<640xf32, #tpu.memory_space<vmem_shared>>
      %dma_start3A_302 = tpu.memref_slice %arg12[%mul3A_2] : memref<10240xf32, #tpu.memory_space<vmem_shared>> -> memref<640xf32, #tpu.memory_space<vmem_shared>>
      tpu.enqueue_dma source(%dma_start3A_302 : memref<640xf32, #tpu.memory_space<vmem_shared>>) target(%arg11 : memref<640xf32, #tpu.memory_space<vmem>>) target_semaphore(%run_scoped3A : memref<!tpu.dma_semaphore, #tpu.memory_space<semaphore_mem>>)
      %dma_wait3A_303 = tpu.memref_slice %arg12[%mul3A_2] : memref<10240xf32, #tpu.memory_space<vmem_shared>> -> memref<640xf32, #tpu.memory_space<vmem_shared>>
      %dma_wait3A_304 = tpu.memref_slice %arg12[%mul3A_2] : memref<10240xf32, #tpu.memory_space<vmem_shared>> -> memref<640xf32, #tpu.memory_space<vmem_shared>>
      tpu.wait_dma2 semaphore(%run_scoped3A : memref<!tpu.dma_semaphore, #tpu.memory_space<semaphore_mem>>) src(%dma_wait3A_304 : memref<640xf32, #tpu.memory_space<vmem_shared>>) dst(%arg11 : memref<640xf32, #tpu.memory_space<vmem>>)
      tpu.yield
    }) : () -> ()
    %mul3A_298 = arith.constant 10240 : i32
    %mul3A_299 = arith.muli %arg0, %mul3A_298 : i32
    %add3A_300 = arith.addi %mul3A_299, %mul3A_2 : i32
    "tpu.region"() ({
      %run_scoped3A = tpu.sem_alloc : memref<!tpu.dma_semaphore, #tpu.memory_space<semaphore_mem>>
      %dma_start3A_301 = tpu.memref_slice %arg5[%add3A_300] : memref<20480xf32, #tpu.memory_space<hbm>> -> memref<640xf32, #tpu.memory_space<hbm>>
      %dma_start3A_302 = tpu.memref_slice %arg5[%add3A_300] : memref<20480xf32, #tpu.memory_space<hbm>> -> memref<640xf32, #tpu.memory_space<hbm>>
      tpu.enqueue_dma source(%arg11 : memref<640xf32, #tpu.memory_space<vmem>>) target(%dma_start3A_302 : memref<640xf32, #tpu.memory_space<hbm>>) target_semaphore(%run_scoped3A : memref<!tpu.dma_semaphore, #tpu.memory_space<semaphore_mem>>)
      %dma_wait3A_303 = tpu.memref_slice %arg5[%add3A_300] : memref<20480xf32, #tpu.memory_space<hbm>> -> memref<640xf32, #tpu.memory_space<hbm>>
      %dma_wait3A_304 = tpu.memref_slice %arg5[%add3A_300] : memref<20480xf32, #tpu.memory_space<hbm>> -> memref<640xf32, #tpu.memory_space<hbm>>
      tpu.wait_dma2 semaphore(%run_scoped3A : memref<!tpu.dma_semaphore, #tpu.memory_space<semaphore_mem>>) src(%arg11 : memref<640xf32, #tpu.memory_space<vmem>>) dst(%dma_wait3A_304 : memref<640xf32, #tpu.memory_space<hbm>>)
      tpu.yield
    }) : () -> ()
    return
  }
}

#map = affine_map<(d0, d1) -> (0, 0, 0)>
#map1 = affine_map<(d0, d1) -> (0)>
module attributes {stable_mosaic.version = 14 : i64} {
  func.func @_hist_body(%arg0: i32, %arg1: i32, %arg2: memref<32x80x128xi32, #tpu.memory_space<hbm>>, %arg3: memref<20480xf32, #tpu.memory_space<hbm>>, %arg4: memref<80x128xi32, #tpu.memory_space<vmem>>, %arg5: memref<128xf32, #tpu.memory_space<vmem>>, %arg6: memref<640xf32, #tpu.memory_space<vmem>>, %arg7: memref<10240xf32, #tpu.memory_space<vmem_shared>>, %arg8: memref<!tpu.dma_semaphore, #tpu.memory_space<semaphore_mem>>) attributes {dimension_semantics = [#tpu.dimension_semantics<core_parallel>, #tpu.dimension_semantics<subcore_parallel>], iteration_bounds = array<i64: 2, 16>, scalar_prefetch = 0 : i64, scratch_operands = 5 : i64, tpu.core_type = #tpu.core_type<sc_vector_subcore>, window_params = [{transform_indices = #map}, {transform_indices = #map1}]} {
    %mul3A = arith.constant 2 : i32
    %mul3A_0 = arith.muli %arg1, %mul3A : i32
    %add3A = arith.addi %mul3A_0, %arg0 : i32
    %mul3A_1 = arith.constant 640 : i32
    %mul3A_2 = arith.muli %arg1, %mul3A_1 : i32
    %broadcast_in_dim3A = arith.constant 0.000000e+00 : f32
    %broadcast_in_dim3A_3 = vector.broadcast %broadcast_in_dim3A : f32 to vector<16xf32>
    %swap3A = arith.constant 0 : index
    %swap3A_4 = tpu.vector_load %arg6[%swap3A] {strides = array<i32>} : memref<640xf32, #tpu.memory_space<vmem>>, vector<16xf32>,
    tpu.vector_store %arg6[%swap3A], %broadcast_in_dim3A_3 {strides = array<i32>} : memref<640xf32, #tpu.memory_space<vmem>>, vector<16xf32>,
    %broadcast_in_dim3A_5 = arith.constant 0.000000e+00 : f32
    %broadcast_in_dim3A_6 = vector.broadcast %broadcast_in_dim3A_5 : f32 to vector<16xf32>
    %swap3A_7 = arith.constant 16 : index
    %swap3A_8 = tpu.vector_load %arg6[%swap3A_7] {strides = array<i32>} : memref<640xf32, #tpu.memory_space<vmem>>, vector<16xf32>,
    tpu.vector_store %arg6[%swap3A_7], %broadcast_in_dim3A_6 {strides = array<i32>} : memref<640xf32, #tpu.memory_space<vmem>>, vector<16xf32>,
    %broadcast_in_dim3A_9 = arith.constant 0.000000e+00 : f32
    %broadcast_in_dim3A_10 = vector.broadcast %broadcast_in_dim3A_9 : f32 to vector<16xf32>
    %swap3A_11 = arith.constant 32 : index
    %swap3A_12 = tpu.vector_load %arg6[%swap3A_11] {strides = array<i32>} : memref<640xf32, #tpu.memory_space<vmem>>, vector<16xf32>,
    tpu.vector_store %arg6[%swap3A_11], %broadcast_in_dim3A_10 {strides = array<i32>} : memref<640xf32, #tpu.memory_space<vmem>>, vector<16xf32>,
    %broadcast_in_dim3A_13 = arith.constant 0.000000e+00 : f32
    %broadcast_in_dim3A_14 = vector.broadcast %broadcast_in_dim3A_13 : f32 to vector<16xf32>
    %swap3A_15 = arith.constant 48 : index
    %swap3A_16 = tpu.vector_load %arg6[%swap3A_15] {strides = array<i32>} : memref<640xf32, #tpu.memory_space<vmem>>, vector<16xf32>,
    tpu.vector_store %arg6[%swap3A_15], %broadcast_in_dim3A_14 {strides = array<i32>} : memref<640xf32, #tpu.memory_space<vmem>>, vector<16xf32>,
    %broadcast_in_dim3A_17 = arith.constant 0.000000e+00 : f32
    %broadcast_in_dim3A_18 = vector.broadcast %broadcast_in_dim3A_17 : f32 to vector<16xf32>
    %swap3A_19 = arith.constant 64 : index
    %swap3A_20 = tpu.vector_load %arg6[%swap3A_19] {strides = array<i32>} : memref<640xf32, #tpu.memory_space<vmem>>, vector<16xf32>,
    tpu.vector_store %arg6[%swap3A_19], %broadcast_in_dim3A_18 {strides = array<i32>} : memref<640xf32, #tpu.memory_space<vmem>>, vector<16xf32>,
    %broadcast_in_dim3A_21 = arith.constant 0.000000e+00 : f32
    %broadcast_in_dim3A_22 = vector.broadcast %broadcast_in_dim3A_21 : f32 to vector<16xf32>
    %swap3A_23 = arith.constant 80 : index
    %swap3A_24 = tpu.vector_load %arg6[%swap3A_23] {strides = array<i32>} : memref<640xf32, #tpu.memory_space<vmem>>, vector<16xf32>,
    tpu.vector_store %arg6[%swap3A_23], %broadcast_in_dim3A_22 {strides = array<i32>} : memref<640xf32, #tpu.memory_space<vmem>>, vector<16xf32>,
    %broadcast_in_dim3A_25 = arith.constant 0.000000e+00 : f32
    %broadcast_in_dim3A_26 = vector.broadcast %broadcast_in_dim3A_25 : f32 to vector<16xf32>
    %swap3A_27 = arith.constant 96 : index
    %swap3A_28 = tpu.vector_load %arg6[%swap3A_27] {strides = array<i32>} : memref<640xf32, #tpu.memory_space<vmem>>, vector<16xf32>,
    tpu.vector_store %arg6[%swap3A_27], %broadcast_in_dim3A_26 {strides = array<i32>} : memref<640xf32, #tpu.memory_space<vmem>>, vector<16xf32>,
    %broadcast_in_dim3A_29 = arith.constant 0.000000e+00 : f32
    %broadcast_in_dim3A_30 = vector.broadcast %broadcast_in_dim3A_29 : f32 to vector<16xf32>
    %swap3A_31 = arith.constant 112 : index
    %swap3A_32 = tpu.vector_load %arg6[%swap3A_31] {strides = array<i32>} : memref<640xf32, #tpu.memory_space<vmem>>, vector<16xf32>,
    tpu.vector_store %arg6[%swap3A_31], %broadcast_in_dim3A_30 {strides = array<i32>} : memref<640xf32, #tpu.memory_space<vmem>>, vector<16xf32>,
    %broadcast_in_dim3A_33 = arith.constant 0.000000e+00 : f32
    %broadcast_in_dim3A_34 = vector.broadcast %broadcast_in_dim3A_33 : f32 to vector<16xf32>
    %swap3A_35 = arith.constant 128 : index
    %swap3A_36 = tpu.vector_load %arg6[%swap3A_35] {strides = array<i32>} : memref<640xf32, #tpu.memory_space<vmem>>, vector<16xf32>,
    tpu.vector_store %arg6[%swap3A_35], %broadcast_in_dim3A_34 {strides = array<i32>} : memref<640xf32, #tpu.memory_space<vmem>>, vector<16xf32>,
    %broadcast_in_dim3A_37 = arith.constant 0.000000e+00 : f32
    %broadcast_in_dim3A_38 = vector.broadcast %broadcast_in_dim3A_37 : f32 to vector<16xf32>
    %swap3A_39 = arith.constant 144 : index
    %swap3A_40 = tpu.vector_load %arg6[%swap3A_39] {strides = array<i32>} : memref<640xf32, #tpu.memory_space<vmem>>, vector<16xf32>,
    tpu.vector_store %arg6[%swap3A_39], %broadcast_in_dim3A_38 {strides = array<i32>} : memref<640xf32, #tpu.memory_space<vmem>>, vector<16xf32>,
    %broadcast_in_dim3A_41 = arith.constant 0.000000e+00 : f32
    %broadcast_in_dim3A_42 = vector.broadcast %broadcast_in_dim3A_41 : f32 to vector<16xf32>
    %swap3A_43 = arith.constant 160 : index
    %swap3A_44 = tpu.vector_load %arg6[%swap3A_43] {strides = array<i32>} : memref<640xf32, #tpu.memory_space<vmem>>, vector<16xf32>,
    tpu.vector_store %arg6[%swap3A_43], %broadcast_in_dim3A_42 {strides = array<i32>} : memref<640xf32, #tpu.memory_space<vmem>>, vector<16xf32>,
    %broadcast_in_dim3A_45 = arith.constant 0.000000e+00 : f32
    %broadcast_in_dim3A_46 = vector.broadcast %broadcast_in_dim3A_45 : f32 to vector<16xf32>
    %swap3A_47 = arith.constant 176 : index
    %swap3A_48 = tpu.vector_load %arg6[%swap3A_47] {strides = array<i32>} : memref<640xf32, #tpu.memory_space<vmem>>, vector<16xf32>,
    tpu.vector_store %arg6[%swap3A_47], %broadcast_in_dim3A_46 {strides = array<i32>} : memref<640xf32, #tpu.memory_space<vmem>>, vector<16xf32>,
    %broadcast_in_dim3A_49 = arith.constant 0.000000e+00 : f32
    %broadcast_in_dim3A_50 = vector.broadcast %broadcast_in_dim3A_49 : f32 to vector<16xf32>
    %swap3A_51 = arith.constant 192 : index
    %swap3A_52 = tpu.vector_load %arg6[%swap3A_51] {strides = array<i32>} : memref<640xf32, #tpu.memory_space<vmem>>, vector<16xf32>,
    tpu.vector_store %arg6[%swap3A_51], %broadcast_in_dim3A_50 {strides = array<i32>} : memref<640xf32, #tpu.memory_space<vmem>>, vector<16xf32>,
    %broadcast_in_dim3A_53 = arith.constant 0.000000e+00 : f32
    %broadcast_in_dim3A_54 = vector.broadcast %broadcast_in_dim3A_53 : f32 to vector<16xf32>
    %swap3A_55 = arith.constant 208 : index
    %swap3A_56 = tpu.vector_load %arg6[%swap3A_55] {strides = array<i32>} : memref<640xf32, #tpu.memory_space<vmem>>, vector<16xf32>,
    tpu.vector_store %arg6[%swap3A_55], %broadcast_in_dim3A_54 {strides = array<i32>} : memref<640xf32, #tpu.memory_space<vmem>>, vector<16xf32>,
    %broadcast_in_dim3A_57 = arith.constant 0.000000e+00 : f32
    %broadcast_in_dim3A_58 = vector.broadcast %broadcast_in_dim3A_57 : f32 to vector<16xf32>
    %swap3A_59 = arith.constant 224 : index
    %swap3A_60 = tpu.vector_load %arg6[%swap3A_59] {strides = array<i32>} : memref<640xf32, #tpu.memory_space<vmem>>, vector<16xf32>,
    tpu.vector_store %arg6[%swap3A_59], %broadcast_in_dim3A_58 {strides = array<i32>} : memref<640xf32, #tpu.memory_space<vmem>>, vector<16xf32>,
    %broadcast_in_dim3A_61 = arith.constant 0.000000e+00 : f32
    %broadcast_in_dim3A_62 = vector.broadcast %broadcast_in_dim3A_61 : f32 to vector<16xf32>
    %swap3A_63 = arith.constant 240 : index
    %swap3A_64 = tpu.vector_load %arg6[%swap3A_63] {strides = array<i32>} : memref<640xf32, #tpu.memory_space<vmem>>, vector<16xf32>,
    tpu.vector_store %arg6[%swap3A_63], %broadcast_in_dim3A_62 {strides = array<i32>} : memref<640xf32, #tpu.memory_space<vmem>>, vector<16xf32>,
    %broadcast_in_dim3A_65 = arith.constant 0.000000e+00 : f32
    %broadcast_in_dim3A_66 = vector.broadcast %broadcast_in_dim3A_65 : f32 to vector<16xf32>
    %swap3A_67 = arith.constant 256 : index
    %swap3A_68 = tpu.vector_load %arg6[%swap3A_67] {strides = array<i32>} : memref<640xf32, #tpu.memory_space<vmem>>, vector<16xf32>,
    tpu.vector_store %arg6[%swap3A_67], %broadcast_in_dim3A_66 {strides = array<i32>} : memref<640xf32, #tpu.memory_space<vmem>>, vector<16xf32>,
    %broadcast_in_dim3A_69 = arith.constant 0.000000e+00 : f32
    %broadcast_in_dim3A_70 = vector.broadcast %broadcast_in_dim3A_69 : f32 to vector<16xf32>
    %swap3A_71 = arith.constant 272 : index
    %swap3A_72 = tpu.vector_load %arg6[%swap3A_71] {strides = array<i32>} : memref<640xf32, #tpu.memory_space<vmem>>, vector<16xf32>,
    tpu.vector_store %arg6[%swap3A_71], %broadcast_in_dim3A_70 {strides = array<i32>} : memref<640xf32, #tpu.memory_space<vmem>>, vector<16xf32>,
    %broadcast_in_dim3A_73 = arith.constant 0.000000e+00 : f32
    %broadcast_in_dim3A_74 = vector.broadcast %broadcast_in_dim3A_73 : f32 to vector<16xf32>
    %swap3A_75 = arith.constant 288 : index
    %swap3A_76 = tpu.vector_load %arg6[%swap3A_75] {strides = array<i32>} : memref<640xf32, #tpu.memory_space<vmem>>, vector<16xf32>,
    tpu.vector_store %arg6[%swap3A_75], %broadcast_in_dim3A_74 {strides = array<i32>} : memref<640xf32, #tpu.memory_space<vmem>>, vector<16xf32>,
    %broadcast_in_dim3A_77 = arith.constant 0.000000e+00 : f32
    %broadcast_in_dim3A_78 = vector.broadcast %broadcast_in_dim3A_77 : f32 to vector<16xf32>
    %swap3A_79 = arith.constant 304 : index
    %swap3A_80 = tpu.vector_load %arg6[%swap3A_79] {strides = array<i32>} : memref<640xf32, #tpu.memory_space<vmem>>, vector<16xf32>,
    tpu.vector_store %arg6[%swap3A_79], %broadcast_in_dim3A_78 {strides = array<i32>} : memref<640xf32, #tpu.memory_space<vmem>>, vector<16xf32>,
    %broadcast_in_dim3A_81 = arith.constant 0.000000e+00 : f32
    %broadcast_in_dim3A_82 = vector.broadcast %broadcast_in_dim3A_81 : f32 to vector<16xf32>
    %swap3A_83 = arith.constant 320 : index
    %swap3A_84 = tpu.vector_load %arg6[%swap3A_83] {strides = array<i32>} : memref<640xf32, #tpu.memory_space<vmem>>, vector<16xf32>,
    tpu.vector_store %arg6[%swap3A_83], %broadcast_in_dim3A_82 {strides = array<i32>} : memref<640xf32, #tpu.memory_space<vmem>>, vector<16xf32>,
    %broadcast_in_dim3A_85 = arith.constant 0.000000e+00 : f32
    %broadcast_in_dim3A_86 = vector.broadcast %broadcast_in_dim3A_85 : f32 to vector<16xf32>
    %swap3A_87 = arith.constant 336 : index
    %swap3A_88 = tpu.vector_load %arg6[%swap3A_87] {strides = array<i32>} : memref<640xf32, #tpu.memory_space<vmem>>, vector<16xf32>,
    tpu.vector_store %arg6[%swap3A_87], %broadcast_in_dim3A_86 {strides = array<i32>} : memref<640xf32, #tpu.memory_space<vmem>>, vector<16xf32>,
    %broadcast_in_dim3A_89 = arith.constant 0.000000e+00 : f32
    %broadcast_in_dim3A_90 = vector.broadcast %broadcast_in_dim3A_89 : f32 to vector<16xf32>
    %swap3A_91 = arith.constant 352 : index
    %swap3A_92 = tpu.vector_load %arg6[%swap3A_91] {strides = array<i32>} : memref<640xf32, #tpu.memory_space<vmem>>, vector<16xf32>,
    tpu.vector_store %arg6[%swap3A_91], %broadcast_in_dim3A_90 {strides = array<i32>} : memref<640xf32, #tpu.memory_space<vmem>>, vector<16xf32>,
    %broadcast_in_dim3A_93 = arith.constant 0.000000e+00 : f32
    %broadcast_in_dim3A_94 = vector.broadcast %broadcast_in_dim3A_93 : f32 to vector<16xf32>
    %swap3A_95 = arith.constant 368 : index
    %swap3A_96 = tpu.vector_load %arg6[%swap3A_95] {strides = array<i32>} : memref<640xf32, #tpu.memory_space<vmem>>, vector<16xf32>,
    tpu.vector_store %arg6[%swap3A_95], %broadcast_in_dim3A_94 {strides = array<i32>} : memref<640xf32, #tpu.memory_space<vmem>>, vector<16xf32>,
    %broadcast_in_dim3A_97 = arith.constant 0.000000e+00 : f32
    %broadcast_in_dim3A_98 = vector.broadcast %broadcast_in_dim3A_97 : f32 to vector<16xf32>
    %swap3A_99 = arith.constant 384 : index
    %swap3A_100 = tpu.vector_load %arg6[%swap3A_99] {strides = array<i32>} : memref<640xf32, #tpu.memory_space<vmem>>, vector<16xf32>,
    tpu.vector_store %arg6[%swap3A_99], %broadcast_in_dim3A_98 {strides = array<i32>} : memref<640xf32, #tpu.memory_space<vmem>>, vector<16xf32>,
    %broadcast_in_dim3A_101 = arith.constant 0.000000e+00 : f32
    %broadcast_in_dim3A_102 = vector.broadcast %broadcast_in_dim3A_101 : f32 to vector<16xf32>
    %swap3A_103 = arith.constant 400 : index
    %swap3A_104 = tpu.vector_load %arg6[%swap3A_103] {strides = array<i32>} : memref<640xf32, #tpu.memory_space<vmem>>, vector<16xf32>,
    tpu.vector_store %arg6[%swap3A_103], %broadcast_in_dim3A_102 {strides = array<i32>} : memref<640xf32, #tpu.memory_space<vmem>>, vector<16xf32>,
    %broadcast_in_dim3A_105 = arith.constant 0.000000e+00 : f32
    %broadcast_in_dim3A_106 = vector.broadcast %broadcast_in_dim3A_105 : f32 to vector<16xf32>
    %swap3A_107 = arith.constant 416 : index
    %swap3A_108 = tpu.vector_load %arg6[%swap3A_107] {strides = array<i32>} : memref<640xf32, #tpu.memory_space<vmem>>, vector<16xf32>,
    tpu.vector_store %arg6[%swap3A_107], %broadcast_in_dim3A_106 {strides = array<i32>} : memref<640xf32, #tpu.memory_space<vmem>>, vector<16xf32>,
    %broadcast_in_dim3A_109 = arith.constant 0.000000e+00 : f32
    %broadcast_in_dim3A_110 = vector.broadcast %broadcast_in_dim3A_109 : f32 to vector<16xf32>
    %swap3A_111 = arith.constant 432 : index
    %swap3A_112 = tpu.vector_load %arg6[%swap3A_111] {strides = array<i32>} : memref<640xf32, #tpu.memory_space<vmem>>, vector<16xf32>,
    tpu.vector_store %arg6[%swap3A_111], %broadcast_in_dim3A_110 {strides = array<i32>} : memref<640xf32, #tpu.memory_space<vmem>>, vector<16xf32>,
    %broadcast_in_dim3A_113 = arith.constant 0.000000e+00 : f32
    %broadcast_in_dim3A_114 = vector.broadcast %broadcast_in_dim3A_113 : f32 to vector<16xf32>
    %swap3A_115 = arith.constant 448 : index
    %swap3A_116 = tpu.vector_load %arg6[%swap3A_115] {strides = array<i32>} : memref<640xf32, #tpu.memory_space<vmem>>, vector<16xf32>,
    tpu.vector_store %arg6[%swap3A_115], %broadcast_in_dim3A_114 {strides = array<i32>} : memref<640xf32, #tpu.memory_space<vmem>>, vector<16xf32>,
    %broadcast_in_dim3A_117 = arith.constant 0.000000e+00 : f32
    %broadcast_in_dim3A_118 = vector.broadcast %broadcast_in_dim3A_117 : f32 to vector<16xf32>
    %swap3A_119 = arith.constant 464 : index
    %swap3A_120 = tpu.vector_load %arg6[%swap3A_119] {strides = array<i32>} : memref<640xf32, #tpu.memory_space<vmem>>, vector<16xf32>,
    tpu.vector_store %arg6[%swap3A_119], %broadcast_in_dim3A_118 {strides = array<i32>} : memref<640xf32, #tpu.memory_space<vmem>>, vector<16xf32>,
    %broadcast_in_dim3A_121 = arith.constant 0.000000e+00 : f32
    %broadcast_in_dim3A_122 = vector.broadcast %broadcast_in_dim3A_121 : f32 to vector<16xf32>
    %swap3A_123 = arith.constant 480 : index
    %swap3A_124 = tpu.vector_load %arg6[%swap3A_123] {strides = array<i32>} : memref<640xf32, #tpu.memory_space<vmem>>, vector<16xf32>,
    tpu.vector_store %arg6[%swap3A_123], %broadcast_in_dim3A_122 {strides = array<i32>} : memref<640xf32, #tpu.memory_space<vmem>>, vector<16xf32>,
    %broadcast_in_dim3A_125 = arith.constant 0.000000e+00 : f32
    %broadcast_in_dim3A_126 = vector.broadcast %broadcast_in_dim3A_125 : f32 to vector<16xf32>
    %swap3A_127 = arith.constant 496 : index
    %swap3A_128 = tpu.vector_load %arg6[%swap3A_127] {strides = array<i32>} : memref<640xf32, #tpu.memory_space<vmem>>, vector<16xf32>,
    tpu.vector_store %arg6[%swap3A_127], %broadcast_in_dim3A_126 {strides = array<i32>} : memref<640xf32, #tpu.memory_space<vmem>>, vector<16xf32>,
    %broadcast_in_dim3A_129 = arith.constant 0.000000e+00 : f32
    %broadcast_in_dim3A_130 = vector.broadcast %broadcast_in_dim3A_129 : f32 to vector<16xf32>
    %swap3A_131 = arith.constant 512 : index
    %swap3A_132 = tpu.vector_load %arg6[%swap3A_131] {strides = array<i32>} : memref<640xf32, #tpu.memory_space<vmem>>, vector<16xf32>,
    tpu.vector_store %arg6[%swap3A_131], %broadcast_in_dim3A_130 {strides = array<i32>} : memref<640xf32, #tpu.memory_space<vmem>>, vector<16xf32>,
    %broadcast_in_dim3A_133 = arith.constant 0.000000e+00 : f32
    %broadcast_in_dim3A_134 = vector.broadcast %broadcast_in_dim3A_133 : f32 to vector<16xf32>
    %swap3A_135 = arith.constant 528 : index
    %swap3A_136 = tpu.vector_load %arg6[%swap3A_135] {strides = array<i32>} : memref<640xf32, #tpu.memory_space<vmem>>, vector<16xf32>,
    tpu.vector_store %arg6[%swap3A_135], %broadcast_in_dim3A_134 {strides = array<i32>} : memref<640xf32, #tpu.memory_space<vmem>>, vector<16xf32>,
    %broadcast_in_dim3A_137 = arith.constant 0.000000e+00 : f32
    %broadcast_in_dim3A_138 = vector.broadcast %broadcast_in_dim3A_137 : f32 to vector<16xf32>
    %swap3A_139 = arith.constant 544 : index
    %swap3A_140 = tpu.vector_load %arg6[%swap3A_139] {strides = array<i32>} : memref<640xf32, #tpu.memory_space<vmem>>, vector<16xf32>,
    tpu.vector_store %arg6[%swap3A_139], %broadcast_in_dim3A_138 {strides = array<i32>} : memref<640xf32, #tpu.memory_space<vmem>>, vector<16xf32>,
    %broadcast_in_dim3A_141 = arith.constant 0.000000e+00 : f32
    %broadcast_in_dim3A_142 = vector.broadcast %broadcast_in_dim3A_141 : f32 to vector<16xf32>
    %swap3A_143 = arith.constant 560 : index
    %swap3A_144 = tpu.vector_load %arg6[%swap3A_143] {strides = array<i32>} : memref<640xf32, #tpu.memory_space<vmem>>, vector<16xf32>,
    tpu.vector_store %arg6[%swap3A_143], %broadcast_in_dim3A_142 {strides = array<i32>} : memref<640xf32, #tpu.memory_space<vmem>>, vector<16xf32>,
    %broadcast_in_dim3A_145 = arith.constant 0.000000e+00 : f32
    %broadcast_in_dim3A_146 = vector.broadcast %broadcast_in_dim3A_145 : f32 to vector<16xf32>
    %swap3A_147 = arith.constant 576 : index
    %swap3A_148 = tpu.vector_load %arg6[%swap3A_147] {strides = array<i32>} : memref<640xf32, #tpu.memory_space<vmem>>, vector<16xf32>,
    tpu.vector_store %arg6[%swap3A_147], %broadcast_in_dim3A_146 {strides = array<i32>} : memref<640xf32, #tpu.memory_space<vmem>>, vector<16xf32>,
    %broadcast_in_dim3A_149 = arith.constant 0.000000e+00 : f32
    %broadcast_in_dim3A_150 = vector.broadcast %broadcast_in_dim3A_149 : f32 to vector<16xf32>
    %swap3A_151 = arith.constant 592 : index
    %swap3A_152 = tpu.vector_load %arg6[%swap3A_151] {strides = array<i32>} : memref<640xf32, #tpu.memory_space<vmem>>, vector<16xf32>,
    tpu.vector_store %arg6[%swap3A_151], %broadcast_in_dim3A_150 {strides = array<i32>} : memref<640xf32, #tpu.memory_space<vmem>>, vector<16xf32>,
    %broadcast_in_dim3A_153 = arith.constant 0.000000e+00 : f32
    %broadcast_in_dim3A_154 = vector.broadcast %broadcast_in_dim3A_153 : f32 to vector<16xf32>
    %swap3A_155 = arith.constant 608 : index
    %swap3A_156 = tpu.vector_load %arg6[%swap3A_155] {strides = array<i32>} : memref<640xf32, #tpu.memory_space<vmem>>, vector<16xf32>,
    tpu.vector_store %arg6[%swap3A_155], %broadcast_in_dim3A_154 {strides = array<i32>} : memref<640xf32, #tpu.memory_space<vmem>>, vector<16xf32>,
    %broadcast_in_dim3A_157 = arith.constant 0.000000e+00 : f32
    %broadcast_in_dim3A_158 = vector.broadcast %broadcast_in_dim3A_157 : f32 to vector<16xf32>
    %swap3A_159 = arith.constant 624 : index
    %swap3A_160 = tpu.vector_load %arg6[%swap3A_159] {strides = array<i32>} : memref<640xf32, #tpu.memory_space<vmem>>, vector<16xf32>,
    tpu.vector_store %arg6[%swap3A_159], %broadcast_in_dim3A_158 {strides = array<i32>} : memref<640xf32, #tpu.memory_space<vmem>>, vector<16xf32>,
    "tpu.region"() ({
      %run_scoped3A = tpu.sem_alloc : memref<!tpu.dma_semaphore, #tpu.memory_space<semaphore_mem>>
      %dma_start3A = tpu.memref_slice %arg7[%mul3A_2] : memref<10240xf32, #tpu.memory_space<vmem_shared>> -> memref<640xf32, #tpu.memory_space<vmem_shared>>
      %dma_start3A_211 = tpu.memref_slice %arg7[%mul3A_2] : memref<10240xf32, #tpu.memory_space<vmem_shared>> -> memref<640xf32, #tpu.memory_space<vmem_shared>>
      tpu.enqueue_dma source(%arg6 : memref<640xf32, #tpu.memory_space<vmem>>) target(%dma_start3A_211 : memref<640xf32, #tpu.memory_space<vmem_shared>>) target_semaphore(%run_scoped3A : memref<!tpu.dma_semaphore, #tpu.memory_space<semaphore_mem>>)
      %dma_wait3A = tpu.memref_slice %arg7[%mul3A_2] : memref<10240xf32, #tpu.memory_space<vmem_shared>> -> memref<640xf32, #tpu.memory_space<vmem_shared>>
      %dma_wait3A_212 = tpu.memref_slice %arg7[%mul3A_2] : memref<10240xf32, #tpu.memory_space<vmem_shared>> -> memref<640xf32, #tpu.memory_space<vmem_shared>>
      tpu.wait_dma2 semaphore(%run_scoped3A : memref<!tpu.dma_semaphore, #tpu.memory_space<semaphore_mem>>) src(%arg6 : memref<640xf32, #tpu.memory_space<vmem>>) dst(%dma_wait3A_212 : memref<640xf32, #tpu.memory_space<vmem_shared>>)
      tpu.yield
    }) : () -> ()
    "tpu.region"() ({
      %run_scoped3A = tpu.sem_alloc : memref<!tpu.dma_semaphore, #tpu.memory_space<semaphore_mem>>
      %dma_start3A = arith.constant 0 : i32
      %dma_start3A_211 = arith.constant 0 : i32
      %dma_start3A_212 = tpu.memref_slice %arg2[%add3A, %dma_start3A, %dma_start3A_211] : memref<32x80x128xi32, #tpu.memory_space<hbm>> -> memref<1x80x128xi32, #tpu.memory_space<hbm>>
      %dma_start3A_213 = tpu.memref_squeeze %dma_start3A_212 : memref<1x80x128xi32, #tpu.memory_space<hbm>> -> memref<80x128xi32, #tpu.memory_space<hbm>>
      %dma_start3A_214 = arith.constant 0 : i32
      %dma_start3A_215 = arith.constant 0 : i32
      %dma_start3A_216 = tpu.memref_slice %arg2[%add3A, %dma_start3A_214, %dma_start3A_215] : memref<32x80x128xi32, #tpu.memory_space<hbm>> -> memref<1x80x128xi32, #tpu.memory_space<hbm>>
      %dma_start3A_217 = tpu.memref_squeeze %dma_start3A_216 : memref<1x80x128xi32, #tpu.memory_space<hbm>> -> memref<80x128xi32, #tpu.memory_space<hbm>>
      tpu.enqueue_dma source(%dma_start3A_217 : memref<80x128xi32, #tpu.memory_space<hbm>>) target(%arg4 : memref<80x128xi32, #tpu.memory_space<vmem>>) target_semaphore(%run_scoped3A : memref<!tpu.dma_semaphore, #tpu.memory_space<semaphore_mem>>)
      %dma_wait3A = arith.constant 0 : i32
      %dma_wait3A_218 = arith.constant 0 : i32
      %dma_wait3A_219 = tpu.memref_slice %arg2[%add3A, %dma_wait3A, %dma_wait3A_218] : memref<32x80x128xi32, #tpu.memory_space<hbm>> -> memref<1x80x128xi32, #tpu.memory_space<hbm>>
      %dma_wait3A_220 = tpu.memref_squeeze %dma_wait3A_219 : memref<1x80x128xi32, #tpu.memory_space<hbm>> -> memref<80x128xi32, #tpu.memory_space<hbm>>
      %dma_wait3A_221 = arith.constant 0 : i32
      %dma_wait3A_222 = arith.constant 0 : i32
      %dma_wait3A_223 = tpu.memref_slice %arg2[%add3A, %dma_wait3A_221, %dma_wait3A_222] : memref<32x80x128xi32, #tpu.memory_space<hbm>> -> memref<1x80x128xi32, #tpu.memory_space<hbm>>
      %dma_wait3A_224 = tpu.memref_squeeze %dma_wait3A_223 : memref<1x80x128xi32, #tpu.memory_space<hbm>> -> memref<80x128xi32, #tpu.memory_space<hbm>>
      tpu.wait_dma2 semaphore(%run_scoped3A : memref<!tpu.dma_semaphore, #tpu.memory_space<semaphore_mem>>) src(%dma_wait3A_224 : memref<80x128xi32, #tpu.memory_space<hbm>>) dst(%arg4 : memref<80x128xi32, #tpu.memory_space<vmem>>)
      tpu.yield
    }) : () -> ()
    %broadcast_in_dim3A_161 = arith.constant 1.000000e+00 : f32
    %broadcast_in_dim3A_162 = vector.broadcast %broadcast_in_dim3A_161 : f32 to vector<16xf32>
    %swap3A_163 = arith.constant 0 : index
    %swap3A_164 = tpu.vector_load %arg5[%swap3A_163] {strides = array<i32>} : memref<128xf32, #tpu.memory_space<vmem>>, vector<16xf32>,
    tpu.vector_store %arg5[%swap3A_163], %broadcast_in_dim3A_162 {strides = array<i32>} : memref<128xf32, #tpu.memory_space<vmem>>, vector<16xf32>,
    %broadcast_in_dim3A_165 = arith.constant 1.000000e+00 : f32
    %broadcast_in_dim3A_166 = vector.broadcast %broadcast_in_dim3A_165 : f32 to vector<16xf32>
    %swap3A_167 = arith.constant 16 : index
    %swap3A_168 = tpu.vector_load %arg5[%swap3A_167] {strides = array<i32>} : memref<128xf32, #tpu.memory_space<vmem>>, vector<16xf32>,
    tpu.vector_store %arg5[%swap3A_167], %broadcast_in_dim3A_166 {strides = array<i32>} : memref<128xf32, #tpu.memory_space<vmem>>, vector<16xf32>,
    %broadcast_in_dim3A_169 = arith.constant 1.000000e+00 : f32
    %broadcast_in_dim3A_170 = vector.broadcast %broadcast_in_dim3A_169 : f32 to vector<16xf32>
    %swap3A_171 = arith.constant 32 : index
    %swap3A_172 = tpu.vector_load %arg5[%swap3A_171] {strides = array<i32>} : memref<128xf32, #tpu.memory_space<vmem>>, vector<16xf32>,
    tpu.vector_store %arg5[%swap3A_171], %broadcast_in_dim3A_170 {strides = array<i32>} : memref<128xf32, #tpu.memory_space<vmem>>, vector<16xf32>,
    %broadcast_in_dim3A_173 = arith.constant 1.000000e+00 : f32
    %broadcast_in_dim3A_174 = vector.broadcast %broadcast_in_dim3A_173 : f32 to vector<16xf32>
    %swap3A_175 = arith.constant 48 : index
    %swap3A_176 = tpu.vector_load %arg5[%swap3A_175] {strides = array<i32>} : memref<128xf32, #tpu.memory_space<vmem>>, vector<16xf32>,
    tpu.vector_store %arg5[%swap3A_175], %broadcast_in_dim3A_174 {strides = array<i32>} : memref<128xf32, #tpu.memory_space<vmem>>, vector<16xf32>,
    %broadcast_in_dim3A_177 = arith.constant 1.000000e+00 : f32
    %broadcast_in_dim3A_178 = vector.broadcast %broadcast_in_dim3A_177 : f32 to vector<16xf32>
    %swap3A_179 = arith.constant 64 : index
    %swap3A_180 = tpu.vector_load %arg5[%swap3A_179] {strides = array<i32>} : memref<128xf32, #tpu.memory_space<vmem>>, vector<16xf32>,
    tpu.vector_store %arg5[%swap3A_179], %broadcast_in_dim3A_178 {strides = array<i32>} : memref<128xf32, #tpu.memory_space<vmem>>, vector<16xf32>,
    %broadcast_in_dim3A_181 = arith.constant 1.000000e+00 : f32
    %broadcast_in_dim3A_182 = vector.broadcast %broadcast_in_dim3A_181 : f32 to vector<16xf32>
    %swap3A_183 = arith.constant 80 : index
    %swap3A_184 = tpu.vector_load %arg5[%swap3A_183] {strides = array<i32>} : memref<128xf32, #tpu.memory_space<vmem>>, vector<16xf32>,
    tpu.vector_store %arg5[%swap3A_183], %broadcast_in_dim3A_182 {strides = array<i32>} : memref<128xf32, #tpu.memory_space<vmem>>, vector<16xf32>,
    %broadcast_in_dim3A_185 = arith.constant 1.000000e+00 : f32
    %broadcast_in_dim3A_186 = vector.broadcast %broadcast_in_dim3A_185 : f32 to vector<16xf32>
    %swap3A_187 = arith.constant 96 : index
    %swap3A_188 = tpu.vector_load %arg5[%swap3A_187] {strides = array<i32>} : memref<128xf32, #tpu.memory_space<vmem>>, vector<16xf32>,
    tpu.vector_store %arg5[%swap3A_187], %broadcast_in_dim3A_186 {strides = array<i32>} : memref<128xf32, #tpu.memory_space<vmem>>, vector<16xf32>,
    %broadcast_in_dim3A_189 = arith.constant 1.000000e+00 : f32
    %broadcast_in_dim3A_190 = vector.broadcast %broadcast_in_dim3A_189 : f32 to vector<16xf32>
    %swap3A_191 = arith.constant 112 : index
    %swap3A_192 = tpu.vector_load %arg5[%swap3A_191] {strides = array<i32>} : memref<128xf32, #tpu.memory_space<vmem>>, vector<16xf32>,
    tpu.vector_store %arg5[%swap3A_191], %broadcast_in_dim3A_190 {strides = array<i32>} : memref<128xf32, #tpu.memory_space<vmem>>, vector<16xf32>,
    %barrier3A = arith.constant 0 : index
    tpu.barrier barrier_id(%barrier3A)
    %scan3A = arith.constant 0 : i32
    %scan3A_193 = arith.constant 8 : i32
    %scan3A_194 = arith.addi %scan3A, %scan3A_193 : i32
    %scan3A_195 = arith.constant 1 : i32
    scf.for %scan3A_211 = %scan3A to %scan3A_194 step %scan3A_195  : i32 {
      %mul3A_212 = arith.constant 1 : i32
      %mul3A_213 = arith.muli %scan3A_211, %mul3A_212 : i32
      %add3A_214 = arith.constant 0 : i32
      %add3A_215 = arith.addi %add3A_214, %mul3A_213 : i32
      %dma_start3A = arith.constant 0 : i32
      %dma_start3A_216 = tpu.memref_slice %arg4[%add3A_215, %dma_start3A] : memref<80x128xi32, #tpu.memory_space<vmem>> -> memref<1x128xi32, #tpu.memory_space<vmem>>
      %dma_start3A_217 = tpu.memref_squeeze %dma_start3A_216 : memref<1x128xi32, #tpu.memory_space<vmem>> -> memref<128xi32, #tpu.memory_space<vmem>>
      %dma_start3A_218 = arith.constant 0 : i32
      %dma_start3A_219 = tpu.memref_slice %arg7[%dma_start3A_218] : memref<10240xf32, #tpu.memory_space<vmem_shared>> -> memref<10240xf32, #tpu.memory_space<vmem_shared>>
      tpu.enqueue_indirect_dma source(%arg5 : memref<128xf32, #tpu.memory_space<vmem>>) target(%dma_start3A_219 : memref<10240xf32, #tpu.memory_space<vmem_shared>>) offsets(%dma_start3A_217 : memref<128xi32, #tpu.memory_space<vmem>>) semaphore(%arg8 : memref<!tpu.dma_semaphore, #tpu.memory_space<semaphore_mem>>) {add = true}
    }
    %scan3A_196 = arith.constant 8 : i32
    %scan3A_197 = arith.constant 0 : i32
    %scan3A_198 = arith.constant 72 : i32
    %scan3A_199 = arith.addi %scan3A_197, %scan3A_198 : i32
    %scan3A_200 = arith.constant 1 : i32
    scf.for %scan3A_211 = %scan3A_197 to %scan3A_199 step %scan3A_200  : i32 {
      %mul3A_212 = arith.constant 1 : i32
      %mul3A_213 = arith.muli %scan3A_211, %mul3A_212 : i32
      %add3A_214 = arith.constant 8 : i32
      %add3A_215 = arith.addi %add3A_214, %mul3A_213 : i32
      %dma_wait3A = arith.constant 0 : i32
      %dma_wait3A_216 = arith.constant 0 : i32
      %dma_wait3A_217 = tpu.memref_slice %arg4[%dma_wait3A, %dma_wait3A_216] : memref<80x128xi32, #tpu.memory_space<vmem>> -> memref<1x128xi32, #tpu.memory_space<vmem>>
      %dma_wait3A_218 = tpu.memref_squeeze %dma_wait3A_217 : memref<1x128xi32, #tpu.memory_space<vmem>> -> memref<128xi32, #tpu.memory_space<vmem>>
      %dma_wait3A_219 = arith.constant 0 : i32
      %dma_wait3A_220 = tpu.memref_slice %arg7[%dma_wait3A_219] : memref<10240xf32, #tpu.memory_space<vmem_shared>> -> memref<10240xf32, #tpu.memory_space<vmem_shared>>
      tpu.wait_indirect_dma semaphore(%arg8 : memref<!tpu.dma_semaphore, #tpu.memory_space<semaphore_mem>>) src(%arg5 : memref<128xf32, #tpu.memory_space<vmem>>) dst(%dma_wait3A_220 : memref<10240xf32, #tpu.memory_space<vmem_shared>>)
      %dma_start3A = arith.constant 0 : i32
      %dma_start3A_221 = tpu.memref_slice %arg4[%add3A_215, %dma_start3A] : memref<80x128xi32, #tpu.memory_space<vmem>> -> memref<1x128xi32, #tpu.memory_space<vmem>>
      %dma_start3A_222 = tpu.memref_squeeze %dma_start3A_221 : memref<1x128xi32, #tpu.memory_space<vmem>> -> memref<128xi32, #tpu.memory_space<vmem>>
      %dma_start3A_223 = arith.constant 0 : i32
      %dma_start3A_224 = tpu.memref_slice %arg7[%dma_start3A_223] : memref<10240xf32, #tpu.memory_space<vmem_shared>> -> memref<10240xf32, #tpu.memory_space<vmem_shared>>
      tpu.enqueue_indirect_dma source(%arg5 : memref<128xf32, #tpu.memory_space<vmem>>) target(%dma_start3A_224 : memref<10240xf32, #tpu.memory_space<vmem_shared>>) offsets(%dma_start3A_222 : memref<128xi32, #tpu.memory_space<vmem>>) semaphore(%arg8 : memref<!tpu.dma_semaphore, #tpu.memory_space<semaphore_mem>>) {add = true}
    }
    %scan3A_201 = arith.constant 72 : i32
    %scan3A_202 = arith.constant 0 : i32
    %scan3A_203 = arith.constant 8 : i32
    %scan3A_204 = arith.addi %scan3A_202, %scan3A_203 : i32
    %scan3A_205 = arith.constant 1 : i32
    scf.for %scan3A_211 = %scan3A_202 to %scan3A_204 step %scan3A_205  : i32 {
      %mul3A_212 = arith.constant 1 : i32
      %mul3A_213 = arith.muli %scan3A_211, %mul3A_212 : i32
      %add3A_214 = arith.constant 0 : i32
      %add3A_215 = arith.addi %add3A_214, %mul3A_213 : i32
      %dma_wait3A = arith.constant 0 : i32
      %dma_wait3A_216 = arith.constant 0 : i32
      %dma_wait3A_217 = tpu.memref_slice %arg4[%dma_wait3A, %dma_wait3A_216] : memref<80x128xi32, #tpu.memory_space<vmem>> -> memref<1x128xi32, #tpu.memory_space<vmem>>
      %dma_wait3A_218 = tpu.memref_squeeze %dma_wait3A_217 : memref<1x128xi32, #tpu.memory_space<vmem>> -> memref<128xi32, #tpu.memory_space<vmem>>
      %dma_wait3A_219 = arith.constant 0 : i32
      %dma_wait3A_220 = tpu.memref_slice %arg7[%dma_wait3A_219] : memref<10240xf32, #tpu.memory_space<vmem_shared>> -> memref<10240xf32, #tpu.memory_space<vmem_shared>>
      tpu.wait_indirect_dma semaphore(%arg8 : memref<!tpu.dma_semaphore, #tpu.memory_space<semaphore_mem>>) src(%arg5 : memref<128xf32, #tpu.memory_space<vmem>>) dst(%dma_wait3A_220 : memref<10240xf32, #tpu.memory_space<vmem_shared>>)
    }
    %scan3A_206 = arith.constant 8 : i32
    %barrier3A_207 = arith.constant 0 : index
    tpu.barrier barrier_id(%barrier3A_207)
    "tpu.region"() ({
      %run_scoped3A = tpu.sem_alloc : memref<!tpu.dma_semaphore, #tpu.memory_space<semaphore_mem>>
      %dma_start3A = tpu.memref_slice %arg7[%mul3A_2] : memref<10240xf32, #tpu.memory_space<vmem_shared>> -> memref<640xf32, #tpu.memory_space<vmem_shared>>
      %dma_start3A_211 = tpu.memref_slice %arg7[%mul3A_2] : memref<10240xf32, #tpu.memory_space<vmem_shared>> -> memref<640xf32, #tpu.memory_space<vmem_shared>>
      tpu.enqueue_dma source(%dma_start3A_211 : memref<640xf32, #tpu.memory_space<vmem_shared>>) target(%arg6 : memref<640xf32, #tpu.memory_space<vmem>>) target_semaphore(%run_scoped3A : memref<!tpu.dma_semaphore, #tpu.memory_space<semaphore_mem>>)
      %dma_wait3A = tpu.memref_slice %arg7[%mul3A_2] : memref<10240xf32, #tpu.memory_space<vmem_shared>> -> memref<640xf32, #tpu.memory_space<vmem_shared>>
      %dma_wait3A_212 = tpu.memref_slice %arg7[%mul3A_2] : memref<10240xf32, #tpu.memory_space<vmem_shared>> -> memref<640xf32, #tpu.memory_space<vmem_shared>>
      tpu.wait_dma2 semaphore(%run_scoped3A : memref<!tpu.dma_semaphore, #tpu.memory_space<semaphore_mem>>) src(%dma_wait3A_212 : memref<640xf32, #tpu.memory_space<vmem_shared>>) dst(%arg6 : memref<640xf32, #tpu.memory_space<vmem>>)
      tpu.yield
    }) : () -> ()
    %mul3A_208 = arith.constant 10240 : i32
    %mul3A_209 = arith.muli %arg0, %mul3A_208 : i32
    %add3A_210 = arith.addi %mul3A_209, %mul3A_2 : i32
    "tpu.region"() ({
      %run_scoped3A = tpu.sem_alloc : memref<!tpu.dma_semaphore, #tpu.memory_space<semaphore_mem>>
      %dma_start3A = tpu.memref_slice %arg3[%add3A_210] : memref<20480xf32, #tpu.memory_space<hbm>> -> memref<640xf32, #tpu.memory_space<hbm>>
      %dma_start3A_211 = tpu.memref_slice %arg3[%add3A_210] : memref<20480xf32, #tpu.memory_space<hbm>> -> memref<640xf32, #tpu.memory_space<hbm>>
      tpu.enqueue_dma source(%arg6 : memref<640xf32, #tpu.memory_space<vmem>>) target(%dma_start3A_211 : memref<640xf32, #tpu.memory_space<hbm>>) target_semaphore(%run_scoped3A : memref<!tpu.dma_semaphore, #tpu.memory_space<semaphore_mem>>)
      %dma_wait3A = tpu.memref_slice %arg3[%add3A_210] : memref<20480xf32, #tpu.memory_space<hbm>> -> memref<640xf32, #tpu.memory_space<hbm>>
      %dma_wait3A_212 = tpu.memref_slice %arg3[%add3A_210] : memref<20480xf32, #tpu.memory_space<hbm>> -> memref<640xf32, #tpu.memory_space<hbm>>
      tpu.wait_dma2 semaphore(%run_scoped3A : memref<!tpu.dma_semaphore, #tpu.memory_space<semaphore_mem>>) src(%arg6 : memref<640xf32, #tpu.memory_space<vmem>>) dst(%dma_wait3A_212 : memref<640xf32, #tpu.memory_space<hbm>>)
      tpu.yield
    }) : () -> ()
    return
  }
}

#map = affine_map<(d0, d1) -> (0, 0, 0)>
#map1 = affine_map<(d0, d1) -> (0, 0)>
module attributes {stable_mosaic.version = 14 : i64} {
  func.func @_wide_body(%arg0: i32, %arg1: i32, %arg2: memref<32x80x128xi32, #tpu.memory_space<hbm>>, %arg3: memref<32x80x128xi32, #tpu.memory_space<hbm>>, %arg4: memref<10240x128xf32, #tpu.memory_space<hbm>>, %arg5: memref<2x10240x128xf32, #tpu.memory_space<hbm>>, %arg6: memref<40x128xi32, #tpu.memory_space<vmem>>, %arg7: memref<40x128xi32, #tpu.memory_space<vmem>>, %arg8: memref<128x128xf32, #tpu.memory_space<vmem>>, %arg9: memref<128x128xf32, #tpu.memory_space<vmem>>, %arg10: memref<10240x128xf32, #tpu.memory_space<vmem_shared>>, %arg11: memref<!tpu.dma_semaphore, #tpu.memory_space<semaphore_mem>>, %arg12: memref<!tpu.dma_semaphore, #tpu.memory_space<semaphore_mem>>) attributes {dimension_semantics = [#tpu.dimension_semantics<core_parallel>, #tpu.dimension_semantics<subcore_parallel>], iteration_bounds = array<i64: 2, 16>, scalar_prefetch = 0 : i64, scratch_operands = 7 : i64, tpu.core_type = #tpu.core_type<sc_vector_subcore>, window_params = [{transform_indices = #map}, {transform_indices = #map}, {transform_indices = #map1}, {transform_indices = #map}]} {
    %mul3A = arith.constant 2 : i32
    %mul3A_0 = arith.muli %arg1, %mul3A : i32
    %add3A = arith.addi %mul3A_0, %arg0 : i32
    %mul3A_1 = arith.constant 640 : i32
    %mul3A_2 = arith.muli %arg1, %mul3A_1 : i32
    %scan3A = arith.constant 0 : i32
    %scan3A_3 = arith.constant 128 : i32
    %scan3A_4 = arith.addi %scan3A, %scan3A_3 : i32
    %scan3A_5 = arith.constant 1 : i32
    scf.for %scan3A_85 = %scan3A to %scan3A_4 step %scan3A_5  : i32 {
      %mul3A_86 = arith.constant 1 : i32
      %mul3A_87 = arith.muli %scan3A_85, %mul3A_86 : i32
      %add3A_88 = arith.constant 0 : i32
      %add3A_89 = arith.addi %add3A_88, %mul3A_87 : i32
      %broadcast_in_dim3A = arith.constant 0.000000e+00 : f32
      %broadcast_in_dim3A_90 = vector.broadcast %broadcast_in_dim3A : f32 to vector<16xf32>
      %swap3A = arith.index_cast %add3A_89 : i32 to index
      %swap3A_91 = arith.constant 0 : index
      %swap3A_92 = tpu.vector_load %arg8[%swap3A, %swap3A_91] {strides = array<i32>} : memref<128x128xf32, #tpu.memory_space<vmem>>, vector<16xf32>,
      tpu.vector_store %arg8[%swap3A, %swap3A_91], %broadcast_in_dim3A_90 {strides = array<i32>} : memref<128x128xf32, #tpu.memory_space<vmem>>, vector<16xf32>,
      %broadcast_in_dim3A_93 = arith.constant 0.000000e+00 : f32
      %broadcast_in_dim3A_94 = vector.broadcast %broadcast_in_dim3A_93 : f32 to vector<16xf32>
      %swap3A_95 = arith.index_cast %add3A_89 : i32 to index
      %swap3A_96 = arith.constant 16 : index
      %swap3A_97 = tpu.vector_load %arg8[%swap3A_95, %swap3A_96] {strides = array<i32>} : memref<128x128xf32, #tpu.memory_space<vmem>>, vector<16xf32>,
      tpu.vector_store %arg8[%swap3A_95, %swap3A_96], %broadcast_in_dim3A_94 {strides = array<i32>} : memref<128x128xf32, #tpu.memory_space<vmem>>, vector<16xf32>,
      %broadcast_in_dim3A_98 = arith.constant 0.000000e+00 : f32
      %broadcast_in_dim3A_99 = vector.broadcast %broadcast_in_dim3A_98 : f32 to vector<16xf32>
      %swap3A_100 = arith.index_cast %add3A_89 : i32 to index
      %swap3A_101 = arith.constant 32 : index
      %swap3A_102 = tpu.vector_load %arg8[%swap3A_100, %swap3A_101] {strides = array<i32>} : memref<128x128xf32, #tpu.memory_space<vmem>>, vector<16xf32>,
      tpu.vector_store %arg8[%swap3A_100, %swap3A_101], %broadcast_in_dim3A_99 {strides = array<i32>} : memref<128x128xf32, #tpu.memory_space<vmem>>, vector<16xf32>,
      %broadcast_in_dim3A_103 = arith.constant 0.000000e+00 : f32
      %broadcast_in_dim3A_104 = vector.broadcast %broadcast_in_dim3A_103 : f32 to vector<16xf32>
      %swap3A_105 = arith.index_cast %add3A_89 : i32 to index
      %swap3A_106 = arith.constant 48 : index
      %swap3A_107 = tpu.vector_load %arg8[%swap3A_105, %swap3A_106] {strides = array<i32>} : memref<128x128xf32, #tpu.memory_space<vmem>>, vector<16xf32>,
      tpu.vector_store %arg8[%swap3A_105, %swap3A_106], %broadcast_in_dim3A_104 {strides = array<i32>} : memref<128x128xf32, #tpu.memory_space<vmem>>, vector<16xf32>,
      %broadcast_in_dim3A_108 = arith.constant 0.000000e+00 : f32
      %broadcast_in_dim3A_109 = vector.broadcast %broadcast_in_dim3A_108 : f32 to vector<16xf32>
      %swap3A_110 = arith.index_cast %add3A_89 : i32 to index
      %swap3A_111 = arith.constant 64 : index
      %swap3A_112 = tpu.vector_load %arg8[%swap3A_110, %swap3A_111] {strides = array<i32>} : memref<128x128xf32, #tpu.memory_space<vmem>>, vector<16xf32>,
      tpu.vector_store %arg8[%swap3A_110, %swap3A_111], %broadcast_in_dim3A_109 {strides = array<i32>} : memref<128x128xf32, #tpu.memory_space<vmem>>, vector<16xf32>,
      %broadcast_in_dim3A_113 = arith.constant 0.000000e+00 : f32
      %broadcast_in_dim3A_114 = vector.broadcast %broadcast_in_dim3A_113 : f32 to vector<16xf32>
      %swap3A_115 = arith.index_cast %add3A_89 : i32 to index
      %swap3A_116 = arith.constant 80 : index
      %swap3A_117 = tpu.vector_load %arg8[%swap3A_115, %swap3A_116] {strides = array<i32>} : memref<128x128xf32, #tpu.memory_space<vmem>>, vector<16xf32>,
      tpu.vector_store %arg8[%swap3A_115, %swap3A_116], %broadcast_in_dim3A_114 {strides = array<i32>} : memref<128x128xf32, #tpu.memory_space<vmem>>, vector<16xf32>,
      %broadcast_in_dim3A_118 = arith.constant 0.000000e+00 : f32
      %broadcast_in_dim3A_119 = vector.broadcast %broadcast_in_dim3A_118 : f32 to vector<16xf32>
      %swap3A_120 = arith.index_cast %add3A_89 : i32 to index
      %swap3A_121 = arith.constant 96 : index
      %swap3A_122 = tpu.vector_load %arg8[%swap3A_120, %swap3A_121] {strides = array<i32>} : memref<128x128xf32, #tpu.memory_space<vmem>>, vector<16xf32>,
      tpu.vector_store %arg8[%swap3A_120, %swap3A_121], %broadcast_in_dim3A_119 {strides = array<i32>} : memref<128x128xf32, #tpu.memory_space<vmem>>, vector<16xf32>,
      %broadcast_in_dim3A_123 = arith.constant 0.000000e+00 : f32
      %broadcast_in_dim3A_124 = vector.broadcast %broadcast_in_dim3A_123 : f32 to vector<16xf32>
      %swap3A_125 = arith.index_cast %add3A_89 : i32 to index
      %swap3A_126 = arith.constant 112 : index
      %swap3A_127 = tpu.vector_load %arg8[%swap3A_125, %swap3A_126] {strides = array<i32>} : memref<128x128xf32, #tpu.memory_space<vmem>>, vector<16xf32>,
      tpu.vector_store %arg8[%swap3A_125, %swap3A_126], %broadcast_in_dim3A_124 {strides = array<i32>} : memref<128x128xf32, #tpu.memory_space<vmem>>, vector<16xf32>,
    }
    %scan3A_6 = arith.constant 128 : i32
    %scan3A_7 = arith.constant 0 : i32
    %scan3A_8 = arith.constant 5 : i32
    %scan3A_9 = arith.addi %scan3A_7, %scan3A_8 : i32
    %scan3A_10 = arith.constant 1 : i32
    scf.for %scan3A_85 = %scan3A_7 to %scan3A_9 step %scan3A_10  : i32 {
      %mul3A_86 = arith.constant 1 : i32
      %mul3A_87 = arith.muli %scan3A_85, %mul3A_86 : i32
      %add3A_88 = arith.constant 0 : i32
      %add3A_89 = arith.addi %add3A_88, %mul3A_87 : i32
      %mul3A_90 = arith.constant 128 : i32
      %mul3A_91 = arith.muli %mul3A_90, %add3A_89 : i32
      %add3A_92 = arith.addi %mul3A_2, %mul3A_91 : i32
      "tpu.region"() ({
        %run_scoped3A_93 = tpu.sem_alloc : memref<!tpu.dma_semaphore, #tpu.memory_space<semaphore_mem>>
        %dma_start3A_94 = arith.constant 0 : i32
        %dma_start3A_95 = arith.constant 0 : i32
        %dma_start3A_96 = tpu.memref_slice %arg8[%dma_start3A_94, %dma_start3A_95] : memref<128x128xf32, #tpu.memory_space<vmem>> -> memref<128x128xf32, #tpu.memory_space<vmem>>
        %dma_start3A_97 = arith.constant 0 : i32
        %dma_start3A_98 = tpu.memref_slice %arg10[%add3A_92, %dma_start3A_97] : memref<10240x128xf32, #tpu.memory_space<vmem_shared>> -> memref<128x128xf32, #tpu.memory_space<vmem_shared>>
        %dma_start3A_99 = arith.constant 0 : i32
        %dma_start3A_100 = tpu.memref_slice %arg10[%add3A_92, %dma_start3A_99] : memref<10240x128xf32, #tpu.memory_space<vmem_shared>> -> memref<128x128xf32, #tpu.memory_space<vmem_shared>>
        %dma_start3A_101 = arith.constant 0 : i32
        %dma_start3A_102 = arith.constant 0 : i32
        %dma_start3A_103 = tpu.memref_slice %arg8[%dma_start3A_101, %dma_start3A_102] : memref<128x128xf32, #tpu.memory_space<vmem>> -> memref<128x128xf32, #tpu.memory_space<vmem>>
        tpu.enqueue_dma source(%dma_start3A_103 : memref<128x128xf32, #tpu.memory_space<vmem>>) target(%dma_start3A_100 : memref<128x128xf32, #tpu.memory_space<vmem_shared>>) target_semaphore(%run_scoped3A_93 : memref<!tpu.dma_semaphore, #tpu.memory_space<semaphore_mem>>)
        %dma_wait3A_104 = arith.constant 0 : i32
        %dma_wait3A_105 = arith.constant 0 : i32
        %dma_wait3A_106 = tpu.memref_slice %arg8[%dma_wait3A_104, %dma_wait3A_105] : memref<128x128xf32, #tpu.memory_space<vmem>> -> memref<128x128xf32, #tpu.memory_space<vmem>>
        %dma_wait3A_107 = arith.constant 0 : i32
        %dma_wait3A_108 = tpu.memref_slice %arg10[%add3A_92, %dma_wait3A_107] : memref<10240x128xf32, #tpu.memory_space<vmem_shared>> -> memref<128x128xf32, #tpu.memory_space<vmem_shared>>
        %dma_wait3A_109 = arith.constant 0 : i32
        %dma_wait3A_110 = tpu.memref_slice %arg10[%add3A_92, %dma_wait3A_109] : memref<10240x128xf32, #tpu.memory_space<vmem_shared>> -> memref<128x128xf32, #tpu.memory_space<vmem_shared>>
        %dma_wait3A_111 = arith.constant 0 : i32
        %dma_wait3A_112 = arith.constant 0 : i32
        %dma_wait3A_113 = tpu.memref_slice %arg8[%dma_wait3A_111, %dma_wait3A_112] : memref<128x128xf32, #tpu.memory_space<vmem>> -> memref<128x128xf32, #tpu.memory_space<vmem>>
        tpu.wait_dma2 semaphore(%run_scoped3A_93 : memref<!tpu.dma_semaphore, #tpu.memory_space<semaphore_mem>>) src(%dma_wait3A_113 : memref<128x128xf32, #tpu.memory_space<vmem>>) dst(%dma_wait3A_110 : memref<128x128xf32, #tpu.memory_space<vmem_shared>>)
        tpu.yield
      }) : () -> ()
    }
    %scan3A_11 = arith.constant 5 : i32
    %barrier3A = arith.constant 0 : index
    tpu.barrier barrier_id(%barrier3A)
    "tpu.region"() ({
      %run_scoped3A_85 = tpu.sem_alloc : memref<!tpu.dma_semaphore, #tpu.memory_space<semaphore_mem>>
      %dma_start3A_86 = arith.constant 0 : i32
      %dma_start3A_87 = arith.constant 0 : i32
      %dma_start3A_88 = tpu.memref_slice %arg2[%add3A, %dma_start3A_86, %dma_start3A_87] : memref<32x80x128xi32, #tpu.memory_space<hbm>> -> memref<1x40x128xi32, #tpu.memory_space<hbm>>
      %dma_start3A_89 = tpu.memref_squeeze %dma_start3A_88 : memref<1x40x128xi32, #tpu.memory_space<hbm>> -> memref<40x128xi32, #tpu.memory_space<hbm>>
      %dma_start3A_90 = arith.constant 0 : i32
      %dma_start3A_91 = arith.constant 0 : i32
      %dma_start3A_92 = tpu.memref_slice %arg2[%add3A, %dma_start3A_90, %dma_start3A_91] : memref<32x80x128xi32, #tpu.memory_space<hbm>> -> memref<1x40x128xi32, #tpu.memory_space<hbm>>
      %dma_start3A_93 = tpu.memref_squeeze %dma_start3A_92 : memref<1x40x128xi32, #tpu.memory_space<hbm>> -> memref<40x128xi32, #tpu.memory_space<hbm>>
      tpu.enqueue_dma source(%dma_start3A_93 : memref<40x128xi32, #tpu.memory_space<hbm>>) target(%arg6 : memref<40x128xi32, #tpu.memory_space<vmem>>) target_semaphore(%run_scoped3A_85 : memref<!tpu.dma_semaphore, #tpu.memory_space<semaphore_mem>>)
      %dma_wait3A_94 = arith.constant 0 : i32
      %dma_wait3A_95 = arith.constant 0 : i32
      %dma_wait3A_96 = tpu.memref_slice %arg2[%add3A, %dma_wait3A_94, %dma_wait3A_95] : memref<32x80x128xi32, #tpu.memory_space<hbm>> -> memref<1x40x128xi32, #tpu.memory_space<hbm>>
      %dma_wait3A_97 = tpu.memref_squeeze %dma_wait3A_96 : memref<1x40x128xi32, #tpu.memory_space<hbm>> -> memref<40x128xi32, #tpu.memory_space<hbm>>
      %dma_wait3A_98 = arith.constant 0 : i32
      %dma_wait3A_99 = arith.constant 0 : i32
      %dma_wait3A_100 = tpu.memref_slice %arg2[%add3A, %dma_wait3A_98, %dma_wait3A_99] : memref<32x80x128xi32, #tpu.memory_space<hbm>> -> memref<1x40x128xi32, #tpu.memory_space<hbm>>
      %dma_wait3A_101 = tpu.memref_squeeze %dma_wait3A_100 : memref<1x40x128xi32, #tpu.memory_space<hbm>> -> memref<40x128xi32, #tpu.memory_space<hbm>>
      tpu.wait_dma2 semaphore(%run_scoped3A_85 : memref<!tpu.dma_semaphore, #tpu.memory_space<semaphore_mem>>) src(%dma_wait3A_101 : memref<40x128xi32, #tpu.memory_space<hbm>>) dst(%arg6 : memref<40x128xi32, #tpu.memory_space<vmem>>)
      tpu.yield
    }) : () -> ()
    "tpu.region"() ({
      %run_scoped3A_85 = tpu.sem_alloc : memref<!tpu.dma_semaphore, #tpu.memory_space<semaphore_mem>>
      %dma_start3A_86 = arith.constant 0 : i32
      %dma_start3A_87 = arith.constant 0 : i32
      %dma_start3A_88 = tpu.memref_slice %arg3[%add3A, %dma_start3A_86, %dma_start3A_87] : memref<32x80x128xi32, #tpu.memory_space<hbm>> -> memref<1x40x128xi32, #tpu.memory_space<hbm>>
      %dma_start3A_89 = tpu.memref_squeeze %dma_start3A_88 : memref<1x40x128xi32, #tpu.memory_space<hbm>> -> memref<40x128xi32, #tpu.memory_space<hbm>>
      %dma_start3A_90 = arith.constant 0 : i32
      %dma_start3A_91 = arith.constant 0 : i32
      %dma_start3A_92 = tpu.memref_slice %arg3[%add3A, %dma_start3A_90, %dma_start3A_91] : memref<32x80x128xi32, #tpu.memory_space<hbm>> -> memref<1x40x128xi32, #tpu.memory_space<hbm>>
      %dma_start3A_93 = tpu.memref_squeeze %dma_start3A_92 : memref<1x40x128xi32, #tpu.memory_space<hbm>> -> memref<40x128xi32, #tpu.memory_space<hbm>>
      tpu.enqueue_dma source(%dma_start3A_93 : memref<40x128xi32, #tpu.memory_space<hbm>>) target(%arg7 : memref<40x128xi32, #tpu.memory_space<vmem>>) target_semaphore(%run_scoped3A_85 : memref<!tpu.dma_semaphore, #tpu.memory_space<semaphore_mem>>)
      %dma_wait3A_94 = arith.constant 0 : i32
      %dma_wait3A_95 = arith.constant 0 : i32
      %dma_wait3A_96 = tpu.memref_slice %arg3[%add3A, %dma_wait3A_94, %dma_wait3A_95] : memref<32x80x128xi32, #tpu.memory_space<hbm>> -> memref<1x40x128xi32, #tpu.memory_space<hbm>>
      %dma_wait3A_97 = tpu.memref_squeeze %dma_wait3A_96 : memref<1x40x128xi32, #tpu.memory_space<hbm>> -> memref<40x128xi32, #tpu.memory_space<hbm>>
      %dma_wait3A_98 = arith.constant 0 : i32
      %dma_wait3A_99 = arith.constant 0 : i32
      %dma_wait3A_100 = tpu.memref_slice %arg3[%add3A, %dma_wait3A_98, %dma_wait3A_99] : memref<32x80x128xi32, #tpu.memory_space<hbm>> -> memref<1x40x128xi32, #tpu.memory_space<hbm>>
      %dma_wait3A_101 = tpu.memref_squeeze %dma_wait3A_100 : memref<1x40x128xi32, #tpu.memory_space<hbm>> -> memref<40x128xi32, #tpu.memory_space<hbm>>
      tpu.wait_dma2 semaphore(%run_scoped3A_85 : memref<!tpu.dma_semaphore, #tpu.memory_space<semaphore_mem>>) src(%dma_wait3A_101 : memref<40x128xi32, #tpu.memory_space<hbm>>) dst(%arg7 : memref<40x128xi32, #tpu.memory_space<vmem>>)
      tpu.yield
    }) : () -> ()
    %dma_start3A = arith.constant 0 : i32
    %dma_start3A_12 = arith.constant 0 : i32
    %dma_start3A_13 = tpu.memref_slice %arg6[%dma_start3A, %dma_start3A_12] : memref<40x128xi32, #tpu.memory_space<vmem>> -> memref<1x128xi32, #tpu.memory_space<vmem>>
    %dma_start3A_14 = tpu.memref_squeeze %dma_start3A_13 : memref<1x128xi32, #tpu.memory_space<vmem>> -> memref<128xi32, #tpu.memory_space<vmem>>
    %dma_start3A_15 = arith.constant 0 : i32
    %dma_start3A_16 = arith.constant 0 : i32
    %dma_start3A_17 = tpu.memref_slice %arg4[%dma_start3A_15, %dma_start3A_16] : memref<10240x128xf32, #tpu.memory_space<hbm>> -> memref<10240x128xf32, #tpu.memory_space<hbm>>
    tpu.enqueue_indirect_dma source(%dma_start3A_17 : memref<10240x128xf32, #tpu.memory_space<hbm>>) target(%arg8 : memref<128x128xf32, #tpu.memory_space<vmem>>) offsets(%dma_start3A_14 : memref<128xi32, #tpu.memory_space<vmem>>) semaphore(%arg11 : memref<!tpu.dma_semaphore, #tpu.memory_space<semaphore_mem>>)
    %scan3A_18 = arith.constant 0 : i32
    %scan3A_19 = arith.constant 19 : i32
    %scan3A_20 = arith.addi %scan3A_18, %scan3A_19 : i32
    %scan3A_21 = arith.constant 1 : i32
    scf.for %scan3A_85 = %scan3A_18 to %scan3A_20 step %scan3A_21  : i32 {
      %mul3A_86 = arith.constant 1 : i32
      %mul3A_87 = arith.muli %scan3A_85, %mul3A_86 : i32
      %add3A_88 = arith.constant 0 : i32
      %add3A_89 = arith.addi %add3A_88, %mul3A_87 : i32
      %mul3A_90 = arith.constant 2 : i32
      %mul3A_91 = arith.muli %mul3A_90, %add3A_89 : i32
      %add3A_92 = arith.constant 1 : i32
      %add3A_93 = arith.addi %mul3A_91, %add3A_92 : i32
      %dma_start3A_94 = arith.constant 0 : i32
      %dma_start3A_95 = tpu.memref_slice %arg6[%add3A_93, %dma_start3A_94] : memref<40x128xi32, #tpu.memory_space<vmem>> -> memref<1x128xi32, #tpu.memory_space<vmem>>
      %dma_start3A_96 = tpu.memref_squeeze %dma_start3A_95 : memref<1x128xi32, #tpu.memory_space<vmem>> -> memref<128xi32, #tpu.memory_space<vmem>>
      %dma_start3A_97 = arith.constant 0 : i32
      %dma_start3A_98 = arith.constant 0 : i32
      %dma_start3A_99 = tpu.memref_slice %arg4[%dma_start3A_97, %dma_start3A_98] : memref<10240x128xf32, #tpu.memory_space<hbm>> -> memref<10240x128xf32, #tpu.memory_space<hbm>>
      tpu.enqueue_indirect_dma source(%dma_start3A_99 : memref<10240x128xf32, #tpu.memory_space<hbm>>) target(%arg9 : memref<128x128xf32, #tpu.memory_space<vmem>>) offsets(%dma_start3A_96 : memref<128xi32, #tpu.memory_space<vmem>>) semaphore(%arg12 : memref<!tpu.dma_semaphore, #tpu.memory_space<semaphore_mem>>)
      %dma_wait3A_100 = arith.constant 0 : i32
      %dma_wait3A_101 = tpu.memref_slice %arg6[%mul3A_91, %dma_wait3A_100] : memref<40x128xi32, #tpu.memory_space<vmem>> -> memref<1x128xi32, #tpu.memory_space<vmem>>
      %dma_wait3A_102 = tpu.memref_squeeze %dma_wait3A_101 : memref<1x128xi32, #tpu.memory_space<vmem>> -> memref<128xi32, #tpu.memory_space<vmem>>
      %dma_wait3A_103 = arith.constant 0 : i32
      %dma_wait3A_104 = arith.constant 0 : i32
      %dma_wait3A_105 = tpu.memref_slice %arg4[%dma_wait3A_103, %dma_wait3A_104] : memref<10240x128xf32, #tpu.memory_space<hbm>> -> memref<10240x128xf32, #tpu.memory_space<hbm>>
      tpu.wait_indirect_dma semaphore(%arg11 : memref<!tpu.dma_semaphore, #tpu.memory_space<semaphore_mem>>) src(%dma_wait3A_105 : memref<10240x128xf32, #tpu.memory_space<hbm>>) dst(%arg8 : memref<128x128xf32, #tpu.memory_space<vmem>>)
      "tpu.region"() ({
        %run_scoped3A_124 = tpu.sem_alloc : memref<!tpu.dma_semaphore, #tpu.memory_space<semaphore_mem>>
        %dma_start3A_125 = arith.constant 0 : i32
        %dma_start3A_126 = tpu.memref_slice %arg7[%mul3A_91, %dma_start3A_125] : memref<40x128xi32, #tpu.memory_space<vmem>> -> memref<1x128xi32, #tpu.memory_space<vmem>>
        %dma_start3A_127 = tpu.memref_squeeze %dma_start3A_126 : memref<1x128xi32, #tpu.memory_space<vmem>> -> memref<128xi32, #tpu.memory_space<vmem>>
        %dma_start3A_128 = arith.constant 0 : i32
        %dma_start3A_129 = arith.constant 0 : i32
        %dma_start3A_130 = tpu.memref_slice %arg10[%dma_start3A_128, %dma_start3A_129] : memref<10240x128xf32, #tpu.memory_space<vmem_shared>> -> memref<10240x128xf32, #tpu.memory_space<vmem_shared>>
        tpu.enqueue_indirect_dma source(%arg8 : memref<128x128xf32, #tpu.memory_space<vmem>>) target(%dma_start3A_130 : memref<10240x128xf32, #tpu.memory_space<vmem_shared>>) offsets(%dma_start3A_127 : memref<128xi32, #tpu.memory_space<vmem>>) semaphore(%run_scoped3A_124 : memref<!tpu.dma_semaphore, #tpu.memory_space<semaphore_mem>>) {add = true}
        %dma_wait3A_131 = arith.constant 0 : i32
        %dma_wait3A_132 = tpu.memref_slice %arg7[%mul3A_91, %dma_wait3A_131] : memref<40x128xi32, #tpu.memory_space<vmem>> -> memref<1x128xi32, #tpu.memory_space<vmem>>
        %dma_wait3A_133 = tpu.memref_squeeze %dma_wait3A_132 : memref<1x128xi32, #tpu.memory_space<vmem>> -> memref<128xi32, #tpu.memory_space<vmem>>
        %dma_wait3A_134 = arith.constant 0 : i32
        %dma_wait3A_135 = arith.constant 0 : i32
        %dma_wait3A_136 = tpu.memref_slice %arg10[%dma_wait3A_134, %dma_wait3A_135] : memref<10240x128xf32, #tpu.memory_space<vmem_shared>> -> memref<10240x128xf32, #tpu.memory_space<vmem_shared>>
        tpu.wait_indirect_dma semaphore(%run_scoped3A_124 : memref<!tpu.dma_semaphore, #tpu.memory_space<semaphore_mem>>) src(%arg8 : memref<128x128xf32, #tpu.memory_space<vmem>>) dst(%dma_wait3A_136 : memref<10240x128xf32, #tpu.memory_space<vmem_shared>>)
        tpu.yield
      }) : () -> ()
      %add3A_106 = arith.constant 2 : i32
      %add3A_107 = arith.addi %mul3A_91, %add3A_106 : i32
      %dma_start3A_108 = arith.constant 0 : i32
      %dma_start3A_109 = tpu.memref_slice %arg6[%add3A_107, %dma_start3A_108] : memref<40x128xi32, #tpu.memory_space<vmem>> -> memref<1x128xi32, #tpu.memory_space<vmem>>
      %dma_start3A_110 = tpu.memref_squeeze %dma_start3A_109 : memref<1x128xi32, #tpu.memory_space<vmem>> -> memref<128xi32, #tpu.memory_space<vmem>>
      %dma_start3A_111 = arith.constant 0 : i32
      %dma_start3A_112 = arith.constant 0 : i32
      %dma_start3A_113 = tpu.memref_slice %arg4[%dma_start3A_111, %dma_start3A_112] : memref<10240x128xf32, #tpu.memory_space<hbm>> -> memref<10240x128xf32, #tpu.memory_space<hbm>>
      tpu.enqueue_indirect_dma source(%dma_start3A_113 : memref<10240x128xf32, #tpu.memory_space<hbm>>) target(%arg8 : memref<128x128xf32, #tpu.memory_space<vmem>>) offsets(%dma_start3A_110 : memref<128xi32, #tpu.memory_space<vmem>>) semaphore(%arg11 : memref<!tpu.dma_semaphore, #tpu.memory_space<semaphore_mem>>)
      %add3A_114 = arith.constant 1 : i32
      %add3A_115 = arith.addi %mul3A_91, %add3A_114 : i32
      %dma_wait3A_116 = arith.constant 0 : i32
      %dma_wait3A_117 = tpu.memref_slice %arg6[%add3A_115, %dma_wait3A_116] : memref<40x128xi32, #tpu.memory_space<vmem>> -> memref<1x128xi32, #tpu.memory_space<vmem>>
      %dma_wait3A_118 = tpu.memref_squeeze %dma_wait3A_117 : memref<1x128xi32, #tpu.memory_space<vmem>> -> memref<128xi32, #tpu.memory_space<vmem>>
      %dma_wait3A_119 = arith.constant 0 : i32
      %dma_wait3A_120 = arith.constant 0 : i32
      %dma_wait3A_121 = tpu.memref_slice %arg4[%dma_wait3A_119, %dma_wait3A_120] : memref<10240x128xf32, #tpu.memory_space<hbm>> -> memref<10240x128xf32, #tpu.memory_space<hbm>>
      tpu.wait_indirect_dma semaphore(%arg12 : memref<!tpu.dma_semaphore, #tpu.memory_space<semaphore_mem>>) src(%dma_wait3A_121 : memref<10240x128xf32, #tpu.memory_space<hbm>>) dst(%arg9 : memref<128x128xf32, #tpu.memory_space<vmem>>)
      %add3A_122 = arith.constant 1 : i32
      %add3A_123 = arith.addi %mul3A_91, %add3A_122 : i32
      "tpu.region"() ({
        %run_scoped3A_124 = tpu.sem_alloc : memref<!tpu.dma_semaphore, #tpu.memory_space<semaphore_mem>>
        %dma_start3A_125 = arith.constant 0 : i32
        %dma_start3A_126 = tpu.memref_slice %arg7[%add3A_123, %dma_start3A_125] : memref<40x128xi32, #tpu.memory_space<vmem>> -> memref<1x128xi32, #tpu.memory_space<vmem>>
        %dma_start3A_127 = tpu.memref_squeeze %dma_start3A_126 : memref<1x128xi32, #tpu.memory_space<vmem>> -> memref<128xi32, #tpu.memory_space<vmem>>
        %dma_start3A_128 = arith.constant 0 : i32
        %dma_start3A_129 = arith.constant 0 : i32
        %dma_start3A_130 = tpu.memref_slice %arg10[%dma_start3A_128, %dma_start3A_129] : memref<10240x128xf32, #tpu.memory_space<vmem_shared>> -> memref<10240x128xf32, #tpu.memory_space<vmem_shared>>
        tpu.enqueue_indirect_dma source(%arg9 : memref<128x128xf32, #tpu.memory_space<vmem>>) target(%dma_start3A_130 : memref<10240x128xf32, #tpu.memory_space<vmem_shared>>) offsets(%dma_start3A_127 : memref<128xi32, #tpu.memory_space<vmem>>) semaphore(%run_scoped3A_124 : memref<!tpu.dma_semaphore, #tpu.memory_space<semaphore_mem>>) {add = true}
        %dma_wait3A_131 = arith.constant 0 : i32
        %dma_wait3A_132 = tpu.memref_slice %arg7[%add3A_123, %dma_wait3A_131] : memref<40x128xi32, #tpu.memory_space<vmem>> -> memref<1x128xi32, #tpu.memory_space<vmem>>
        %dma_wait3A_133 = tpu.memref_squeeze %dma_wait3A_132 : memref<1x128xi32, #tpu.memory_space<vmem>> -> memref<128xi32, #tpu.memory_space<vmem>>
        %dma_wait3A_134 = arith.constant 0 : i32
        %dma_wait3A_135 = arith.constant 0 : i32
        %dma_wait3A_136 = tpu.memref_slice %arg10[%dma_wait3A_134, %dma_wait3A_135] : memref<10240x128xf32, #tpu.memory_space<vmem_shared>> -> memref<10240x128xf32, #tpu.memory_space<vmem_shared>>
        tpu.wait_indirect_dma semaphore(%run_scoped3A_124 : memref<!tpu.dma_semaphore, #tpu.memory_space<semaphore_mem>>) src(%arg9 : memref<128x128xf32, #tpu.memory_space<vmem>>) dst(%dma_wait3A_136 : memref<10240x128xf32, #tpu.memory_space<vmem_shared>>)
        tpu.yield
      }) : () -> ()
    }
    %scan3A_22 = arith.constant 19 : i32
    %dma_start3A_23 = arith.constant 39 : i32
    %dma_start3A_24 = arith.constant 0 : i32
    %dma_start3A_25 = tpu.memref_slice %arg6[%dma_start3A_23, %dma_start3A_24] : memref<40x128xi32, #tpu.memory_space<vmem>> -> memref<1x128xi32, #tpu.memory_space<vmem>>
    %dma_start3A_26 = tpu.memref_squeeze %dma_start3A_25 : memref<1x128xi32, #tpu.memory_space<vmem>> -> memref<128xi32, #tpu.memory_space<vmem>>
    %dma_start3A_27 = arith.constant 0 : i32
    %dma_start3A_28 = arith.constant 0 : i32
    %dma_start3A_29 = tpu.memref_slice %arg4[%dma_start3A_27, %dma_start3A_28] : memref<10240x128xf32, #tpu.memory_space<hbm>> -> memref<10240x128xf32, #tpu.memory_space<hbm>>
    tpu.enqueue_indirect_dma source(%dma_start3A_29 : memref<10240x128xf32, #tpu.memory_space<hbm>>) target(%arg9 : memref<128x128xf32, #tpu.memory_space<vmem>>) offsets(%dma_start3A_26 : memref<128xi32, #tpu.memory_space<vmem>>) semaphore(%arg12 : memref<!tpu.dma_semaphore, #tpu.memory_space<semaphore_mem>>)
    %dma_wait3A = arith.constant 38 : i32
    %dma_wait3A_30 = arith.constant 0 : i32
    %dma_wait3A_31 = tpu.memref_slice %arg6[%dma_wait3A, %dma_wait3A_30] : memref<40x128xi32, #tpu.memory_space<vmem>> -> memref<1x128xi32, #tpu.memory_space<vmem>>
    %dma_wait3A_32 = tpu.memref_squeeze %dma_wait3A_31 : memref<1x128xi32, #tpu.memory_space<vmem>> -> memref<128xi32, #tpu.memory_space<vmem>>
    %dma_wait3A_33 = arith.constant 0 : i32
    %dma_wait3A_34 = arith.constant 0 : i32
    %dma_wait3A_35 = tpu.memref_slice %arg4[%dma_wait3A_33, %dma_wait3A_34] : memref<10240x128xf32, #tpu.memory_space<hbm>> -> memref<10240x128xf32, #tpu.memory_space<hbm>>
    tpu.wait_indirect_dma semaphore(%arg11 : memref<!tpu.dma_semaphore, #tpu.memory_space<semaphore_mem>>) src(%dma_wait3A_35 : memref<10240x128xf32, #tpu.memory_space<hbm>>) dst(%arg8 : memref<128x128xf32, #tpu.memory_space<vmem>>)
    %run_scoped3A = arith.constant 38 : i32
    "tpu.region"() ({
      %run_scoped3A_85 = tpu.sem_alloc : memref<!tpu.dma_semaphore, #tpu.memory_space<semaphore_mem>>
      %dma_start3A_86 = arith.constant 0 : i32
      %dma_start3A_87 = tpu.memref_slice %arg7[%run_scoped3A, %dma_start3A_86] : memref<40x128xi32, #tpu.memory_space<vmem>> -> memref<1x128xi32, #tpu.memory_space<vmem>>
      %dma_start3A_88 = tpu.memref_squeeze %dma_start3A_87 : memref<1x128xi32, #tpu.memory_space<vmem>> -> memref<128xi32, #tpu.memory_space<vmem>>
      %dma_start3A_89 = arith.constant 0 : i32
      %dma_start3A_90 = arith.constant 0 : i32
      %dma_start3A_91 = tpu.memref_slice %arg10[%dma_start3A_89, %dma_start3A_90] : memref<10240x128xf32, #tpu.memory_space<vmem_shared>> -> memref<10240x128xf32, #tpu.memory_space<vmem_shared>>
      tpu.enqueue_indirect_dma source(%arg8 : memref<128x128xf32, #tpu.memory_space<vmem>>) target(%dma_start3A_91 : memref<10240x128xf32, #tpu.memory_space<vmem_shared>>) offsets(%dma_start3A_88 : memref<128xi32, #tpu.memory_space<vmem>>) semaphore(%run_scoped3A_85 : memref<!tpu.dma_semaphore, #tpu.memory_space<semaphore_mem>>) {add = true}
      %dma_wait3A_92 = arith.constant 0 : i32
      %dma_wait3A_93 = tpu.memref_slice %arg7[%run_scoped3A, %dma_wait3A_92] : memref<40x128xi32, #tpu.memory_space<vmem>> -> memref<1x128xi32, #tpu.memory_space<vmem>>
      %dma_wait3A_94 = tpu.memref_squeeze %dma_wait3A_93 : memref<1x128xi32, #tpu.memory_space<vmem>> -> memref<128xi32, #tpu.memory_space<vmem>>
      %dma_wait3A_95 = arith.constant 0 : i32
      %dma_wait3A_96 = arith.constant 0 : i32
      %dma_wait3A_97 = tpu.memref_slice %arg10[%dma_wait3A_95, %dma_wait3A_96] : memref<10240x128xf32, #tpu.memory_space<vmem_shared>> -> memref<10240x128xf32, #tpu.memory_space<vmem_shared>>
      tpu.wait_indirect_dma semaphore(%run_scoped3A_85 : memref<!tpu.dma_semaphore, #tpu.memory_space<semaphore_mem>>) src(%arg8 : memref<128x128xf32, #tpu.memory_space<vmem>>) dst(%dma_wait3A_97 : memref<10240x128xf32, #tpu.memory_space<vmem_shared>>)
      tpu.yield
    }) : () -> ()
    %dma_wait3A_36 = arith.constant 39 : i32
    %dma_wait3A_37 = arith.constant 0 : i32
    %dma_wait3A_38 = tpu.memref_slice %arg6[%dma_wait3A_36, %dma_wait3A_37] : memref<40x128xi32, #tpu.memory_space<vmem>> -> memref<1x128xi32, #tpu.memory_space<vmem>>
    %dma_wait3A_39 = tpu.memref_squeeze %dma_wait3A_38 : memref<1x128xi32, #tpu.memory_space<vmem>> -> memref<128xi32, #tpu.memory_space<vmem>>
    %dma_wait3A_40 = arith.constant 0 : i32
    %dma_wait3A_41 = arith.constant 0 : i32
    %dma_wait3A_42 = tpu.memref_slice %arg4[%dma_wait3A_40, %dma_wait3A_41] : memref<10240x128xf32, #tpu.memory_space<hbm>> -> memref<10240x128xf32, #tpu.memory_space<hbm>>
    tpu.wait_indirect_dma semaphore(%arg12 : memref<!tpu.dma_semaphore, #tpu.memory_space<semaphore_mem>>) src(%dma_wait3A_42 : memref<10240x128xf32, #tpu.memory_space<hbm>>) dst(%arg9 : memref<128x128xf32, #tpu.memory_space<vmem>>)
    %run_scoped3A_43 = arith.constant 39 : i32
    "tpu.region"() ({
      %run_scoped3A_85 = tpu.sem_alloc : memref<!tpu.dma_semaphore, #tpu.memory_space<semaphore_mem>>
      %dma_start3A_86 = arith.constant 0 : i32
      %dma_start3A_87 = tpu.memref_slice %arg7[%run_scoped3A_43, %dma_start3A_86] : memref<40x128xi32, #tpu.memory_space<vmem>> -> memref<1x128xi32, #tpu.memory_space<vmem>>
      %dma_start3A_88 = tpu.memref_squeeze %dma_start3A_87 : memref<1x128xi32, #tpu.memory_space<vmem>> -> memref<128xi32, #tpu.memory_space<vmem>>
      %dma_start3A_89 = arith.constant 0 : i32
      %dma_start3A_90 = arith.constant 0 : i32
      %dma_start3A_91 = tpu.memref_slice %arg10[%dma_start3A_89, %dma_start3A_90] : memref<10240x128xf32, #tpu.memory_space<vmem_shared>> -> memref<10240x128xf32, #tpu.memory_space<vmem_shared>>
      tpu.enqueue_indirect_dma source(%arg9 : memref<128x128xf32, #tpu.memory_space<vmem>>) target(%dma_start3A_91 : memref<10240x128xf32, #tpu.memory_space<vmem_shared>>) offsets(%dma_start3A_88 : memref<128xi32, #tpu.memory_space<vmem>>) semaphore(%run_scoped3A_85 : memref<!tpu.dma_semaphore, #tpu.memory_space<semaphore_mem>>) {add = true}
      %dma_wait3A_92 = arith.constant 0 : i32
      %dma_wait3A_93 = tpu.memref_slice %arg7[%run_scoped3A_43, %dma_wait3A_92] : memref<40x128xi32, #tpu.memory_space<vmem>> -> memref<1x128xi32, #tpu.memory_space<vmem>>
      %dma_wait3A_94 = tpu.memref_squeeze %dma_wait3A_93 : memref<1x128xi32, #tpu.memory_space<vmem>> -> memref<128xi32, #tpu.memory_space<vmem>>
      %dma_wait3A_95 = arith.constant 0 : i32
      %dma_wait3A_96 = arith.constant 0 : i32
      %dma_wait3A_97 = tpu.memref_slice %arg10[%dma_wait3A_95, %dma_wait3A_96] : memref<10240x128xf32, #tpu.memory_space<vmem_shared>> -> memref<10240x128xf32, #tpu.memory_space<vmem_shared>>
      tpu.wait_indirect_dma semaphore(%run_scoped3A_85 : memref<!tpu.dma_semaphore, #tpu.memory_space<semaphore_mem>>) src(%arg9 : memref<128x128xf32, #tpu.memory_space<vmem>>) dst(%dma_wait3A_97 : memref<10240x128xf32, #tpu.memory_space<vmem_shared>>)
      tpu.yield
    }) : () -> ()
    "tpu.region"() ({
      %run_scoped3A_85 = tpu.sem_alloc : memref<!tpu.dma_semaphore, #tpu.memory_space<semaphore_mem>>
      %dma_start3A_86 = arith.constant 40 : i32
      %dma_start3A_87 = arith.constant 0 : i32
      %dma_start3A_88 = tpu.memref_slice %arg2[%add3A, %dma_start3A_86, %dma_start3A_87] : memref<32x80x128xi32, #tpu.memory_space<hbm>> -> memref<1x40x128xi32, #tpu.memory_space<hbm>>
      %dma_start3A_89 = tpu.memref_squeeze %dma_start3A_88 : memref<1x40x128xi32, #tpu.memory_space<hbm>> -> memref<40x128xi32, #tpu.memory_space<hbm>>
      %dma_start3A_90 = arith.constant 40 : i32
      %dma_start3A_91 = arith.constant 0 : i32
      %dma_start3A_92 = tpu.memref_slice %arg2[%add3A, %dma_start3A_90, %dma_start3A_91] : memref<32x80x128xi32, #tpu.memory_space<hbm>> -> memref<1x40x128xi32, #tpu.memory_space<hbm>>
      %dma_start3A_93 = tpu.memref_squeeze %dma_start3A_92 : memref<1x40x128xi32, #tpu.memory_space<hbm>> -> memref<40x128xi32, #tpu.memory_space<hbm>>
      tpu.enqueue_dma source(%dma_start3A_93 : memref<40x128xi32, #tpu.memory_space<hbm>>) target(%arg6 : memref<40x128xi32, #tpu.memory_space<vmem>>) target_semaphore(%run_scoped3A_85 : memref<!tpu.dma_semaphore, #tpu.memory_space<semaphore_mem>>)
      %dma_wait3A_94 = arith.constant 40 : i32
      %dma_wait3A_95 = arith.constant 0 : i32
      %dma_wait3A_96 = tpu.memref_slice %arg2[%add3A, %dma_wait3A_94, %dma_wait3A_95] : memref<32x80x128xi32, #tpu.memory_space<hbm>> -> memref<1x40x128xi32, #tpu.memory_space<hbm>>
      %dma_wait3A_97 = tpu.memref_squeeze %dma_wait3A_96 : memref<1x40x128xi32, #tpu.memory_space<hbm>> -> memref<40x128xi32, #tpu.memory_space<hbm>>
      %dma_wait3A_98 = arith.constant 40 : i32
      %dma_wait3A_99 = arith.constant 0 : i32
      %dma_wait3A_100 = tpu.memref_slice %arg2[%add3A, %dma_wait3A_98, %dma_wait3A_99] : memref<32x80x128xi32, #tpu.memory_space<hbm>> -> memref<1x40x128xi32, #tpu.memory_space<hbm>>
      %dma_wait3A_101 = tpu.memref_squeeze %dma_wait3A_100 : memref<1x40x128xi32, #tpu.memory_space<hbm>> -> memref<40x128xi32, #tpu.memory_space<hbm>>
      tpu.wait_dma2 semaphore(%run_scoped3A_85 : memref<!tpu.dma_semaphore, #tpu.memory_space<semaphore_mem>>) src(%dma_wait3A_101 : memref<40x128xi32, #tpu.memory_space<hbm>>) dst(%arg6 : memref<40x128xi32, #tpu.memory_space<vmem>>)
      tpu.yield
    }) : () -> ()
    "tpu.region"() ({
      %run_scoped3A_85 = tpu.sem_alloc : memref<!tpu.dma_semaphore, #tpu.memory_space<semaphore_mem>>
      %dma_start3A_86 = arith.constant 40 : i32
      %dma_start3A_87 = arith.constant 0 : i32
      %dma_start3A_88 = tpu.memref_slice %arg3[%add3A, %dma_start3A_86, %dma_start3A_87] : memref<32x80x128xi32, #tpu.memory_space<hbm>> -> memref<1x40x128xi32, #tpu.memory_space<hbm>>
      %dma_start3A_89 = tpu.memref_squeeze %dma_start3A_88 : memref<1x40x128xi32, #tpu.memory_space<hbm>> -> memref<40x128xi32, #tpu.memory_space<hbm>>
      %dma_start3A_90 = arith.constant 40 : i32
      %dma_start3A_91 = arith.constant 0 : i32
      %dma_start3A_92 = tpu.memref_slice %arg3[%add3A, %dma_start3A_90, %dma_start3A_91] : memref<32x80x128xi32, #tpu.memory_space<hbm>> -> memref<1x40x128xi32, #tpu.memory_space<hbm>>
      %dma_start3A_93 = tpu.memref_squeeze %dma_start3A_92 : memref<1x40x128xi32, #tpu.memory_space<hbm>> -> memref<40x128xi32, #tpu.memory_space<hbm>>
      tpu.enqueue_dma source(%dma_start3A_93 : memref<40x128xi32, #tpu.memory_space<hbm>>) target(%arg7 : memref<40x128xi32, #tpu.memory_space<vmem>>) target_semaphore(%run_scoped3A_85 : memref<!tpu.dma_semaphore, #tpu.memory_space<semaphore_mem>>)
      %dma_wait3A_94 = arith.constant 40 : i32
      %dma_wait3A_95 = arith.constant 0 : i32
      %dma_wait3A_96 = tpu.memref_slice %arg3[%add3A, %dma_wait3A_94, %dma_wait3A_95] : memref<32x80x128xi32, #tpu.memory_space<hbm>> -> memref<1x40x128xi32, #tpu.memory_space<hbm>>
      %dma_wait3A_97 = tpu.memref_squeeze %dma_wait3A_96 : memref<1x40x128xi32, #tpu.memory_space<hbm>> -> memref<40x128xi32, #tpu.memory_space<hbm>>
      %dma_wait3A_98 = arith.constant 40 : i32
      %dma_wait3A_99 = arith.constant 0 : i32
      %dma_wait3A_100 = tpu.memref_slice %arg3[%add3A, %dma_wait3A_98, %dma_wait3A_99] : memref<32x80x128xi32, #tpu.memory_space<hbm>> -> memref<1x40x128xi32, #tpu.memory_space<hbm>>
      %dma_wait3A_101 = tpu.memref_squeeze %dma_wait3A_100 : memref<1x40x128xi32, #tpu.memory_space<hbm>> -> memref<40x128xi32, #tpu.memory_space<hbm>>
      tpu.wait_dma2 semaphore(%run_scoped3A_85 : memref<!tpu.dma_semaphore, #tpu.memory_space<semaphore_mem>>) src(%dma_wait3A_101 : memref<40x128xi32, #tpu.memory_space<hbm>>) dst(%arg7 : memref<40x128xi32, #tpu.memory_space<vmem>>)
      tpu.yield
    }) : () -> ()
    %dma_start3A_44 = arith.constant 0 : i32
    %dma_start3A_45 = arith.constant 0 : i32
    %dma_start3A_46 = tpu.memref_slice %arg6[%dma_start3A_44, %dma_start3A_45] : memref<40x128xi32, #tpu.memory_space<vmem>> -> memref<1x128xi32, #tpu.memory_space<vmem>>
    %dma_start3A_47 = tpu.memref_squeeze %dma_start3A_46 : memref<1x128xi32, #tpu.memory_space<vmem>> -> memref<128xi32, #tpu.memory_space<vmem>>
    %dma_start3A_48 = arith.constant 0 : i32
    %dma_start3A_49 = arith.constant 0 : i32
    %dma_start3A_50 = tpu.memref_slice %arg4[%dma_start3A_48, %dma_start3A_49] : memref<10240x128xf32, #tpu.memory_space<hbm>> -> memref<10240x128xf32, #tpu.memory_space<hbm>>
    tpu.enqueue_indirect_dma source(%dma_start3A_50 : memref<10240x128xf32, #tpu.memory_space<hbm>>) target(%arg8 : memref<128x128xf32, #tpu.memory_space<vmem>>) offsets(%dma_start3A_47 : memref<128xi32, #tpu.memory_space<vmem>>) semaphore(%arg11 : memref<!tpu.dma_semaphore, #tpu.memory_space<semaphore_mem>>)
    %scan3A_51 = arith.constant 0 : i32
    %scan3A_52 = arith.constant 19 : i32
    %scan3A_53 = arith.addi %scan3A_51, %scan3A_52 : i32
    %scan3A_54 = arith.constant 1 : i32
    scf.for %scan3A_85 = %scan3A_51 to %scan3A_53 step %scan3A_54  : i32 {
      %mul3A_86 = arith.constant 1 : i32
      %mul3A_87 = arith.muli %scan3A_85, %mul3A_86 : i32
      %add3A_88 = arith.constant 0 : i32
      %add3A_89 = arith.addi %add3A_88, %mul3A_87 : i32
      %mul3A_90 = arith.constant 2 : i32
      %mul3A_91 = arith.muli %mul3A_90, %add3A_89 : i32
      %add3A_92 = arith.constant 1 : i32
      %add3A_93 = arith.addi %mul3A_91, %add3A_92 : i32
      %dma_start3A_94 = arith.constant 0 : i32
      %dma_start3A_95 = tpu.memref_slice %arg6[%add3A_93, %dma_start3A_94] : memref<40x128xi32, #tpu.memory_space<vmem>> -> memref<1x128xi32, #tpu.memory_space<vmem>>
      %dma_start3A_96 = tpu.memref_squeeze %dma_start3A_95 : memref<1x128xi32, #tpu.memory_space<vmem>> -> memref<128xi32, #tpu.memory_space<vmem>>
      %dma_start3A_97 = arith.constant 0 : i32
      %dma_start3A_98 = arith.constant 0 : i32
      %dma_start3A_99 = tpu.memref_slice %arg4[%dma_start3A_97, %dma_start3A_98] : memref<10240x128xf32, #tpu.memory_space<hbm>> -> memref<10240x128xf32, #tpu.memory_space<hbm>>
      tpu.enqueue_indirect_dma source(%dma_start3A_99 : memref<10240x128xf32, #tpu.memory_space<hbm>>) target(%arg9 : memref<128x128xf32, #tpu.memory_space<vmem>>) offsets(%dma_start3A_96 : memref<128xi32, #tpu.memory_space<vmem>>) semaphore(%arg12 : memref<!tpu.dma_semaphore, #tpu.memory_space<semaphore_mem>>)
      %dma_wait3A_100 = arith.constant 0 : i32
      %dma_wait3A_101 = tpu.memref_slice %arg6[%mul3A_91, %dma_wait3A_100] : memref<40x128xi32, #tpu.memory_space<vmem>> -> memref<1x128xi32, #tpu.memory_space<vmem>>
      %dma_wait3A_102 = tpu.memref_squeeze %dma_wait3A_101 : memref<1x128xi32, #tpu.memory_space<vmem>> -> memref<128xi32, #tpu.memory_space<vmem>>
      %dma_wait3A_103 = arith.constant 0 : i32
      %dma_wait3A_104 = arith.constant 0 : i32
      %dma_wait3A_105 = tpu.memref_slice %arg4[%dma_wait3A_103, %dma_wait3A_104] : memref<10240x128xf32, #tpu.memory_space<hbm>> -> memref<10240x128xf32, #tpu.memory_space<hbm>>
      tpu.wait_indirect_dma semaphore(%arg11 : memref<!tpu.dma_semaphore, #tpu.memory_space<semaphore_mem>>) src(%dma_wait3A_105 : memref<10240x128xf32, #tpu.memory_space<hbm>>) dst(%arg8 : memref<128x128xf32, #tpu.memory_space<vmem>>)
      "tpu.region"() ({
        %run_scoped3A_124 = tpu.sem_alloc : memref<!tpu.dma_semaphore, #tpu.memory_space<semaphore_mem>>
        %dma_start3A_125 = arith.constant 0 : i32
        %dma_start3A_126 = tpu.memref_slice %arg7[%mul3A_91, %dma_start3A_125] : memref<40x128xi32, #tpu.memory_space<vmem>> -> memref<1x128xi32, #tpu.memory_space<vmem>>
        %dma_start3A_127 = tpu.memref_squeeze %dma_start3A_126 : memref<1x128xi32, #tpu.memory_space<vmem>> -> memref<128xi32, #tpu.memory_space<vmem>>
        %dma_start3A_128 = arith.constant 0 : i32
        %dma_start3A_129 = arith.constant 0 : i32
        %dma_start3A_130 = tpu.memref_slice %arg10[%dma_start3A_128, %dma_start3A_129] : memref<10240x128xf32, #tpu.memory_space<vmem_shared>> -> memref<10240x128xf32, #tpu.memory_space<vmem_shared>>
        tpu.enqueue_indirect_dma source(%arg8 : memref<128x128xf32, #tpu.memory_space<vmem>>) target(%dma_start3A_130 : memref<10240x128xf32, #tpu.memory_space<vmem_shared>>) offsets(%dma_start3A_127 : memref<128xi32, #tpu.memory_space<vmem>>) semaphore(%run_scoped3A_124 : memref<!tpu.dma_semaphore, #tpu.memory_space<semaphore_mem>>) {add = true}
        %dma_wait3A_131 = arith.constant 0 : i32
        %dma_wait3A_132 = tpu.memref_slice %arg7[%mul3A_91, %dma_wait3A_131] : memref<40x128xi32, #tpu.memory_space<vmem>> -> memref<1x128xi32, #tpu.memory_space<vmem>>
        %dma_wait3A_133 = tpu.memref_squeeze %dma_wait3A_132 : memref<1x128xi32, #tpu.memory_space<vmem>> -> memref<128xi32, #tpu.memory_space<vmem>>
        %dma_wait3A_134 = arith.constant 0 : i32
        %dma_wait3A_135 = arith.constant 0 : i32
        %dma_wait3A_136 = tpu.memref_slice %arg10[%dma_wait3A_134, %dma_wait3A_135] : memref<10240x128xf32, #tpu.memory_space<vmem_shared>> -> memref<10240x128xf32, #tpu.memory_space<vmem_shared>>
        tpu.wait_indirect_dma semaphore(%run_scoped3A_124 : memref<!tpu.dma_semaphore, #tpu.memory_space<semaphore_mem>>) src(%arg8 : memref<128x128xf32, #tpu.memory_space<vmem>>) dst(%dma_wait3A_136 : memref<10240x128xf32, #tpu.memory_space<vmem_shared>>)
        tpu.yield
      }) : () -> ()
      %add3A_106 = arith.constant 2 : i32
      %add3A_107 = arith.addi %mul3A_91, %add3A_106 : i32
      %dma_start3A_108 = arith.constant 0 : i32
      %dma_start3A_109 = tpu.memref_slice %arg6[%add3A_107, %dma_start3A_108] : memref<40x128xi32, #tpu.memory_space<vmem>> -> memref<1x128xi32, #tpu.memory_space<vmem>>
      %dma_start3A_110 = tpu.memref_squeeze %dma_start3A_109 : memref<1x128xi32, #tpu.memory_space<vmem>> -> memref<128xi32, #tpu.memory_space<vmem>>
      %dma_start3A_111 = arith.constant 0 : i32
      %dma_start3A_112 = arith.constant 0 : i32
      %dma_start3A_113 = tpu.memref_slice %arg4[%dma_start3A_111, %dma_start3A_112] : memref<10240x128xf32, #tpu.memory_space<hbm>> -> memref<10240x128xf32, #tpu.memory_space<hbm>>
      tpu.enqueue_indirect_dma source(%dma_start3A_113 : memref<10240x128xf32, #tpu.memory_space<hbm>>) target(%arg8 : memref<128x128xf32, #tpu.memory_space<vmem>>) offsets(%dma_start3A_110 : memref<128xi32, #tpu.memory_space<vmem>>) semaphore(%arg11 : memref<!tpu.dma_semaphore, #tpu.memory_space<semaphore_mem>>)
      %add3A_114 = arith.constant 1 : i32
      %add3A_115 = arith.addi %mul3A_91, %add3A_114 : i32
      %dma_wait3A_116 = arith.constant 0 : i32
      %dma_wait3A_117 = tpu.memref_slice %arg6[%add3A_115, %dma_wait3A_116] : memref<40x128xi32, #tpu.memory_space<vmem>> -> memref<1x128xi32, #tpu.memory_space<vmem>>
      %dma_wait3A_118 = tpu.memref_squeeze %dma_wait3A_117 : memref<1x128xi32, #tpu.memory_space<vmem>> -> memref<128xi32, #tpu.memory_space<vmem>>
      %dma_wait3A_119 = arith.constant 0 : i32
      %dma_wait3A_120 = arith.constant 0 : i32
      %dma_wait3A_121 = tpu.memref_slice %arg4[%dma_wait3A_119, %dma_wait3A_120] : memref<10240x128xf32, #tpu.memory_space<hbm>> -> memref<10240x128xf32, #tpu.memory_space<hbm>>
      tpu.wait_indirect_dma semaphore(%arg12 : memref<!tpu.dma_semaphore, #tpu.memory_space<semaphore_mem>>) src(%dma_wait3A_121 : memref<10240x128xf32, #tpu.memory_space<hbm>>) dst(%arg9 : memref<128x128xf32, #tpu.memory_space<vmem>>)
      %add3A_122 = arith.constant 1 : i32
      %add3A_123 = arith.addi %mul3A_91, %add3A_122 : i32
      "tpu.region"() ({
        %run_scoped3A_124 = tpu.sem_alloc : memref<!tpu.dma_semaphore, #tpu.memory_space<semaphore_mem>>
        %dma_start3A_125 = arith.constant 0 : i32
        %dma_start3A_126 = tpu.memref_slice %arg7[%add3A_123, %dma_start3A_125] : memref<40x128xi32, #tpu.memory_space<vmem>> -> memref<1x128xi32, #tpu.memory_space<vmem>>
        %dma_start3A_127 = tpu.memref_squeeze %dma_start3A_126 : memref<1x128xi32, #tpu.memory_space<vmem>> -> memref<128xi32, #tpu.memory_space<vmem>>
        %dma_start3A_128 = arith.constant 0 : i32
        %dma_start3A_129 = arith.constant 0 : i32
        %dma_start3A_130 = tpu.memref_slice %arg10[%dma_start3A_128, %dma_start3A_129] : memref<10240x128xf32, #tpu.memory_space<vmem_shared>> -> memref<10240x128xf32, #tpu.memory_space<vmem_shared>>
        tpu.enqueue_indirect_dma source(%arg9 : memref<128x128xf32, #tpu.memory_space<vmem>>) target(%dma_start3A_130 : memref<10240x128xf32, #tpu.memory_space<vmem_shared>>) offsets(%dma_start3A_127 : memref<128xi32, #tpu.memory_space<vmem>>) semaphore(%run_scoped3A_124 : memref<!tpu.dma_semaphore, #tpu.memory_space<semaphore_mem>>) {add = true}
        %dma_wait3A_131 = arith.constant 0 : i32
        %dma_wait3A_132 = tpu.memref_slice %arg7[%add3A_123, %dma_wait3A_131] : memref<40x128xi32, #tpu.memory_space<vmem>> -> memref<1x128xi32, #tpu.memory_space<vmem>>
        %dma_wait3A_133 = tpu.memref_squeeze %dma_wait3A_132 : memref<1x128xi32, #tpu.memory_space<vmem>> -> memref<128xi32, #tpu.memory_space<vmem>>
        %dma_wait3A_134 = arith.constant 0 : i32
        %dma_wait3A_135 = arith.constant 0 : i32
        %dma_wait3A_136 = tpu.memref_slice %arg10[%dma_wait3A_134, %dma_wait3A_135] : memref<10240x128xf32, #tpu.memory_space<vmem_shared>> -> memref<10240x128xf32, #tpu.memory_space<vmem_shared>>
        tpu.wait_indirect_dma semaphore(%run_scoped3A_124 : memref<!tpu.dma_semaphore, #tpu.memory_space<semaphore_mem>>) src(%arg9 : memref<128x128xf32, #tpu.memory_space<vmem>>) dst(%dma_wait3A_136 : memref<10240x128xf32, #tpu.memory_space<vmem_shared>>)
        tpu.yield
      }) : () -> ()
    }
    %scan3A_55 = arith.constant 19 : i32
    %dma_start3A_56 = arith.constant 39 : i32
    %dma_start3A_57 = arith.constant 0 : i32
    %dma_start3A_58 = tpu.memref_slice %arg6[%dma_start3A_56, %dma_start3A_57] : memref<40x128xi32, #tpu.memory_space<vmem>> -> memref<1x128xi32, #tpu.memory_space<vmem>>
    %dma_start3A_59 = tpu.memref_squeeze %dma_start3A_58 : memref<1x128xi32, #tpu.memory_space<vmem>> -> memref<128xi32, #tpu.memory_space<vmem>>
    %dma_start3A_60 = arith.constant 0 : i32
    %dma_start3A_61 = arith.constant 0 : i32
    %dma_start3A_62 = tpu.memref_slice %arg4[%dma_start3A_60, %dma_start3A_61] : memref<10240x128xf32, #tpu.memory_space<hbm>> -> memref<10240x128xf32, #tpu.memory_space<hbm>>
    tpu.enqueue_indirect_dma source(%dma_start3A_62 : memref<10240x128xf32, #tpu.memory_space<hbm>>) target(%arg9 : memref<128x128xf32, #tpu.memory_space<vmem>>) offsets(%dma_start3A_59 : memref<128xi32, #tpu.memory_space<vmem>>) semaphore(%arg12 : memref<!tpu.dma_semaphore, #tpu.memory_space<semaphore_mem>>)
    %dma_wait3A_63 = arith.constant 38 : i32
    %dma_wait3A_64 = arith.constant 0 : i32
    %dma_wait3A_65 = tpu.memref_slice %arg6[%dma_wait3A_63, %dma_wait3A_64] : memref<40x128xi32, #tpu.memory_space<vmem>> -> memref<1x128xi32, #tpu.memory_space<vmem>>
    %dma_wait3A_66 = tpu.memref_squeeze %dma_wait3A_65 : memref<1x128xi32, #tpu.memory_space<vmem>> -> memref<128xi32, #tpu.memory_space<vmem>>
    %dma_wait3A_67 = arith.constant 0 : i32
    %dma_wait3A_68 = arith.constant 0 : i32
    %dma_wait3A_69 = tpu.memref_slice %arg4[%dma_wait3A_67, %dma_wait3A_68] : memref<10240x128xf32, #tpu.memory_space<hbm>> -> memref<10240x128xf32, #tpu.memory_space<hbm>>
    tpu.wait_indirect_dma semaphore(%arg11 : memref<!tpu.dma_semaphore, #tpu.memory_space<semaphore_mem>>) src(%dma_wait3A_69 : memref<10240x128xf32, #tpu.memory_space<hbm>>) dst(%arg8 : memref<128x128xf32, #tpu.memory_space<vmem>>)
    %run_scoped3A_70 = arith.constant 38 : i32
    "tpu.region"() ({
      %run_scoped3A_85 = tpu.sem_alloc : memref<!tpu.dma_semaphore, #tpu.memory_space<semaphore_mem>>
      %dma_start3A_86 = arith.constant 0 : i32
      %dma_start3A_87 = tpu.memref_slice %arg7[%run_scoped3A_70, %dma_start3A_86] : memref<40x128xi32, #tpu.memory_space<vmem>> -> memref<1x128xi32, #tpu.memory_space<vmem>>
      %dma_start3A_88 = tpu.memref_squeeze %dma_start3A_87 : memref<1x128xi32, #tpu.memory_space<vmem>> -> memref<128xi32, #tpu.memory_space<vmem>>
      %dma_start3A_89 = arith.constant 0 : i32
      %dma_start3A_90 = arith.constant 0 : i32
      %dma_start3A_91 = tpu.memref_slice %arg10[%dma_start3A_89, %dma_start3A_90] : memref<10240x128xf32, #tpu.memory_space<vmem_shared>> -> memref<10240x128xf32, #tpu.memory_space<vmem_shared>>
      tpu.enqueue_indirect_dma source(%arg8 : memref<128x128xf32, #tpu.memory_space<vmem>>) target(%dma_start3A_91 : memref<10240x128xf32, #tpu.memory_space<vmem_shared>>) offsets(%dma_start3A_88 : memref<128xi32, #tpu.memory_space<vmem>>) semaphore(%run_scoped3A_85 : memref<!tpu.dma_semaphore, #tpu.memory_space<semaphore_mem>>) {add = true}
      %dma_wait3A_92 = arith.constant 0 : i32
      %dma_wait3A_93 = tpu.memref_slice %arg7[%run_scoped3A_70, %dma_wait3A_92] : memref<40x128xi32, #tpu.memory_space<vmem>> -> memref<1x128xi32, #tpu.memory_space<vmem>>
      %dma_wait3A_94 = tpu.memref_squeeze %dma_wait3A_93 : memref<1x128xi32, #tpu.memory_space<vmem>> -> memref<128xi32, #tpu.memory_space<vmem>>
      %dma_wait3A_95 = arith.constant 0 : i32
      %dma_wait3A_96 = arith.constant 0 : i32
      %dma_wait3A_97 = tpu.memref_slice %arg10[%dma_wait3A_95, %dma_wait3A_96] : memref<10240x128xf32, #tpu.memory_space<vmem_shared>> -> memref<10240x128xf32, #tpu.memory_space<vmem_shared>>
      tpu.wait_indirect_dma semaphore(%run_scoped3A_85 : memref<!tpu.dma_semaphore, #tpu.memory_space<semaphore_mem>>) src(%arg8 : memref<128x128xf32, #tpu.memory_space<vmem>>) dst(%dma_wait3A_97 : memref<10240x128xf32, #tpu.memory_space<vmem_shared>>)
      tpu.yield
    }) : () -> ()
    %dma_wait3A_71 = arith.constant 39 : i32
    %dma_wait3A_72 = arith.constant 0 : i32
    %dma_wait3A_73 = tpu.memref_slice %arg6[%dma_wait3A_71, %dma_wait3A_72] : memref<40x128xi32, #tpu.memory_space<vmem>> -> memref<1x128xi32, #tpu.memory_space<vmem>>
    %dma_wait3A_74 = tpu.memref_squeeze %dma_wait3A_73 : memref<1x128xi32, #tpu.memory_space<vmem>> -> memref<128xi32, #tpu.memory_space<vmem>>
    %dma_wait3A_75 = arith.constant 0 : i32
    %dma_wait3A_76 = arith.constant 0 : i32
    %dma_wait3A_77 = tpu.memref_slice %arg4[%dma_wait3A_75, %dma_wait3A_76] : memref<10240x128xf32, #tpu.memory_space<hbm>> -> memref<10240x128xf32, #tpu.memory_space<hbm>>
    tpu.wait_indirect_dma semaphore(%arg12 : memref<!tpu.dma_semaphore, #tpu.memory_space<semaphore_mem>>) src(%dma_wait3A_77 : memref<10240x128xf32, #tpu.memory_space<hbm>>) dst(%arg9 : memref<128x128xf32, #tpu.memory_space<vmem>>)
    %run_scoped3A_78 = arith.constant 39 : i32
    "tpu.region"() ({
      %run_scoped3A_85 = tpu.sem_alloc : memref<!tpu.dma_semaphore, #tpu.memory_space<semaphore_mem>>
      %dma_start3A_86 = arith.constant 0 : i32
      %dma_start3A_87 = tpu.memref_slice %arg7[%run_scoped3A_78, %dma_start3A_86] : memref<40x128xi32, #tpu.memory_space<vmem>> -> memref<1x128xi32, #tpu.memory_space<vmem>>
      %dma_start3A_88 = tpu.memref_squeeze %dma_start3A_87 : memref<1x128xi32, #tpu.memory_space<vmem>> -> memref<128xi32, #tpu.memory_space<vmem>>
      %dma_start3A_89 = arith.constant 0 : i32
      %dma_start3A_90 = arith.constant 0 : i32
      %dma_start3A_91 = tpu.memref_slice %arg10[%dma_start3A_89, %dma_start3A_90] : memref<10240x128xf32, #tpu.memory_space<vmem_shared>> -> memref<10240x128xf32, #tpu.memory_space<vmem_shared>>
      tpu.enqueue_indirect_dma source(%arg9 : memref<128x128xf32, #tpu.memory_space<vmem>>) target(%dma_start3A_91 : memref<10240x128xf32, #tpu.memory_space<vmem_shared>>) offsets(%dma_start3A_88 : memref<128xi32, #tpu.memory_space<vmem>>) semaphore(%run_scoped3A_85 : memref<!tpu.dma_semaphore, #tpu.memory_space<semaphore_mem>>) {add = true}
      %dma_wait3A_92 = arith.constant 0 : i32
      %dma_wait3A_93 = tpu.memref_slice %arg7[%run_scoped3A_78, %dma_wait3A_92] : memref<40x128xi32, #tpu.memory_space<vmem>> -> memref<1x128xi32, #tpu.memory_space<vmem>>
      %dma_wait3A_94 = tpu.memref_squeeze %dma_wait3A_93 : memref<1x128xi32, #tpu.memory_space<vmem>> -> memref<128xi32, #tpu.memory_space<vmem>>
      %dma_wait3A_95 = arith.constant 0 : i32
      %dma_wait3A_96 = arith.constant 0 : i32
      %dma_wait3A_97 = tpu.memref_slice %arg10[%dma_wait3A_95, %dma_wait3A_96] : memref<10240x128xf32, #tpu.memory_space<vmem_shared>> -> memref<10240x128xf32, #tpu.memory_space<vmem_shared>>
      tpu.wait_indirect_dma semaphore(%run_scoped3A_85 : memref<!tpu.dma_semaphore, #tpu.memory_space<semaphore_mem>>) src(%arg9 : memref<128x128xf32, #tpu.memory_space<vmem>>) dst(%dma_wait3A_97 : memref<10240x128xf32, #tpu.memory_space<vmem_shared>>)
      tpu.yield
    }) : () -> ()
    %barrier3A_79 = arith.constant 0 : index
    tpu.barrier barrier_id(%barrier3A_79)
    %scan3A_80 = arith.constant 0 : i32
    %scan3A_81 = arith.constant 5 : i32
    %scan3A_82 = arith.addi %scan3A_80, %scan3A_81 : i32
    %scan3A_83 = arith.constant 1 : i32
    scf.for %scan3A_85 = %scan3A_80 to %scan3A_82 step %scan3A_83  : i32 {
      %mul3A_86 = arith.constant 1 : i32
      %mul3A_87 = arith.muli %scan3A_85, %mul3A_86 : i32
      %add3A_88 = arith.constant 0 : i32
      %add3A_89 = arith.addi %add3A_88, %mul3A_87 : i32
      %mul3A_90 = arith.constant 128 : i32
      %mul3A_91 = arith.muli %mul3A_90, %add3A_89 : i32
      %add3A_92 = arith.addi %mul3A_2, %mul3A_91 : i32
      "tpu.region"() ({
        %run_scoped3A_96 = tpu.sem_alloc : memref<!tpu.dma_semaphore, #tpu.memory_space<semaphore_mem>>
        %dma_start3A_97 = arith.constant 0 : i32
        %dma_start3A_98 = arith.constant 0 : i32
        %dma_start3A_99 = tpu.memref_slice %arg8[%dma_start3A_97, %dma_start3A_98] : memref<128x128xf32, #tpu.memory_space<vmem>> -> memref<128x128xf32, #tpu.memory_space<vmem>>
        %dma_start3A_100 = arith.constant 0 : i32
        %dma_start3A_101 = tpu.memref_slice %arg10[%add3A_92, %dma_start3A_100] : memref<10240x128xf32, #tpu.memory_space<vmem_shared>> -> memref<128x128xf32, #tpu.memory_space<vmem_shared>>
        %dma_start3A_102 = arith.constant 0 : i32
        %dma_start3A_103 = arith.constant 0 : i32
        %dma_start3A_104 = tpu.memref_slice %arg8[%dma_start3A_102, %dma_start3A_103] : memref<128x128xf32, #tpu.memory_space<vmem>> -> memref<128x128xf32, #tpu.memory_space<vmem>>
        %dma_start3A_105 = arith.constant 0 : i32
        %dma_start3A_106 = tpu.memref_slice %arg10[%add3A_92, %dma_start3A_105] : memref<10240x128xf32, #tpu.memory_space<vmem_shared>> -> memref<128x128xf32, #tpu.memory_space<vmem_shared>>
        tpu.enqueue_dma source(%dma_start3A_106 : memref<128x128xf32, #tpu.memory_space<vmem_shared>>) target(%dma_start3A_104 : memref<128x128xf32, #tpu.memory_space<vmem>>) target_semaphore(%run_scoped3A_96 : memref<!tpu.dma_semaphore, #tpu.memory_space<semaphore_mem>>)
        %dma_wait3A_107 = arith.constant 0 : i32
        %dma_wait3A_108 = arith.constant 0 : i32
        %dma_wait3A_109 = tpu.memref_slice %arg8[%dma_wait3A_107, %dma_wait3A_108] : memref<128x128xf32, #tpu.memory_space<vmem>> -> memref<128x128xf32, #tpu.memory_space<vmem>>
        %dma_wait3A_110 = arith.constant 0 : i32
        %dma_wait3A_111 = tpu.memref_slice %arg10[%add3A_92, %dma_wait3A_110] : memref<10240x128xf32, #tpu.memory_space<vmem_shared>> -> memref<128x128xf32, #tpu.memory_space<vmem_shared>>
        %dma_wait3A_112 = arith.constant 0 : i32
        %dma_wait3A_113 = arith.constant 0 : i32
        %dma_wait3A_114 = tpu.memref_slice %arg8[%dma_wait3A_112, %dma_wait3A_113] : memref<128x128xf32, #tpu.memory_space<vmem>> -> memref<128x128xf32, #tpu.memory_space<vmem>>
        %dma_wait3A_115 = arith.constant 0 : i32
        %dma_wait3A_116 = tpu.memref_slice %arg10[%add3A_92, %dma_wait3A_115] : memref<10240x128xf32, #tpu.memory_space<vmem_shared>> -> memref<128x128xf32, #tpu.memory_space<vmem_shared>>
        tpu.wait_dma2 semaphore(%run_scoped3A_96 : memref<!tpu.dma_semaphore, #tpu.memory_space<semaphore_mem>>) src(%dma_wait3A_116 : memref<128x128xf32, #tpu.memory_space<vmem_shared>>) dst(%dma_wait3A_114 : memref<128x128xf32, #tpu.memory_space<vmem>>)
        tpu.yield
      }) : () -> ()
      %mul3A_93 = arith.constant 128 : i32
      %mul3A_94 = arith.muli %mul3A_93, %add3A_89 : i32
      %add3A_95 = arith.addi %mul3A_2, %mul3A_94 : i32
      "tpu.region"() ({
        %run_scoped3A_96 = tpu.sem_alloc : memref<!tpu.dma_semaphore, #tpu.memory_space<semaphore_mem>>
        %dma_start3A_97 = arith.constant 0 : i32
        %dma_start3A_98 = arith.constant 0 : i32
        %dma_start3A_99 = tpu.memref_slice %arg8[%dma_start3A_97, %dma_start3A_98] : memref<128x128xf32, #tpu.memory_space<vmem>> -> memref<128x128xf32, #tpu.memory_space<vmem>>
        %dma_start3A_100 = arith.constant 0 : i32
        %dma_start3A_101 = tpu.memref_slice %arg5[%arg0, %add3A_95, %dma_start3A_100] : memref<2x10240x128xf32, #tpu.memory_space<hbm>> -> memref<1x128x128xf32, #tpu.memory_space<hbm>>
        %dma_start3A_102 = tpu.memref_squeeze %dma_start3A_101 : memref<1x128x128xf32, #tpu.memory_space<hbm>> -> memref<128x128xf32, #tpu.memory_space<hbm>>
        %dma_start3A_103 = arith.constant 0 : i32
        %dma_start3A_104 = tpu.memref_slice %arg5[%arg0, %add3A_95, %dma_start3A_103] : memref<2x10240x128xf32, #tpu.memory_space<hbm>> -> memref<1x128x128xf32, #tpu.memory_space<hbm>>
        %dma_start3A_105 = tpu.memref_squeeze %dma_start3A_104 : memref<1x128x128xf32, #tpu.memory_space<hbm>> -> memref<128x128xf32, #tpu.memory_space<hbm>>
        %dma_start3A_106 = arith.constant 0 : i32
        %dma_start3A_107 = arith.constant 0 : i32
        %dma_start3A_108 = tpu.memref_slice %arg8[%dma_start3A_106, %dma_start3A_107] : memref<128x128xf32, #tpu.memory_space<vmem>> -> memref<128x128xf32, #tpu.memory_space<vmem>>
        tpu.enqueue_dma source(%dma_start3A_108 : memref<128x128xf32, #tpu.memory_space<vmem>>) target(%dma_start3A_105 : memref<128x128xf32, #tpu.memory_space<hbm>>) target_semaphore(%run_scoped3A_96 : memref<!tpu.dma_semaphore, #tpu.memory_space<semaphore_mem>>)
        %dma_wait3A_109 = arith.constant 0 : i32
        %dma_wait3A_110 = arith.constant 0 : i32
        %dma_wait3A_111 = tpu.memref_slice %arg8[%dma_wait3A_109, %dma_wait3A_110] : memref<128x128xf32, #tpu.memory_space<vmem>> -> memref<128x128xf32, #tpu.memory_space<vmem>>
        %dma_wait3A_112 = arith.constant 0 : i32
        %dma_wait3A_113 = tpu.memref_slice %arg5[%arg0, %add3A_95, %dma_wait3A_112] : memref<2x10240x128xf32, #tpu.memory_space<hbm>> -> memref<1x128x128xf32, #tpu.memory_space<hbm>>
        %dma_wait3A_114 = tpu.memref_squeeze %dma_wait3A_113 : memref<1x128x128xf32, #tpu.memory_space<hbm>> -> memref<128x128xf32, #tpu.memory_space<hbm>>
        %dma_wait3A_115 = arith.constant 0 : i32
        %dma_wait3A_116 = tpu.memref_slice %arg5[%arg0, %add3A_95, %dma_wait3A_115] : memref<2x10240x128xf32, #tpu.memory_space<hbm>> -> memref<1x128x128xf32, #tpu.memory_space<hbm>>
        %dma_wait3A_117 = tpu.memref_squeeze %dma_wait3A_116 : memref<1x128x128xf32, #tpu.memory_space<hbm>> -> memref<128x128xf32, #tpu.memory_space<hbm>>
        %dma_wait3A_118 = arith.constant 0 : i32
        %dma_wait3A_119 = arith.constant 0 : i32
        %dma_wait3A_120 = tpu.memref_slice %arg8[%dma_wait3A_118, %dma_wait3A_119] : memref<128x128xf32, #tpu.memory_space<vmem>> -> memref<128x128xf32, #tpu.memory_space<vmem>>
        tpu.wait_dma2 semaphore(%run_scoped3A_96 : memref<!tpu.dma_semaphore, #tpu.memory_space<semaphore_mem>>) src(%dma_wait3A_120 : memref<128x128xf32, #tpu.memory_space<vmem>>) dst(%dma_wait3A_117 : memref<128x128xf32, #tpu.memory_space<hbm>>)
        tpu.yield
      }) : () -> ()
    }
    %scan3A_84 = arith.constant 5 : i32
    return
  }
}

module attributes {stable_mosaic.version = 14 : i64} {
  func.func @_tc0_body(%arg0: i32, %arg1: memref<1024x128xf32, #tpu.memory_space<vmem>>, %arg2: memref<128x128xf32, #tpu.memory_space<vmem>>, %arg3: memref<1024x128xf32, #tpu.memory_space<vmem>>) attributes {dimension_semantics = [#tpu.dimension_semantics<arbitrary>], iteration_bounds = array<i64: 10>, scalar_prefetch = 0 : i64, scratch_operands = 0 : i64, tpu.core_type = #tpu.core_type<tc>, window_params = [{transform_indices = @transform_0, window_bounds = array<i64: 1024, 128>}, {pipeline_mode = #tpu.pipeline_mode<synchronous>, transform_indices = @transform_1, window_bounds = array<i64: 128, 128>}, {transform_indices = @transform_2, window_bounds = array<i64: 1024, 128>}]} {
    %get3A = arith.constant 0 : index
    %get3A_0 = arith.constant 0 : index
    %get3A_1 = vector.load %arg1[%get3A, %get3A_0] : memref<1024x128xf32, #tpu.memory_space<vmem>>, vector<1024x128xf32>
    %get3A_2 = arith.constant 0 : index
    %get3A_3 = arith.constant 0 : index
    %get3A_4 = vector.load %arg2[%get3A_2, %get3A_3] : memref<128x128xf32, #tpu.memory_space<vmem>>, vector<128x128xf32>
    %dot_general3A = arith.constant dense<0.000000e+00> : vector<1024x128xf32>
    %dot_general3A_5 = tpu.matmul %get3A_1, %get3A_4, %dot_general3A {dimension_numbers = #tpu.dot_dimension_numbers<[1], [0], [0], [1], [0, 0, 1, 1], [], []>, transpose_lhs_hint = false} : vector<1024x128xf32>, vector<128x128xf32>, vector<1024x128xf32> -> vector<1024x128xf32>
    %swap3A = arith.constant 0 : index
    %swap3A_6 = arith.constant 0 : index
    %swap3A_7 = vector.load %arg3[%swap3A, %swap3A_6] : memref<1024x128xf32, #tpu.memory_space<vmem>>, vector<1024x128xf32>
    tpu.vector_store %arg3[%swap3A, %swap3A_6], %dot_general3A_5 {strides = array<i32>} : memref<1024x128xf32, #tpu.memory_space<vmem>>, vector<1024x128xf32>,
    return
  }
  func.func @transform_0(%arg0: i32) -> (i32, i32) {
    %c0_i32 = arith.constant 0 : i32
    %c0_i32_0 = arith.constant 0 : i32
    return %arg0, %c0_i32 : i32, i32
  }
  func.func @transform_1(%arg0: i32) -> (i32, i32) {
    %c0_i32 = arith.constant 0 : i32
    %c0_i32_0 = arith.constant 0 : i32
    %c0_i32_1 = arith.constant 0 : i32
    return %c0_i32, %c0_i32_0 : i32, i32
  }
  func.func @transform_2(%arg0: i32) -> (i32, i32) {
    %c0_i32 = arith.constant 0 : i32
    %c0_i32_0 = arith.constant 0 : i32
    return %arg0, %c0_i32 : i32, i32
  }
}

module attributes {stable_mosaic.version = 14 : i64} {
  func.func @_tc1_body(%arg0: i32, %arg1: memref<2x8x128xf32, #tpu.memory_space<vmem>>, %arg2: memref<1024x128xf32, #tpu.memory_space<vmem>>, %arg3: memref<1024x128xf32, #tpu.memory_space<vmem>>, %arg4: memref<1024x16xf32, #tpu.memory_space<vmem>>) attributes {dimension_semantics = [#tpu.dimension_semantics<arbitrary>], iteration_bounds = array<i64: 10>, scalar_prefetch = 0 : i64, scratch_operands = 0 : i64, tpu.core_type = #tpu.core_type<tc>, window_params = [{transform_indices = @transform_0, window_bounds = array<i64: 2, 8, 128>}, {transform_indices = @transform_1, window_bounds = array<i64: 1024, 128>}, {transform_indices = @transform_2, window_bounds = array<i64: 1024, 128>}, {transform_indices = @transform_3, window_bounds = array<i64: 1024, 16>}]} {
    %iota3A = tpu.iota {dimensions = array<i32: 0>} : vector<128x128xi32>
    %iota3A_0 = tpu.iota {dimensions = array<i32: 1>} : vector<128x128xi32>
    %eq3A = arith.cmpi eq, %iota3A, %iota3A_0 : vector<128x128xi32>
    %convert_element_type3A = arith.extui %eq3A : vector<128x128xi1> to vector<128x128xi32>
    %convert_element_type3A_1 = arith.sitofp %convert_element_type3A : vector<128x128xi32> to vector<128x128xf32>
    %broadcast_in_dim3A = arith.constant 1.000000e+00 : f32
    %broadcast_in_dim3A_2 = vector.broadcast %broadcast_in_dim3A : f32 to vector<128x1xf32>
    %get3A = arith.constant 0 : index
    %get3A_3 = arith.constant 0 : index
    %get3A_4 = arith.constant 0 : index
    %get3A_5 = vector.load %arg1[%get3A, %get3A_3, %get3A_4] : memref<2x8x128xf32, #tpu.memory_space<vmem>>, vector<1x1x128xf32>
    %get3A_6 = vector.shape_cast %get3A_5 : vector<1x1x128xf32> to vector<1x128xf32>
    %get3A_7 = arith.constant 1 : index
    %get3A_8 = arith.constant 0 : index
    %get3A_9 = arith.constant 0 : index
    %get3A_10 = vector.load %arg1[%get3A_7, %get3A_8, %get3A_9] : memref<2x8x128xf32, #tpu.memory_space<vmem>>, vector<1x1x128xf32>
    %get3A_11 = vector.shape_cast %get3A_10 : vector<1x1x128xf32> to vector<1x128xf32>
    %add3A = arith.addf %get3A_6, %get3A_11 : vector<1x128xf32>
    %add3A_12 = arith.constant 1.000000e+00 : f32
    %add3A_13 = vector.broadcast %add3A_12 : f32 to vector<1x128xf32>
    %add3A_14 = arith.addf %add3A, %add3A_13 : vector<1x128xf32>
    %mul3A = vector.broadcast %add3A_14 : vector<1x128xf32> to vector<128x128xf32>
    %mul3A_15 = arith.mulf %convert_element_type3A_1, %mul3A : vector<128x128xf32>
    %dot_general3A = arith.constant dense<0.000000e+00> : vector<128x1xf32>
    %dot_general3A_16 = tpu.matmul %mul3A_15, %broadcast_in_dim3A_2, %dot_general3A {dimension_numbers = #tpu.dot_dimension_numbers<[1], [0], [0], [1], [0, 0, 1, 1], [], []>, precision = #tpu.contract_precision<fp32>, transpose_lhs_hint = false} : vector<128x128xf32>, vector<128x1xf32>, vector<128x1xf32> -> vector<128x1xf32>
    %rsqrt3A = math.rsqrt %dot_general3A_16 : vector<128x1xf32>
    %get3A_17 = arith.constant 0 : index
    %get3A_18 = arith.constant 0 : index
    %get3A_19 = vector.load %arg2[%get3A_17, %get3A_18] : memref<1024x128xf32, #tpu.memory_space<vmem>>, vector<128x128xf32>
    %mul3A_20 = vector.broadcast %rsqrt3A : vector<128x1xf32> to vector<128x128xf32>
    %mul3A_21 = arith.mulf %get3A_19, %mul3A_20 : vector<128x128xf32>
    %swap3A = arith.constant 0 : index
    %swap3A_22 = arith.constant 0 : index
    %swap3A_23 = vector.load %arg3[%swap3A, %swap3A_22] : memref<1024x128xf32, #tpu.memory_space<vmem>>, vector<128x128xf32>
    tpu.vector_store %arg3[%swap3A, %swap3A_22], %mul3A_21 {strides = array<i32>} : memref<1024x128xf32, #tpu.memory_space<vmem>>, vector<128x128xf32>,
    %broadcast_in_dim3A_24 = vector.shape_cast %rsqrt3A : vector<128x1xf32> to vector<128x1xf32>
    %broadcast_in_dim3A_25 = vector.broadcast %broadcast_in_dim3A_24 : vector<128x1xf32> to vector<128x16xf32>
    %swap3A_26 = arith.constant 0 : index
    %swap3A_27 = arith.constant 0 : index
    %swap3A_28 = vector.load %arg4[%swap3A_26, %swap3A_27] : memref<1024x16xf32, #tpu.memory_space<vmem>>, vector<128x16xf32>
    tpu.vector_store %arg4[%swap3A_26, %swap3A_27], %broadcast_in_dim3A_25 {strides = array<i32>} : memref<1024x16xf32, #tpu.memory_space<vmem>>, vector<128x16xf32>,
    %get3A_29 = arith.constant 0 : index
    %get3A_30 = arith.constant 1 : index
    %get3A_31 = arith.constant 0 : index
    %get3A_32 = vector.load %arg1[%get3A_29, %get3A_30, %get3A_31] : memref<2x8x128xf32, #tpu.memory_space<vmem>>, vector<1x1x128xf32>
    %get3A_33 = vector.shape_cast %get3A_32 : vector<1x1x128xf32> to vector<1x128xf32>
    %get3A_34 = arith.constant 1 : index
    %get3A_35 = arith.constant 1 : index
    %get3A_36 = arith.constant 0 : index
    %get3A_37 = vector.load %arg1[%get3A_34, %get3A_35, %get3A_36] : memref<2x8x128xf32, #tpu.memory_space<vmem>>, vector<1x1x128xf32>
    %get3A_38 = vector.shape_cast %get3A_37 : vector<1x1x128xf32> to vector<1x128xf32>
    %add3A_39 = arith.addf %get3A_33, %get3A_38 : vector<1x128xf32>
    %add3A_40 = arith.constant 1.000000e+00 : f32
    %add3A_41 = vector.broadcast %add3A_40 : f32 to vector<1x128xf32>
    %add3A_42 = arith.addf %add3A_39, %add3A_41 : vector<1x128xf32>
    %mul3A_43 = vector.broadcast %add3A_42 : vector<1x128xf32> to vector<128x128xf32>
    %mul3A_44 = arith.mulf %convert_element_type3A_1, %mul3A_43 : vector<128x128xf32>
    %dot_general3A_45 = arith.constant dense<0.000000e+00> : vector<128x1xf32>
    %dot_general3A_46 = tpu.matmul %mul3A_44, %broadcast_in_dim3A_2, %dot_general3A_45 {dimension_numbers = #tpu.dot_dimension_numbers<[1], [0], [0], [1], [0, 0, 1, 1], [], []>, precision = #tpu.contract_precision<fp32>, transpose_lhs_hint = false} : vector<128x128xf32>, vector<128x1xf32>, vector<128x1xf32> -> vector<128x1xf32>
    %rsqrt3A_47 = math.rsqrt %dot_general3A_46 : vector<128x1xf32>
    %get3A_48 = arith.constant 128 : index
    %get3A_49 = arith.constant 0 : index
    %get3A_50 = vector.load %arg2[%get3A_48, %get3A_49] : memref<1024x128xf32, #tpu.memory_space<vmem>>, vector<128x128xf32>
    %mul3A_51 = vector.broadcast %rsqrt3A_47 : vector<128x1xf32> to vector<128x128xf32>
    %mul3A_52 = arith.mulf %get3A_50, %mul3A_51 : vector<128x128xf32>
    %swap3A_53 = arith.constant 128 : index
    %swap3A_54 = arith.constant 0 : index
    %swap3A_55 = vector.load %arg3[%swap3A_53, %swap3A_54] : memref<1024x128xf32, #tpu.memory_space<vmem>>, vector<128x128xf32>
    tpu.vector_store %arg3[%swap3A_53, %swap3A_54], %mul3A_52 {strides = array<i32>} : memref<1024x128xf32, #tpu.memory_space<vmem>>, vector<128x128xf32>,
    %broadcast_in_dim3A_56 = vector.shape_cast %rsqrt3A_47 : vector<128x1xf32> to vector<128x1xf32>
    %broadcast_in_dim3A_57 = vector.broadcast %broadcast_in_dim3A_56 : vector<128x1xf32> to vector<128x16xf32>
    %swap3A_58 = arith.constant 128 : index
    %swap3A_59 = arith.constant 0 : index
    %swap3A_60 = vector.load %arg4[%swap3A_58, %swap3A_59] : memref<1024x16xf32, #tpu.memory_space<vmem>>, vector<128x16xf32>
    tpu.vector_store %arg4[%swap3A_58, %swap3A_59], %broadcast_in_dim3A_57 {strides = array<i32>} : memref<1024x16xf32, #tpu.memory_space<vmem>>, vector<128x16xf32>,
    %get3A_61 = arith.constant 0 : index
    %get3A_62 = arith.constant 2 : index
    %get3A_63 = arith.constant 0 : index
    %get3A_64 = vector.load %arg1[%get3A_61, %get3A_62, %get3A_63] : memref<2x8x128xf32, #tpu.memory_space<vmem>>, vector<1x1x128xf32>
    %get3A_65 = vector.shape_cast %get3A_64 : vector<1x1x128xf32> to vector<1x128xf32>
    %get3A_66 = arith.constant 1 : index
    %get3A_67 = arith.constant 2 : index
    %get3A_68 = arith.constant 0 : index
    %get3A_69 = vector.load %arg1[%get3A_66, %get3A_67, %get3A_68] : memref<2x8x128xf32, #tpu.memory_space<vmem>>, vector<1x1x128xf32>
    %get3A_70 = vector.shape_cast %get3A_69 : vector<1x1x128xf32> to vector<1x128xf32>
    %add3A_71 = arith.addf %get3A_65, %get3A_70 : vector<1x128xf32>
    %add3A_72 = arith.constant 1.000000e+00 : f32
    %add3A_73 = vector.broadcast %add3A_72 : f32 to vector<1x128xf32>
    %add3A_74 = arith.addf %add3A_71, %add3A_73 : vector<1x128xf32>
    %mul3A_75 = vector.broadcast %add3A_74 : vector<1x128xf32> to vector<128x128xf32>
    %mul3A_76 = arith.mulf %convert_element_type3A_1, %mul3A_75 : vector<128x128xf32>
    %dot_general3A_77 = arith.constant dense<0.000000e+00> : vector<128x1xf32>
    %dot_general3A_78 = tpu.matmul %mul3A_76, %broadcast_in_dim3A_2, %dot_general3A_77 {dimension_numbers = #tpu.dot_dimension_numbers<[1], [0], [0], [1], [0, 0, 1, 1], [], []>, precision = #tpu.contract_precision<fp32>, transpose_lhs_hint = false} : vector<128x128xf32>, vector<128x1xf32>, vector<128x1xf32> -> vector<128x1xf32>
    %rsqrt3A_79 = math.rsqrt %dot_general3A_78 : vector<128x1xf32>
    %get3A_80 = arith.constant 256 : index
    %get3A_81 = arith.constant 0 : index
    %get3A_82 = vector.load %arg2[%get3A_80, %get3A_81] : memref<1024x128xf32, #tpu.memory_space<vmem>>, vector<128x128xf32>
    %mul3A_83 = vector.broadcast %rsqrt3A_79 : vector<128x1xf32> to vector<128x128xf32>
    %mul3A_84 = arith.mulf %get3A_82, %mul3A_83 : vector<128x128xf32>
    %swap3A_85 = arith.constant 256 : index
    %swap3A_86 = arith.constant 0 : index
    %swap3A_87 = vector.load %arg3[%swap3A_85, %swap3A_86] : memref<1024x128xf32, #tpu.memory_space<vmem>>, vector<128x128xf32>
    tpu.vector_store %arg3[%swap3A_85, %swap3A_86], %mul3A_84 {strides = array<i32>} : memref<1024x128xf32, #tpu.memory_space<vmem>>, vector<128x128xf32>,
    %broadcast_in_dim3A_88 = vector.shape_cast %rsqrt3A_79 : vector<128x1xf32> to vector<128x1xf32>
    %broadcast_in_dim3A_89 = vector.broadcast %broadcast_in_dim3A_88 : vector<128x1xf32> to vector<128x16xf32>
    %swap3A_90 = arith.constant 256 : index
    %swap3A_91 = arith.constant 0 : index
    %swap3A_92 = vector.load %arg4[%swap3A_90, %swap3A_91] : memref<1024x16xf32, #tpu.memory_space<vmem>>, vector<128x16xf32>
    tpu.vector_store %arg4[%swap3A_90, %swap3A_91], %broadcast_in_dim3A_89 {strides = array<i32>} : memref<1024x16xf32, #tpu.memory_space<vmem>>, vector<128x16xf32>,
    %get3A_93 = arith.constant 0 : index
    %get3A_94 = arith.constant 3 : index
    %get3A_95 = arith.constant 0 : index
    %get3A_96 = vector.load %arg1[%get3A_93, %get3A_94, %get3A_95] : memref<2x8x128xf32, #tpu.memory_space<vmem>>, vector<1x1x128xf32>
    %get3A_97 = vector.shape_cast %get3A_96 : vector<1x1x128xf32> to vector<1x128xf32>
    %get3A_98 = arith.constant 1 : index
    %get3A_99 = arith.constant 3 : index
    %get3A_100 = arith.constant 0 : index
    %get3A_101 = vector.load %arg1[%get3A_98, %get3A_99, %get3A_100] : memref<2x8x128xf32, #tpu.memory_space<vmem>>, vector<1x1x128xf32>
    %get3A_102 = vector.shape_cast %get3A_101 : vector<1x1x128xf32> to vector<1x128xf32>
    %add3A_103 = arith.addf %get3A_97, %get3A_102 : vector<1x128xf32>
    %add3A_104 = arith.constant 1.000000e+00 : f32
    %add3A_105 = vector.broadcast %add3A_104 : f32 to vector<1x128xf32>
    %add3A_106 = arith.addf %add3A_103, %add3A_105 : vector<1x128xf32>
    %mul3A_107 = vector.broadcast %add3A_106 : vector<1x128xf32> to vector<128x128xf32>
    %mul3A_108 = arith.mulf %convert_element_type3A_1, %mul3A_107 : vector<128x128xf32>
    %dot_general3A_109 = arith.constant dense<0.000000e+00> : vector<128x1xf32>
    %dot_general3A_110 = tpu.matmul %mul3A_108, %broadcast_in_dim3A_2, %dot_general3A_109 {dimension_numbers = #tpu.dot_dimension_numbers<[1], [0], [0], [1], [0, 0, 1, 1], [], []>, precision = #tpu.contract_precision<fp32>, transpose_lhs_hint = false} : vector<128x128xf32>, vector<128x1xf32>, vector<128x1xf32> -> vector<128x1xf32>
    %rsqrt3A_111 = math.rsqrt %dot_general3A_110 : vector<128x1xf32>
    %get3A_112 = arith.constant 384 : index
    %get3A_113 = arith.constant 0 : index
    %get3A_114 = vector.load %arg2[%get3A_112, %get3A_113] : memref<1024x128xf32, #tpu.memory_space<vmem>>, vector<128x128xf32>
    %mul3A_115 = vector.broadcast %rsqrt3A_111 : vector<128x1xf32> to vector<128x128xf32>
    %mul3A_116 = arith.mulf %get3A_114, %mul3A_115 : vector<128x128xf32>
    %swap3A_117 = arith.constant 384 : index
    %swap3A_118 = arith.constant 0 : index
    %swap3A_119 = vector.load %arg3[%swap3A_117, %swap3A_118] : memref<1024x128xf32, #tpu.memory_space<vmem>>, vector<128x128xf32>
    tpu.vector_store %arg3[%swap3A_117, %swap3A_118], %mul3A_116 {strides = array<i32>} : memref<1024x128xf32, #tpu.memory_space<vmem>>, vector<128x128xf32>,
    %broadcast_in_dim3A_120 = vector.shape_cast %rsqrt3A_111 : vector<128x1xf32> to vector<128x1xf32>
    %broadcast_in_dim3A_121 = vector.broadcast %broadcast_in_dim3A_120 : vector<128x1xf32> to vector<128x16xf32>
    %swap3A_122 = arith.constant 384 : index
    %swap3A_123 = arith.constant 0 : index
    %swap3A_124 = vector.load %arg4[%swap3A_122, %swap3A_123] : memref<1024x16xf32, #tpu.memory_space<vmem>>, vector<128x16xf32>
    tpu.vector_store %arg4[%swap3A_122, %swap3A_123], %broadcast_in_dim3A_121 {strides = array<i32>} : memref<1024x16xf32, #tpu.memory_space<vmem>>, vector<128x16xf32>,
    %get3A_125 = arith.constant 0 : index
    %get3A_126 = arith.constant 4 : index
    %get3A_127 = arith.constant 0 : index
    %get3A_128 = vector.load %arg1[%get3A_125, %get3A_126, %get3A_127] : memref<2x8x128xf32, #tpu.memory_space<vmem>>, vector<1x1x128xf32>
    %get3A_129 = vector.shape_cast %get3A_128 : vector<1x1x128xf32> to vector<1x128xf32>
    %get3A_130 = arith.constant 1 : index
    %get3A_131 = arith.constant 4 : index
    %get3A_132 = arith.constant 0 : index
    %get3A_133 = vector.load %arg1[%get3A_130, %get3A_131, %get3A_132] : memref<2x8x128xf32, #tpu.memory_space<vmem>>, vector<1x1x128xf32>
    %get3A_134 = vector.shape_cast %get3A_133 : vector<1x1x128xf32> to vector<1x128xf32>
    %add3A_135 = arith.addf %get3A_129, %get3A_134 : vector<1x128xf32>
    %add3A_136 = arith.constant 1.000000e+00 : f32
    %add3A_137 = vector.broadcast %add3A_136 : f32 to vector<1x128xf32>
    %add3A_138 = arith.addf %add3A_135, %add3A_137 : vector<1x128xf32>
    %mul3A_139 = vector.broadcast %add3A_138 : vector<1x128xf32> to vector<128x128xf32>
    %mul3A_140 = arith.mulf %convert_element_type3A_1, %mul3A_139 : vector<128x128xf32>
    %dot_general3A_141 = arith.constant dense<0.000000e+00> : vector<128x1xf32>
    %dot_general3A_142 = tpu.matmul %mul3A_140, %broadcast_in_dim3A_2, %dot_general3A_141 {dimension_numbers = #tpu.dot_dimension_numbers<[1], [0], [0], [1], [0, 0, 1, 1], [], []>, precision = #tpu.contract_precision<fp32>, transpose_lhs_hint = false} : vector<128x128xf32>, vector<128x1xf32>, vector<128x1xf32> -> vector<128x1xf32>
    %rsqrt3A_143 = math.rsqrt %dot_general3A_142 : vector<128x1xf32>
    %get3A_144 = arith.constant 512 : index
    %get3A_145 = arith.constant 0 : index
    %get3A_146 = vector.load %arg2[%get3A_144, %get3A_145] : memref<1024x128xf32, #tpu.memory_space<vmem>>, vector<128x128xf32>
    %mul3A_147 = vector.broadcast %rsqrt3A_143 : vector<128x1xf32> to vector<128x128xf32>
    %mul3A_148 = arith.mulf %get3A_146, %mul3A_147 : vector<128x128xf32>
    %swap3A_149 = arith.constant 512 : index
    %swap3A_150 = arith.constant 0 : index
    %swap3A_151 = vector.load %arg3[%swap3A_149, %swap3A_150] : memref<1024x128xf32, #tpu.memory_space<vmem>>, vector<128x128xf32>
    tpu.vector_store %arg3[%swap3A_149, %swap3A_150], %mul3A_148 {strides = array<i32>} : memref<1024x128xf32, #tpu.memory_space<vmem>>, vector<128x128xf32>,
    %broadcast_in_dim3A_152 = vector.shape_cast %rsqrt3A_143 : vector<128x1xf32> to vector<128x1xf32>
    %broadcast_in_dim3A_153 = vector.broadcast %broadcast_in_dim3A_152 : vector<128x1xf32> to vector<128x16xf32>
    %swap3A_154 = arith.constant 512 : index
    %swap3A_155 = arith.constant 0 : index
    %swap3A_156 = vector.load %arg4[%swap3A_154, %swap3A_155] : memref<1024x16xf32, #tpu.memory_space<vmem>>, vector<128x16xf32>
    tpu.vector_store %arg4[%swap3A_154, %swap3A_155], %broadcast_in_dim3A_153 {strides = array<i32>} : memref<1024x16xf32, #tpu.memory_space<vmem>>, vector<128x16xf32>,
    %get3A_157 = arith.constant 0 : index
    %get3A_158 = arith.constant 5 : index
    %get3A_159 = arith.constant 0 : index
    %get3A_160 = vector.load %arg1[%get3A_157, %get3A_158, %get3A_159] : memref<2x8x128xf32, #tpu.memory_space<vmem>>, vector<1x1x128xf32>
    %get3A_161 = vector.shape_cast %get3A_160 : vector<1x1x128xf32> to vector<1x128xf32>
    %get3A_162 = arith.constant 1 : index
    %get3A_163 = arith.constant 5 : index
    %get3A_164 = arith.constant 0 : index
    %get3A_165 = vector.load %arg1[%get3A_162, %get3A_163, %get3A_164] : memref<2x8x128xf32, #tpu.memory_space<vmem>>, vector<1x1x128xf32>
    %get3A_166 = vector.shape_cast %get3A_165 : vector<1x1x128xf32> to vector<1x128xf32>
    %add3A_167 = arith.addf %get3A_161, %get3A_166 : vector<1x128xf32>
    %add3A_168 = arith.constant 1.000000e+00 : f32
    %add3A_169 = vector.broadcast %add3A_168 : f32 to vector<1x128xf32>
    %add3A_170 = arith.addf %add3A_167, %add3A_169 : vector<1x128xf32>
    %mul3A_171 = vector.broadcast %add3A_170 : vector<1x128xf32> to vector<128x128xf32>
    %mul3A_172 = arith.mulf %convert_element_type3A_1, %mul3A_171 : vector<128x128xf32>
    %dot_general3A_173 = arith.constant dense<0.000000e+00> : vector<128x1xf32>
    %dot_general3A_174 = tpu.matmul %mul3A_172, %broadcast_in_dim3A_2, %dot_general3A_173 {dimension_numbers = #tpu.dot_dimension_numbers<[1], [0], [0], [1], [0, 0, 1, 1], [], []>, precision = #tpu.contract_precision<fp32>, transpose_lhs_hint = false} : vector<128x128xf32>, vector<128x1xf32>, vector<128x1xf32> -> vector<128x1xf32>
    %rsqrt3A_175 = math.rsqrt %dot_general3A_174 : vector<128x1xf32>
    %get3A_176 = arith.constant 640 : index
    %get3A_177 = arith.constant 0 : index
    %get3A_178 = vector.load %arg2[%get3A_176, %get3A_177] : memref<1024x128xf32, #tpu.memory_space<vmem>>, vector<128x128xf32>
    %mul3A_179 = vector.broadcast %rsqrt3A_175 : vector<128x1xf32> to vector<128x128xf32>
    %mul3A_180 = arith.mulf %get3A_178, %mul3A_179 : vector<128x128xf32>
    %swap3A_181 = arith.constant 640 : index
    %swap3A_182 = arith.constant 0 : index
    %swap3A_183 = vector.load %arg3[%swap3A_181, %swap3A_182] : memref<1024x128xf32, #tpu.memory_space<vmem>>, vector<128x128xf32>
    tpu.vector_store %arg3[%swap3A_181, %swap3A_182], %mul3A_180 {strides = array<i32>} : memref<1024x128xf32, #tpu.memory_space<vmem>>, vector<128x128xf32>,
    %broadcast_in_dim3A_184 = vector.shape_cast %rsqrt3A_175 : vector<128x1xf32> to vector<128x1xf32>
    %broadcast_in_dim3A_185 = vector.broadcast %broadcast_in_dim3A_184 : vector<128x1xf32> to vector<128x16xf32>
    %swap3A_186 = arith.constant 640 : index
    %swap3A_187 = arith.constant 0 : index
    %swap3A_188 = vector.load %arg4[%swap3A_186, %swap3A_187] : memref<1024x16xf32, #tpu.memory_space<vmem>>, vector<128x16xf32>
    tpu.vector_store %arg4[%swap3A_186, %swap3A_187], %broadcast_in_dim3A_185 {strides = array<i32>} : memref<1024x16xf32, #tpu.memory_space<vmem>>, vector<128x16xf32>,
    %get3A_189 = arith.constant 0 : index
    %get3A_190 = arith.constant 6 : index
    %get3A_191 = arith.constant 0 : index
    %get3A_192 = vector.load %arg1[%get3A_189, %get3A_190, %get3A_191] : memref<2x8x128xf32, #tpu.memory_space<vmem>>, vector<1x1x128xf32>
    %get3A_193 = vector.shape_cast %get3A_192 : vector<1x1x128xf32> to vector<1x128xf32>
    %get3A_194 = arith.constant 1 : index
    %get3A_195 = arith.constant 6 : index
    %get3A_196 = arith.constant 0 : index
    %get3A_197 = vector.load %arg1[%get3A_194, %get3A_195, %get3A_196] : memref<2x8x128xf32, #tpu.memory_space<vmem>>, vector<1x1x128xf32>
    %get3A_198 = vector.shape_cast %get3A_197 : vector<1x1x128xf32> to vector<1x128xf32>
    %add3A_199 = arith.addf %get3A_193, %get3A_198 : vector<1x128xf32>
    %add3A_200 = arith.constant 1.000000e+00 : f32
    %add3A_201 = vector.broadcast %add3A_200 : f32 to vector<1x128xf32>
    %add3A_202 = arith.addf %add3A_199, %add3A_201 : vector<1x128xf32>
    %mul3A_203 = vector.broadcast %add3A_202 : vector<1x128xf32> to vector<128x128xf32>
    %mul3A_204 = arith.mulf %convert_element_type3A_1, %mul3A_203 : vector<128x128xf32>
    %dot_general3A_205 = arith.constant dense<0.000000e+00> : vector<128x1xf32>
    %dot_general3A_206 = tpu.matmul %mul3A_204, %broadcast_in_dim3A_2, %dot_general3A_205 {dimension_numbers = #tpu.dot_dimension_numbers<[1], [0], [0], [1], [0, 0, 1, 1], [], []>, precision = #tpu.contract_precision<fp32>, transpose_lhs_hint = false} : vector<128x128xf32>, vector<128x1xf32>, vector<128x1xf32> -> vector<128x1xf32>
    %rsqrt3A_207 = math.rsqrt %dot_general3A_206 : vector<128x1xf32>
    %get3A_208 = arith.constant 768 : index
    %get3A_209 = arith.constant 0 : index
    %get3A_210 = vector.load %arg2[%get3A_208, %get3A_209] : memref<1024x128xf32, #tpu.memory_space<vmem>>, vector<128x128xf32>
    %mul3A_211 = vector.broadcast %rsqrt3A_207 : vector<128x1xf32> to vector<128x128xf32>
    %mul3A_212 = arith.mulf %get3A_210, %mul3A_211 : vector<128x128xf32>
    %swap3A_213 = arith.constant 768 : index
    %swap3A_214 = arith.constant 0 : index
    %swap3A_215 = vector.load %arg3[%swap3A_213, %swap3A_214] : memref<1024x128xf32, #tpu.memory_space<vmem>>, vector<128x128xf32>
    tpu.vector_store %arg3[%swap3A_213, %swap3A_214], %mul3A_212 {strides = array<i32>} : memref<1024x128xf32, #tpu.memory_space<vmem>>, vector<128x128xf32>,
    %broadcast_in_dim3A_216 = vector.shape_cast %rsqrt3A_207 : vector<128x1xf32> to vector<128x1xf32>
    %broadcast_in_dim3A_217 = vector.broadcast %broadcast_in_dim3A_216 : vector<128x1xf32> to vector<128x16xf32>
    %swap3A_218 = arith.constant 768 : index
    %swap3A_219 = arith.constant 0 : index
    %swap3A_220 = vector.load %arg4[%swap3A_218, %swap3A_219] : memref<1024x16xf32, #tpu.memory_space<vmem>>, vector<128x16xf32>
    tpu.vector_store %arg4[%swap3A_218, %swap3A_219], %broadcast_in_dim3A_217 {strides = array<i32>} : memref<1024x16xf32, #tpu.memory_space<vmem>>, vector<128x16xf32>,
    %get3A_221 = arith.constant 0 : index
    %get3A_222 = arith.constant 7 : index
    %get3A_223 = arith.constant 0 : index
    %get3A_224 = vector.load %arg1[%get3A_221, %get3A_222, %get3A_223] : memref<2x8x128xf32, #tpu.memory_space<vmem>>, vector<1x1x128xf32>
    %get3A_225 = vector.shape_cast %get3A_224 : vector<1x1x128xf32> to vector<1x128xf32>
    %get3A_226 = arith.constant 1 : index
    %get3A_227 = arith.constant 7 : index
    %get3A_228 = arith.constant 0 : index
    %get3A_229 = vector.load %arg1[%get3A_226, %get3A_227, %get3A_228] : memref<2x8x128xf32, #tpu.memory_space<vmem>>, vector<1x1x128xf32>
    %get3A_230 = vector.shape_cast %get3A_229 : vector<1x1x128xf32> to vector<1x128xf32>
    %add3A_231 = arith.addf %get3A_225, %get3A_230 : vector<1x128xf32>
    %add3A_232 = arith.constant 1.000000e+00 : f32
    %add3A_233 = vector.broadcast %add3A_232 : f32 to vector<1x128xf32>
    %add3A_234 = arith.addf %add3A_231, %add3A_233 : vector<1x128xf32>
    %mul3A_235 = vector.broadcast %add3A_234 : vector<1x128xf32> to vector<128x128xf32>
    %mul3A_236 = arith.mulf %convert_element_type3A_1, %mul3A_235 : vector<128x128xf32>
    %dot_general3A_237 = arith.constant dense<0.000000e+00> : vector<128x1xf32>
    %dot_general3A_238 = tpu.matmul %mul3A_236, %broadcast_in_dim3A_2, %dot_general3A_237 {dimension_numbers = #tpu.dot_dimension_numbers<[1], [0], [0], [1], [0, 0, 1, 1], [], []>, precision = #tpu.contract_precision<fp32>, transpose_lhs_hint = false} : vector<128x128xf32>, vector<128x1xf32>, vector<128x1xf32> -> vector<128x1xf32>
    %rsqrt3A_239 = math.rsqrt %dot_general3A_238 : vector<128x1xf32>
    %get3A_240 = arith.constant 896 : index
    %get3A_241 = arith.constant 0 : index
    %get3A_242 = vector.load %arg2[%get3A_240, %get3A_241] : memref<1024x128xf32, #tpu.memory_space<vmem>>, vector<128x128xf32>
    %mul3A_243 = vector.broadcast %rsqrt3A_239 : vector<128x1xf32> to vector<128x128xf32>
    %mul3A_244 = arith.mulf %get3A_242, %mul3A_243 : vector<128x128xf32>
    %swap3A_245 = arith.constant 896 : index
    %swap3A_246 = arith.constant 0 : index
    %swap3A_247 = vector.load %arg3[%swap3A_245, %swap3A_246] : memref<1024x128xf32, #tpu.memory_space<vmem>>, vector<128x128xf32>
    tpu.vector_store %arg3[%swap3A_245, %swap3A_246], %mul3A_244 {strides = array<i32>} : memref<1024x128xf32, #tpu.memory_space<vmem>>, vector<128x128xf32>,
    %broadcast_in_dim3A_248 = vector.shape_cast %rsqrt3A_239 : vector<128x1xf32> to vector<128x1xf32>
    %broadcast_in_dim3A_249 = vector.broadcast %broadcast_in_dim3A_248 : vector<128x1xf32> to vector<128x16xf32>
    %swap3A_250 = arith.constant 896 : index
    %swap3A_251 = arith.constant 0 : index
    %swap3A_252 = vector.load %arg4[%swap3A_250, %swap3A_251] : memref<1024x16xf32, #tpu.memory_space<vmem>>, vector<128x16xf32>
    tpu.vector_store %arg4[%swap3A_250, %swap3A_251], %broadcast_in_dim3A_249 {strides = array<i32>} : memref<1024x16xf32, #tpu.memory_space<vmem>>, vector<128x16xf32>,
    return
  }
  func.func @transform_0(%arg0: i32) -> (i32, i32, i32) {
    %c0_i32 = arith.constant 0 : i32
    %c0_i32_0 = arith.constant 0 : i32
    %c0_i32_1 = arith.constant 0 : i32
    return %c0_i32, %arg0, %c0_i32_0 : i32, i32, i32
  }
  func.func @transform_1(%arg0: i32) -> (i32, i32) {
    %c0_i32 = arith.constant 0 : i32
    %c0_i32_0 = arith.constant 0 : i32
    return %arg0, %c0_i32 : i32, i32
  }
  func.func @transform_2(%arg0: i32) -> (i32, i32) {
    %c0_i32 = arith.constant 0 : i32
    %c0_i32_0 = arith.constant 0 : i32
    return %arg0, %c0_i32 : i32, i32
  }
  func.func @transform_3(%arg0: i32) -> (i32, i32) {
    %c0_i32 = arith.constant 0 : i32
    %c0_i32_0 = arith.constant 0 : i32
    return %arg0, %c0_i32 : i32, i32
  }
}

module attributes {stable_mosaic.version = 14 : i64} {
  func.func @_tc2_body(%arg0: i32, %arg1: memref<2x1024x128xf32, #tpu.memory_space<vmem>>, %arg2: memref<1024x128xf32, #tpu.memory_space<vmem>>, %arg3: memref<1024x16xf32, #tpu.memory_space<vmem>>, %arg4: memref<1x128xf32, #tpu.memory_space<vmem>>, %arg5: memref<128x16xf32, #tpu.memory_space<vmem>>, %arg6: memref<1024x16xf32, #tpu.memory_space<vmem>>) attributes {dimension_semantics = [#tpu.dimension_semantics<arbitrary>], iteration_bounds = array<i64: 10>, scalar_prefetch = 0 : i64, scratch_operands = 0 : i64, tpu.core_type = #tpu.core_type<tc>, window_params = [{transform_indices = @transform_0, window_bounds = array<i64: 2, 1024, 128>}, {transform_indices = @transform_1, window_bounds = array<i64: 1024, 128>}, {transform_indices = @transform_2, window_bounds = array<i64: 1024, 16>}, {pipeline_mode = #tpu.pipeline_mode<synchronous>, transform_indices = @transform_3, window_bounds = array<i64: 1, 128>}, {pipeline_mode = #tpu.pipeline_mode<synchronous>, transform_indices = @transform_4, window_bounds = array<i64: 128, 16>}, {transform_indices = @transform_5, window_bounds = array<i64: 1024, 16>}]} {
    %get3A = arith.constant 0 : index
    %get3A_0 = arith.constant 0 : index
    %get3A_1 = arith.constant 0 : index
    %get3A_2 = vector.load %arg1[%get3A, %get3A_0, %get3A_1] : memref<2x1024x128xf32, #tpu.memory_space<vmem>>, vector<1x1024x128xf32>
    %get3A_3 = vector.shape_cast %get3A_2 : vector<1x1024x128xf32> to vector<1024x128xf32>
    %get3A_4 = arith.constant 1 : index
    %get3A_5 = arith.constant 0 : index
    %get3A_6 = arith.constant 0 : index
    %get3A_7 = vector.load %arg1[%get3A_4, %get3A_5, %get3A_6] : memref<2x1024x128xf32, #tpu.memory_space<vmem>>, vector<1x1024x128xf32>
    %get3A_8 = vector.shape_cast %get3A_7 : vector<1x1024x128xf32> to vector<1024x128xf32>
    %add3A = arith.addf %get3A_3, %get3A_8 : vector<1024x128xf32>
    %get3A_9 = arith.constant 0 : index
    %get3A_10 = arith.constant 0 : index
    %get3A_11 = vector.load %arg2[%get3A_9, %get3A_10] : memref<1024x128xf32, #tpu.memory_space<vmem>>, vector<1024x128xf32>
    %add3A_12 = arith.addf %add3A, %get3A_11 : vector<1024x128xf32>
    %get3A_13 = arith.constant 0 : index
    %get3A_14 = arith.constant 0 : index
    %get3A_15 = vector.load %arg3[%get3A_13, %get3A_14] : memref<1024x16xf32, #tpu.memory_space<vmem>>, vector<1024x1xf32>
    %mul3A = vector.broadcast %get3A_15 : vector<1024x1xf32> to vector<1024x128xf32>
    %mul3A_16 = arith.mulf %add3A_12, %mul3A : vector<1024x128xf32>
    %get3A_17 = arith.constant 0 : index
    %get3A_18 = arith.constant 0 : index
    %get3A_19 = vector.load %arg4[%get3A_17, %get3A_18] : memref<1x128xf32, #tpu.memory_space<vmem>>, vector<1x128xf32>
    %add3A_20 = vector.broadcast %get3A_19 : vector<1x128xf32> to vector<1024x128xf32>
    %add3A_21 = arith.addf %mul3A_16, %add3A_20 : vector<1024x128xf32>
    %max3A = arith.constant 0.000000e+00 : f32
    %max3A_22 = vector.broadcast %max3A : f32 to vector<1024x128xf32>
    %max3A_23 = arith.maximumf %add3A_21, %max3A_22 : vector<1024x128xf32>
    %get3A_24 = arith.constant 0 : index
    %get3A_25 = arith.constant 0 : index
    %get3A_26 = vector.load %arg5[%get3A_24, %get3A_25] : memref<128x16xf32, #tpu.memory_space<vmem>>, vector<128x16xf32>
    %dot_general3A = arith.constant dense<0.000000e+00> : vector<1024x16xf32>
    %dot_general3A_27 = tpu.matmul %max3A_23, %get3A_26, %dot_general3A {dimension_numbers = #tpu.dot_dimension_numbers<[1], [0], [0], [1], [0, 0, 1, 1], [], []>, transpose_lhs_hint = false} : vector<1024x128xf32>, vector<128x16xf32>, vector<1024x16xf32> -> vector<1024x16xf32>
    %get3A_28 = arith.constant 0 : index
    %get3A_29 = arith.constant 0 : index
    %get3A_30 = vector.load %arg3[%get3A_28, %get3A_29] : memref<1024x16xf32, #tpu.memory_space<vmem>>, vector<1024x16xf32>
    %mul3A_31 = arith.mulf %dot_general3A_27, %get3A_30 : vector<1024x16xf32>
    %swap3A = arith.constant 0 : index
    %swap3A_32 = arith.constant 0 : index
    %swap3A_33 = vector.load %arg6[%swap3A, %swap3A_32] : memref<1024x16xf32, #tpu.memory_space<vmem>>, vector<1024x16xf32>
    tpu.vector_store %arg6[%swap3A, %swap3A_32], %mul3A_31 {strides = array<i32>} : memref<1024x16xf32, #tpu.memory_space<vmem>>, vector<1024x16xf32>,
    return
  }
  func.func @transform_0(%arg0: i32) -> (i32, i32, i32) {
    %c0_i32 = arith.constant 0 : i32
    %c0_i32_0 = arith.constant 0 : i32
    %c0_i32_1 = arith.constant 0 : i32
    return %c0_i32, %arg0, %c0_i32_0 : i32, i32, i32
  }
  func.func @transform_1(%arg0: i32) -> (i32, i32) {
    %c0_i32 = arith.constant 0 : i32
    %c0_i32_0 = arith.constant 0 : i32
    return %arg0, %c0_i32 : i32, i32
  }
  func.func @transform_2(%arg0: i32) -> (i32, i32) {
    %c0_i32 = arith.constant 0 : i32
    %c0_i32_0 = arith.constant 0 : i32
    return %arg0, %c0_i32 : i32, i32
  }
  func.func @transform_3(%arg0: i32) -> (i32, i32) {
    %c0_i32 = arith.constant 0 : i32
    %c0_i32_0 = arith.constant 0 : i32
    %c0_i32_1 = arith.constant 0 : i32
    return %c0_i32, %c0_i32_0 : i32, i32
  }
  func.func @transform_4(%arg0: i32) -> (i32, i32) {
    %c0_i32 = arith.constant 0 : i32
    %c0_i32_0 = arith.constant 0 : i32
    %c0_i32_1 = arith.constant 0 : i32
    return %c0_i32, %c0_i32_0 : i32, i32
  }
  func.func @transform_5(%arg0: i32) -> (i32, i32) {
    %c0_i32 = arith.constant 0 : i32
    %c0_i32_0 = arith.constant 0 : i32
    return %arg0, %c0_i32 : i32, i32
  }
}

module attributes {stable_mosaic.version = 14 : i64} {
  func.func @_tc3_body(%arg0: i32, %arg1: memref<2x8x128xf32, #tpu.memory_space<vmem>>, %arg2: memref<1024x16xf32, #tpu.memory_space<vmem>>, %arg3: memref<1024x16xf32, #tpu.memory_space<vmem>>, %arg4: memref<1x1xf32, #tpu.memory_space<vmem>>, %arg5: memref<1024x1xf32, #tpu.memory_space<vmem>>) attributes {dimension_semantics = [#tpu.dimension_semantics<arbitrary>], iteration_bounds = array<i64: 10>, scalar_prefetch = 0 : i64, scratch_operands = 0 : i64, tpu.core_type = #tpu.core_type<tc>, window_params = [{transform_indices = @transform_0, window_bounds = array<i64: 2, 8, 128>}, {transform_indices = @transform_1, window_bounds = array<i64: 1024, 16>}, {transform_indices = @transform_2, window_bounds = array<i64: 1024, 16>}, {pipeline_mode = #tpu.pipeline_mode<synchronous>, transform_indices = @transform_3, window_bounds = array<i64: 1, 1>}, {transform_indices = @transform_4, window_bounds = array<i64: 1024, 1>}]} {
    %iota3A = tpu.iota {dimensions = array<i32: 0>} : vector<128x128xi32>
    %iota3A_0 = tpu.iota {dimensions = array<i32: 1>} : vector<128x128xi32>
    %eq3A = arith.cmpi eq, %iota3A, %iota3A_0 : vector<128x128xi32>
    %convert_element_type3A = arith.extui %eq3A : vector<128x128xi1> to vector<128x128xi32>
    %convert_element_type3A_1 = arith.sitofp %convert_element_type3A : vector<128x128xi32> to vector<128x128xf32>
    %broadcast_in_dim3A = arith.constant 1.000000e+00 : f32
    %broadcast_in_dim3A_2 = vector.broadcast %broadcast_in_dim3A : f32 to vector<128x1xf32>
    %get3A = arith.constant 0 : index
    %get3A_3 = arith.constant 0 : index
    %get3A_4 = arith.constant 0 : index
    %get3A_5 = vector.load %arg1[%get3A, %get3A_3, %get3A_4] : memref<2x8x128xf32, #tpu.memory_space<vmem>>, vector<1x1x128xf32>
    %get3A_6 = vector.shape_cast %get3A_5 : vector<1x1x128xf32> to vector<1x128xf32>
    %get3A_7 = arith.constant 1 : index
    %get3A_8 = arith.constant 0 : index
    %get3A_9 = arith.constant 0 : index
    %get3A_10 = vector.load %arg1[%get3A_7, %get3A_8, %get3A_9] : memref<2x8x128xf32, #tpu.memory_space<vmem>>, vector<1x1x128xf32>
    %get3A_11 = vector.shape_cast %get3A_10 : vector<1x1x128xf32> to vector<1x128xf32>
    %add3A = arith.addf %get3A_6, %get3A_11 : vector<1x128xf32>
    %mul3A = vector.broadcast %add3A : vector<1x128xf32> to vector<128x128xf32>
    %mul3A_12 = arith.mulf %convert_element_type3A_1, %mul3A : vector<128x128xf32>
    %dot_general3A = arith.constant dense<0.000000e+00> : vector<128x1xf32>
    %dot_general3A_13 = tpu.matmul %mul3A_12, %broadcast_in_dim3A_2, %dot_general3A {dimension_numbers = #tpu.dot_dimension_numbers<[1], [0], [0], [1], [0, 0, 1, 1], [], []>, precision = #tpu.contract_precision<fp32>, transpose_lhs_hint = false} : vector<128x128xf32>, vector<128x1xf32>, vector<128x1xf32> -> vector<128x1xf32>
    %get3A_14 = arith.constant 0 : index
    %get3A_15 = arith.constant 0 : index
    %get3A_16 = vector.load %arg2[%get3A_14, %get3A_15] : memref<1024x16xf32, #tpu.memory_space<vmem>>, vector<128x1xf32>
    %add3A_17 = arith.addf %dot_general3A_13, %get3A_16 : vector<128x1xf32>
    %get3A_18 = arith.constant 0 : index
    %get3A_19 = arith.constant 0 : index
    %get3A_20 = vector.load %arg3[%get3A_18, %get3A_19] : memref<1024x16xf32, #tpu.memory_space<vmem>>, vector<128x1xf32>
    %mul3A_21 = arith.mulf %add3A_17, %get3A_20 : vector<128x1xf32>
    %get3A_22 = arith.constant 0 : index
    %get3A_23 = arith.constant 0 : index
    %get3A_24 = vector.load %arg4[%get3A_22, %get3A_23] : memref<1x1xf32, #tpu.memory_space<vmem>>, vector<1x1xf32>
    %add3A_25 = vector.broadcast %get3A_24 : vector<1x1xf32> to vector<128x1xf32>
    %add3A_26 = arith.addf %mul3A_21, %add3A_25 : vector<128x1xf32>
    %logistic3A = arith.negf %add3A_26 : vector<128x1xf32>
    %logistic3A_27 = math.exp %logistic3A : vector<128x1xf32>
    %logistic3A_28 = arith.constant 1.000000e+00 : f32
    %logistic3A_29 = vector.broadcast %logistic3A_28 : f32 to vector<128x1xf32>
    %logistic3A_30 = arith.addf %logistic3A_29, %logistic3A_27 : vector<128x1xf32>
    %logistic3A_31 = arith.divf %logistic3A_29, %logistic3A_30 : vector<128x1xf32>
    %swap3A = arith.constant 0 : index
    %swap3A_32 = arith.constant 0 : index
    %swap3A_33 = vector.load %arg5[%swap3A, %swap3A_32] : memref<1024x1xf32, #tpu.memory_space<vmem>>, vector<128x1xf32>
    tpu.vector_store %arg5[%swap3A, %swap3A_32], %logistic3A_31 {strides = array<i32>} : memref<1024x1xf32, #tpu.memory_space<vmem>>, vector<128x1xf32>,
    %get3A_34 = arith.constant 0 : index
    %get3A_35 = arith.constant 1 : index
    %get3A_36 = arith.constant 0 : index
    %get3A_37 = vector.load %arg1[%get3A_34, %get3A_35, %get3A_36] : memref<2x8x128xf32, #tpu.memory_space<vmem>>, vector<1x1x128xf32>
    %get3A_38 = vector.shape_cast %get3A_37 : vector<1x1x128xf32> to vector<1x128xf32>
    %get3A_39 = arith.constant 1 : index
    %get3A_40 = arith.constant 1 : index
    %get3A_41 = arith.constant 0 : index
    %get3A_42 = vector.load %arg1[%get3A_39, %get3A_40, %get3A_41] : memref<2x8x128xf32, #tpu.memory_space<vmem>>, vector<1x1x128xf32>
    %get3A_43 = vector.shape_cast %get3A_42 : vector<1x1x128xf32> to vector<1x128xf32>
    %add3A_44 = arith.addf %get3A_38, %get3A_43 : vector<1x128xf32>
    %mul3A_45 = vector.broadcast %add3A_44 : vector<1x128xf32> to vector<128x128xf32>
    %mul3A_46 = arith.mulf %convert_element_type3A_1, %mul3A_45 : vector<128x128xf32>
    %dot_general3A_47 = arith.constant dense<0.000000e+00> : vector<128x1xf32>
    %dot_general3A_48 = tpu.matmul %mul3A_46, %broadcast_in_dim3A_2, %dot_general3A_47 {dimension_numbers = #tpu.dot_dimension_numbers<[1], [0], [0], [1], [0, 0, 1, 1], [], []>, precision = #tpu.contract_precision<fp32>, transpose_lhs_hint = false} : vector<128x128xf32>, vector<128x1xf32>, vector<128x1xf32> -> vector<128x1xf32>
    %get3A_49 = arith.constant 128 : index
    %get3A_50 = arith.constant 0 : index
    %get3A_51 = vector.load %arg2[%get3A_49, %get3A_50] : memref<1024x16xf32, #tpu.memory_space<vmem>>, vector<128x1xf32>
    %add3A_52 = arith.addf %dot_general3A_48, %get3A_51 : vector<128x1xf32>
    %get3A_53 = arith.constant 128 : index
    %get3A_54 = arith.constant 0 : index
    %get3A_55 = vector.load %arg3[%get3A_53, %get3A_54] : memref<1024x16xf32, #tpu.memory_space<vmem>>, vector<128x1xf32>
    %mul3A_56 = arith.mulf %add3A_52, %get3A_55 : vector<128x1xf32>
    %get3A_57 = arith.constant 0 : index
    %get3A_58 = arith.constant 0 : index
    %get3A_59 = vector.load %arg4[%get3A_57, %get3A_58] : memref<1x1xf32, #tpu.memory_space<vmem>>, vector<1x1xf32>
    %add3A_60 = vector.broadcast %get3A_59 : vector<1x1xf32> to vector<128x1xf32>
    %add3A_61 = arith.addf %mul3A_56, %add3A_60 : vector<128x1xf32>
    %logistic3A_62 = arith.negf %add3A_61 : vector<128x1xf32>
    %logistic3A_63 = math.exp %logistic3A_62 : vector<128x1xf32>
    %logistic3A_64 = arith.constant 1.000000e+00 : f32
    %logistic3A_65 = vector.broadcast %logistic3A_64 : f32 to vector<128x1xf32>
    %logistic3A_66 = arith.addf %logistic3A_65, %logistic3A_63 : vector<128x1xf32>
    %logistic3A_67 = arith.divf %logistic3A_65, %logistic3A_66 : vector<128x1xf32>
    %swap3A_68 = arith.constant 128 : index
    %swap3A_69 = arith.constant 0 : index
    %swap3A_70 = vector.load %arg5[%swap3A_68, %swap3A_69] : memref<1024x1xf32, #tpu.memory_space<vmem>>, vector<128x1xf32>
    tpu.vector_store %arg5[%swap3A_68, %swap3A_69], %logistic3A_67 {strides = array<i32>} : memref<1024x1xf32, #tpu.memory_space<vmem>>, vector<128x1xf32>,
    %get3A_71 = arith.constant 0 : index
    %get3A_72 = arith.constant 2 : index
    %get3A_73 = arith.constant 0 : index
    %get3A_74 = vector.load %arg1[%get3A_71, %get3A_72, %get3A_73] : memref<2x8x128xf32, #tpu.memory_space<vmem>>, vector<1x1x128xf32>
    %get3A_75 = vector.shape_cast %get3A_74 : vector<1x1x128xf32> to vector<1x128xf32>
    %get3A_76 = arith.constant 1 : index
    %get3A_77 = arith.constant 2 : index
    %get3A_78 = arith.constant 0 : index
    %get3A_79 = vector.load %arg1[%get3A_76, %get3A_77, %get3A_78] : memref<2x8x128xf32, #tpu.memory_space<vmem>>, vector<1x1x128xf32>
    %get3A_80 = vector.shape_cast %get3A_79 : vector<1x1x128xf32> to vector<1x128xf32>
    %add3A_81 = arith.addf %get3A_75, %get3A_80 : vector<1x128xf32>
    %mul3A_82 = vector.broadcast %add3A_81 : vector<1x128xf32> to vector<128x128xf32>
    %mul3A_83 = arith.mulf %convert_element_type3A_1, %mul3A_82 : vector<128x128xf32>
    %dot_general3A_84 = arith.constant dense<0.000000e+00> : vector<128x1xf32>
    %dot_general3A_85 = tpu.matmul %mul3A_83, %broadcast_in_dim3A_2, %dot_general3A_84 {dimension_numbers = #tpu.dot_dimension_numbers<[1], [0], [0], [1], [0, 0, 1, 1], [], []>, precision = #tpu.contract_precision<fp32>, transpose_lhs_hint = false} : vector<128x128xf32>, vector<128x1xf32>, vector<128x1xf32> -> vector<128x1xf32>
    %get3A_86 = arith.constant 256 : index
    %get3A_87 = arith.constant 0 : index
    %get3A_88 = vector.load %arg2[%get3A_86, %get3A_87] : memref<1024x16xf32, #tpu.memory_space<vmem>>, vector<128x1xf32>
    %add3A_89 = arith.addf %dot_general3A_85, %get3A_88 : vector<128x1xf32>
    %get3A_90 = arith.constant 256 : index
    %get3A_91 = arith.constant 0 : index
    %get3A_92 = vector.load %arg3[%get3A_90, %get3A_91] : memref<1024x16xf32, #tpu.memory_space<vmem>>, vector<128x1xf32>
    %mul3A_93 = arith.mulf %add3A_89, %get3A_92 : vector<128x1xf32>
    %get3A_94 = arith.constant 0 : index
    %get3A_95 = arith.constant 0 : index
    %get3A_96 = vector.load %arg4[%get3A_94, %get3A_95] : memref<1x1xf32, #tpu.memory_space<vmem>>, vector<1x1xf32>
    %add3A_97 = vector.broadcast %get3A_96 : vector<1x1xf32> to vector<128x1xf32>
    %add3A_98 = arith.addf %mul3A_93, %add3A_97 : vector<128x1xf32>
    %logistic3A_99 = arith.negf %add3A_98 : vector<128x1xf32>
    %logistic3A_100 = math.exp %logistic3A_99 : vector<128x1xf32>
    %logistic3A_101 = arith.constant 1.000000e+00 : f32
    %logistic3A_102 = vector.broadcast %logistic3A_101 : f32 to vector<128x1xf32>
    %logistic3A_103 = arith.addf %logistic3A_102, %logistic3A_100 : vector<128x1xf32>
    %logistic3A_104 = arith.divf %logistic3A_102, %logistic3A_103 : vector<128x1xf32>
    %swap3A_105 = arith.constant 256 : index
    %swap3A_106 = arith.constant 0 : index
    %swap3A_107 = vector.load %arg5[%swap3A_105, %swap3A_106] : memref<1024x1xf32, #tpu.memory_space<vmem>>, vector<128x1xf32>
    tpu.vector_store %arg5[%swap3A_105, %swap3A_106], %logistic3A_104 {strides = array<i32>} : memref<1024x1xf32, #tpu.memory_space<vmem>>, vector<128x1xf32>,
    %get3A_108 = arith.constant 0 : index
    %get3A_109 = arith.constant 3 : index
    %get3A_110 = arith.constant 0 : index
    %get3A_111 = vector.load %arg1[%get3A_108, %get3A_109, %get3A_110] : memref<2x8x128xf32, #tpu.memory_space<vmem>>, vector<1x1x128xf32>
    %get3A_112 = vector.shape_cast %get3A_111 : vector<1x1x128xf32> to vector<1x128xf32>
    %get3A_113 = arith.constant 1 : index
    %get3A_114 = arith.constant 3 : index
    %get3A_115 = arith.constant 0 : index
    %get3A_116 = vector.load %arg1[%get3A_113, %get3A_114, %get3A_115] : memref<2x8x128xf32, #tpu.memory_space<vmem>>, vector<1x1x128xf32>
    %get3A_117 = vector.shape_cast %get3A_116 : vector<1x1x128xf32> to vector<1x128xf32>
    %add3A_118 = arith.addf %get3A_112, %get3A_117 : vector<1x128xf32>
    %mul3A_119 = vector.broadcast %add3A_118 : vector<1x128xf32> to vector<128x128xf32>
    %mul3A_120 = arith.mulf %convert_element_type3A_1, %mul3A_119 : vector<128x128xf32>
    %dot_general3A_121 = arith.constant dense<0.000000e+00> : vector<128x1xf32>
    %dot_general3A_122 = tpu.matmul %mul3A_120, %broadcast_in_dim3A_2, %dot_general3A_121 {dimension_numbers = #tpu.dot_dimension_numbers<[1], [0], [0], [1], [0, 0, 1, 1], [], []>, precision = #tpu.contract_precision<fp32>, transpose_lhs_hint = false} : vector<128x128xf32>, vector<128x1xf32>, vector<128x1xf32> -> vector<128x1xf32>
    %get3A_123 = arith.constant 384 : index
    %get3A_124 = arith.constant 0 : index
    %get3A_125 = vector.load %arg2[%get3A_123, %get3A_124] : memref<1024x16xf32, #tpu.memory_space<vmem>>, vector<128x1xf32>
    %add3A_126 = arith.addf %dot_general3A_122, %get3A_125 : vector<128x1xf32>
    %get3A_127 = arith.constant 384 : index
    %get3A_128 = arith.constant 0 : index
    %get3A_129 = vector.load %arg3[%get3A_127, %get3A_128] : memref<1024x16xf32, #tpu.memory_space<vmem>>, vector<128x1xf32>
    %mul3A_130 = arith.mulf %add3A_126, %get3A_129 : vector<128x1xf32>
    %get3A_131 = arith.constant 0 : index
    %get3A_132 = arith.constant 0 : index
    %get3A_133 = vector.load %arg4[%get3A_131, %get3A_132] : memref<1x1xf32, #tpu.memory_space<vmem>>, vector<1x1xf32>
    %add3A_134 = vector.broadcast %get3A_133 : vector<1x1xf32> to vector<128x1xf32>
    %add3A_135 = arith.addf %mul3A_130, %add3A_134 : vector<128x1xf32>
    %logistic3A_136 = arith.negf %add3A_135 : vector<128x1xf32>
    %logistic3A_137 = math.exp %logistic3A_136 : vector<128x1xf32>
    %logistic3A_138 = arith.constant 1.000000e+00 : f32
    %logistic3A_139 = vector.broadcast %logistic3A_138 : f32 to vector<128x1xf32>
    %logistic3A_140 = arith.addf %logistic3A_139, %logistic3A_137 : vector<128x1xf32>
    %logistic3A_141 = arith.divf %logistic3A_139, %logistic3A_140 : vector<128x1xf32>
    %swap3A_142 = arith.constant 384 : index
    %swap3A_143 = arith.constant 0 : index
    %swap3A_144 = vector.load %arg5[%swap3A_142, %swap3A_143] : memref<1024x1xf32, #tpu.memory_space<vmem>>, vector<128x1xf32>
    tpu.vector_store %arg5[%swap3A_142, %swap3A_143], %logistic3A_141 {strides = array<i32>} : memref<1024x1xf32, #tpu.memory_space<vmem>>, vector<128x1xf32>,
    %get3A_145 = arith.constant 0 : index
    %get3A_146 = arith.constant 4 : index
    %get3A_147 = arith.constant 0 : index
    %get3A_148 = vector.load %arg1[%get3A_145, %get3A_146, %get3A_147] : memref<2x8x128xf32, #tpu.memory_space<vmem>>, vector<1x1x128xf32>
    %get3A_149 = vector.shape_cast %get3A_148 : vector<1x1x128xf32> to vector<1x128xf32>
    %get3A_150 = arith.constant 1 : index
    %get3A_151 = arith.constant 4 : index
    %get3A_152 = arith.constant 0 : index
    %get3A_153 = vector.load %arg1[%get3A_150, %get3A_151, %get3A_152] : memref<2x8x128xf32, #tpu.memory_space<vmem>>, vector<1x1x128xf32>
    %get3A_154 = vector.shape_cast %get3A_153 : vector<1x1x128xf32> to vector<1x128xf32>
    %add3A_155 = arith.addf %get3A_149, %get3A_154 : vector<1x128xf32>
    %mul3A_156 = vector.broadcast %add3A_155 : vector<1x128xf32> to vector<128x128xf32>
    %mul3A_157 = arith.mulf %convert_element_type3A_1, %mul3A_156 : vector<128x128xf32>
    %dot_general3A_158 = arith.constant dense<0.000000e+00> : vector<128x1xf32>
    %dot_general3A_159 = tpu.matmul %mul3A_157, %broadcast_in_dim3A_2, %dot_general3A_158 {dimension_numbers = #tpu.dot_dimension_numbers<[1], [0], [0], [1], [0, 0, 1, 1], [], []>, precision = #tpu.contract_precision<fp32>, transpose_lhs_hint = false} : vector<128x128xf32>, vector<128x1xf32>, vector<128x1xf32> -> vector<128x1xf32>
    %get3A_160 = arith.constant 512 : index
    %get3A_161 = arith.constant 0 : index
    %get3A_162 = vector.load %arg2[%get3A_160, %get3A_161] : memref<1024x16xf32, #tpu.memory_space<vmem>>, vector<128x1xf32>
    %add3A_163 = arith.addf %dot_general3A_159, %get3A_162 : vector<128x1xf32>
    %get3A_164 = arith.constant 512 : index
    %get3A_165 = arith.constant 0 : index
    %get3A_166 = vector.load %arg3[%get3A_164, %get3A_165] : memref<1024x16xf32, #tpu.memory_space<vmem>>, vector<128x1xf32>
    %mul3A_167 = arith.mulf %add3A_163, %get3A_166 : vector<128x1xf32>
    %get3A_168 = arith.constant 0 : index
    %get3A_169 = arith.constant 0 : index
    %get3A_170 = vector.load %arg4[%get3A_168, %get3A_169] : memref<1x1xf32, #tpu.memory_space<vmem>>, vector<1x1xf32>
    %add3A_171 = vector.broadcast %get3A_170 : vector<1x1xf32> to vector<128x1xf32>
    %add3A_172 = arith.addf %mul3A_167, %add3A_171 : vector<128x1xf32>
    %logistic3A_173 = arith.negf %add3A_172 : vector<128x1xf32>
    %logistic3A_174 = math.exp %logistic3A_173 : vector<128x1xf32>
    %logistic3A_175 = arith.constant 1.000000e+00 : f32
    %logistic3A_176 = vector.broadcast %logistic3A_175 : f32 to vector<128x1xf32>
    %logistic3A_177 = arith.addf %logistic3A_176, %logistic3A_174 : vector<128x1xf32>
    %logistic3A_178 = arith.divf %logistic3A_176, %logistic3A_177 : vector<128x1xf32>
    %swap3A_179 = arith.constant 512 : index
    %swap3A_180 = arith.constant 0 : index
    %swap3A_181 = vector.load %arg5[%swap3A_179, %swap3A_180] : memref<1024x1xf32, #tpu.memory_space<vmem>>, vector<128x1xf32>
    tpu.vector_store %arg5[%swap3A_179, %swap3A_180], %logistic3A_178 {strides = array<i32>} : memref<1024x1xf32, #tpu.memory_space<vmem>>, vector<128x1xf32>,
    %get3A_182 = arith.constant 0 : index
    %get3A_183 = arith.constant 5 : index
    %get3A_184 = arith.constant 0 : index
    %get3A_185 = vector.load %arg1[%get3A_182, %get3A_183, %get3A_184] : memref<2x8x128xf32, #tpu.memory_space<vmem>>, vector<1x1x128xf32>
    %get3A_186 = vector.shape_cast %get3A_185 : vector<1x1x128xf32> to vector<1x128xf32>
    %get3A_187 = arith.constant 1 : index
    %get3A_188 = arith.constant 5 : index
    %get3A_189 = arith.constant 0 : index
    %get3A_190 = vector.load %arg1[%get3A_187, %get3A_188, %get3A_189] : memref<2x8x128xf32, #tpu.memory_space<vmem>>, vector<1x1x128xf32>
    %get3A_191 = vector.shape_cast %get3A_190 : vector<1x1x128xf32> to vector<1x128xf32>
    %add3A_192 = arith.addf %get3A_186, %get3A_191 : vector<1x128xf32>
    %mul3A_193 = vector.broadcast %add3A_192 : vector<1x128xf32> to vector<128x128xf32>
    %mul3A_194 = arith.mulf %convert_element_type3A_1, %mul3A_193 : vector<128x128xf32>
    %dot_general3A_195 = arith.constant dense<0.000000e+00> : vector<128x1xf32>
    %dot_general3A_196 = tpu.matmul %mul3A_194, %broadcast_in_dim3A_2, %dot_general3A_195 {dimension_numbers = #tpu.dot_dimension_numbers<[1], [0], [0], [1], [0, 0, 1, 1], [], []>, precision = #tpu.contract_precision<fp32>, transpose_lhs_hint = false} : vector<128x128xf32>, vector<128x1xf32>, vector<128x1xf32> -> vector<128x1xf32>
    %get3A_197 = arith.constant 640 : index
    %get3A_198 = arith.constant 0 : index
    %get3A_199 = vector.load %arg2[%get3A_197, %get3A_198] : memref<1024x16xf32, #tpu.memory_space<vmem>>, vector<128x1xf32>
    %add3A_200 = arith.addf %dot_general3A_196, %get3A_199 : vector<128x1xf32>
    %get3A_201 = arith.constant 640 : index
    %get3A_202 = arith.constant 0 : index
    %get3A_203 = vector.load %arg3[%get3A_201, %get3A_202] : memref<1024x16xf32, #tpu.memory_space<vmem>>, vector<128x1xf32>
    %mul3A_204 = arith.mulf %add3A_200, %get3A_203 : vector<128x1xf32>
    %get3A_205 = arith.constant 0 : index
    %get3A_206 = arith.constant 0 : index
    %get3A_207 = vector.load %arg4[%get3A_205, %get3A_206] : memref<1x1xf32, #tpu.memory_space<vmem>>, vector<1x1xf32>
    %add3A_208 = vector.broadcast %get3A_207 : vector<1x1xf32> to vector<128x1xf32>
    %add3A_209 = arith.addf %mul3A_204, %add3A_208 : vector<128x1xf32>
    %logistic3A_210 = arith.negf %add3A_209 : vector<128x1xf32>
    %logistic3A_211 = math.exp %logistic3A_210 : vector<128x1xf32>
    %logistic3A_212 = arith.constant 1.000000e+00 : f32
    %logistic3A_213 = vector.broadcast %logistic3A_212 : f32 to vector<128x1xf32>
    %logistic3A_214 = arith.addf %logistic3A_213, %logistic3A_211 : vector<128x1xf32>
    %logistic3A_215 = arith.divf %logistic3A_213, %logistic3A_214 : vector<128x1xf32>
    %swap3A_216 = arith.constant 640 : index
    %swap3A_217 = arith.constant 0 : index
    %swap3A_218 = vector.load %arg5[%swap3A_216, %swap3A_217] : memref<1024x1xf32, #tpu.memory_space<vmem>>, vector<128x1xf32>
    tpu.vector_store %arg5[%swap3A_216, %swap3A_217], %logistic3A_215 {strides = array<i32>} : memref<1024x1xf32, #tpu.memory_space<vmem>>, vector<128x1xf32>,
    %get3A_219 = arith.constant 0 : index
    %get3A_220 = arith.constant 6 : index
    %get3A_221 = arith.constant 0 : index
    %get3A_222 = vector.load %arg1[%get3A_219, %get3A_220, %get3A_221] : memref<2x8x128xf32, #tpu.memory_space<vmem>>, vector<1x1x128xf32>
    %get3A_223 = vector.shape_cast %get3A_222 : vector<1x1x128xf32> to vector<1x128xf32>
    %get3A_224 = arith.constant 1 : index
    %get3A_225 = arith.constant 6 : index
    %get3A_226 = arith.constant 0 : index
    %get3A_227 = vector.load %arg1[%get3A_224, %get3A_225, %get3A_226] : memref<2x8x128xf32, #tpu.memory_space<vmem>>, vector<1x1x128xf32>
    %get3A_228 = vector.shape_cast %get3A_227 : vector<1x1x128xf32> to vector<1x128xf32>
    %add3A_229 = arith.addf %get3A_223, %get3A_228 : vector<1x128xf32>
    %mul3A_230 = vector.broadcast %add3A_229 : vector<1x128xf32> to vector<128x128xf32>
    %mul3A_231 = arith.mulf %convert_element_type3A_1, %mul3A_230 : vector<128x128xf32>
    %dot_general3A_232 = arith.constant dense<0.000000e+00> : vector<128x1xf32>
    %dot_general3A_233 = tpu.matmul %mul3A_231, %broadcast_in_dim3A_2, %dot_general3A_232 {dimension_numbers = #tpu.dot_dimension_numbers<[1], [0], [0], [1], [0, 0, 1, 1], [], []>, precision = #tpu.contract_precision<fp32>, transpose_lhs_hint = false} : vector<128x128xf32>, vector<128x1xf32>, vector<128x1xf32> -> vector<128x1xf32>
    %get3A_234 = arith.constant 768 : index
    %get3A_235 = arith.constant 0 : index
    %get3A_236 = vector.load %arg2[%get3A_234, %get3A_235] : memref<1024x16xf32, #tpu.memory_space<vmem>>, vector<128x1xf32>
    %add3A_237 = arith.addf %dot_general3A_233, %get3A_236 : vector<128x1xf32>
    %get3A_238 = arith.constant 768 : index
    %get3A_239 = arith.constant 0 : index
    %get3A_240 = vector.load %arg3[%get3A_238, %get3A_239] : memref<1024x16xf32, #tpu.memory_space<vmem>>, vector<128x1xf32>
    %mul3A_241 = arith.mulf %add3A_237, %get3A_240 : vector<128x1xf32>
    %get3A_242 = arith.constant 0 : index
    %get3A_243 = arith.constant 0 : index
    %get3A_244 = vector.load %arg4[%get3A_242, %get3A_243] : memref<1x1xf32, #tpu.memory_space<vmem>>, vector<1x1xf32>
    %add3A_245 = vector.broadcast %get3A_244 : vector<1x1xf32> to vector<128x1xf32>
    %add3A_246 = arith.addf %mul3A_241, %add3A_245 : vector<128x1xf32>
    %logistic3A_247 = arith.negf %add3A_246 : vector<128x1xf32>
    %logistic3A_248 = math.exp %logistic3A_247 : vector<128x1xf32>
    %logistic3A_249 = arith.constant 1.000000e+00 : f32
    %logistic3A_250 = vector.broadcast %logistic3A_249 : f32 to vector<128x1xf32>
    %logistic3A_251 = arith.addf %logistic3A_250, %logistic3A_248 : vector<128x1xf32>
    %logistic3A_252 = arith.divf %logistic3A_250, %logistic3A_251 : vector<128x1xf32>
    %swap3A_253 = arith.constant 768 : index
    %swap3A_254 = arith.constant 0 : index
    %swap3A_255 = vector.load %arg5[%swap3A_253, %swap3A_254] : memref<1024x1xf32, #tpu.memory_space<vmem>>, vector<128x1xf32>
    tpu.vector_store %arg5[%swap3A_253, %swap3A_254], %logistic3A_252 {strides = array<i32>} : memref<1024x1xf32, #tpu.memory_space<vmem>>, vector<128x1xf32>,
    %get3A_256 = arith.constant 0 : index
    %get3A_257 = arith.constant 7 : index
    %get3A_258 = arith.constant 0 : index
    %get3A_259 = vector.load %arg1[%get3A_256, %get3A_257, %get3A_258] : memref<2x8x128xf32, #tpu.memory_space<vmem>>, vector<1x1x128xf32>
    %get3A_260 = vector.shape_cast %get3A_259 : vector<1x1x128xf32> to vector<1x128xf32>
    %get3A_261 = arith.constant 1 : index
    %get3A_262 = arith.constant 7 : index
    %get3A_263 = arith.constant 0 : index
    %get3A_264 = vector.load %arg1[%get3A_261, %get3A_262, %get3A_263] : memref<2x8x128xf32, #tpu.memory_space<vmem>>, vector<1x1x128xf32>
    %get3A_265 = vector.shape_cast %get3A_264 : vector<1x1x128xf32> to vector<1x128xf32>
    %add3A_266 = arith.addf %get3A_260, %get3A_265 : vector<1x128xf32>
    %mul3A_267 = vector.broadcast %add3A_266 : vector<1x128xf32> to vector<128x128xf32>
    %mul3A_268 = arith.mulf %convert_element_type3A_1, %mul3A_267 : vector<128x128xf32>
    %dot_general3A_269 = arith.constant dense<0.000000e+00> : vector<128x1xf32>
    %dot_general3A_270 = tpu.matmul %mul3A_268, %broadcast_in_dim3A_2, %dot_general3A_269 {dimension_numbers = #tpu.dot_dimension_numbers<[1], [0], [0], [1], [0, 0, 1, 1], [], []>, precision = #tpu.contract_precision<fp32>, transpose_lhs_hint = false} : vector<128x128xf32>, vector<128x1xf32>, vector<128x1xf32> -> vector<128x1xf32>
    %get3A_271 = arith.constant 896 : index
    %get3A_272 = arith.constant 0 : index
    %get3A_273 = vector.load %arg2[%get3A_271, %get3A_272] : memref<1024x16xf32, #tpu.memory_space<vmem>>, vector<128x1xf32>
    %add3A_274 = arith.addf %dot_general3A_270, %get3A_273 : vector<128x1xf32>
    %get3A_275 = arith.constant 896 : index
    %get3A_276 = arith.constant 0 : index
    %get3A_277 = vector.load %arg3[%get3A_275, %get3A_276] : memref<1024x16xf32, #tpu.memory_space<vmem>>, vector<128x1xf32>
    %mul3A_278 = arith.mulf %add3A_274, %get3A_277 : vector<128x1xf32>
    %get3A_279 = arith.constant 0 : index
    %get3A_280 = arith.constant 0 : index
    %get3A_281 = vector.load %arg4[%get3A_279, %get3A_280] : memref<1x1xf32, #tpu.memory_space<vmem>>, vector<1x1xf32>
    %add3A_282 = vector.broadcast %get3A_281 : vector<1x1xf32> to vector<128x1xf32>
    %add3A_283 = arith.addf %mul3A_278, %add3A_282 : vector<128x1xf32>
    %logistic3A_284 = arith.negf %add3A_283 : vector<128x1xf32>
    %logistic3A_285 = math.exp %logistic3A_284 : vector<128x1xf32>
    %logistic3A_286 = arith.constant 1.000000e+00 : f32
    %logistic3A_287 = vector.broadcast %logistic3A_286 : f32 to vector<128x1xf32>
    %logistic3A_288 = arith.addf %logistic3A_287, %logistic3A_285 : vector<128x1xf32>
    %logistic3A_289 = arith.divf %logistic3A_287, %logistic3A_288 : vector<128x1xf32>
    %swap3A_290 = arith.constant 896 : index
    %swap3A_291 = arith.constant 0 : index
    %swap3A_292 = vector.load %arg5[%swap3A_290, %swap3A_291] : memref<1024x1xf32, #tpu.memory_space<vmem>>, vector<128x1xf32>
    tpu.vector_store %arg5[%swap3A_290, %swap3A_291], %logistic3A_289 {strides = array<i32>} : memref<1024x1xf32, #tpu.memory_space<vmem>>, vector<128x1xf32>,
    return
  }
  func.func @transform_0(%arg0: i32) -> (i32, i32, i32) {
    %c0_i32 = arith.constant 0 : i32
    %c0_i32_0 = arith.constant 0 : i32
    %c0_i32_1 = arith.constant 0 : i32
    return %c0_i32, %arg0, %c0_i32_0 : i32, i32, i32
  }
  func.func @transform_1(%arg0: i32) -> (i32, i32) {
    %c0_i32 = arith.constant 0 : i32
    %c0_i32_0 = arith.constant 0 : i32
    return %arg0, %c0_i32 : i32, i32
  }
  func.func @transform_2(%arg0: i32) -> (i32, i32) {
    %c0_i32 = arith.constant 0 : i32
    %c0_i32_0 = arith.constant 0 : i32
    return %arg0, %c0_i32 : i32, i32
  }
  func.func @transform_3(%arg0: i32) -> (i32, i32) {
    %c0_i32 = arith.constant 0 : i32
    %c0_i32_0 = arith.constant 0 : i32
    %c0_i32_1 = arith.constant 0 : i32
    return %c0_i32, %c0_i32_0 : i32, i32
  }
  func.func @transform_4(%arg0: i32) -> (i32, i32) {
    %c0_i32 = arith.constant 0 : i32
    %c0_i32_0 = arith.constant 0 : i32
    return %arg0, %c0_i32 : i32, i32
  }
}

</mosaic_0001>

<sc_bundles>
// kernel: kernel.12.cloned.1.call-start
scs
__scs_entry_jumppad:
0x0: {  	(pc) =	sbr.rel $0x88, $3  }
0x1: {  	(tag) =	ssettag $0x0;
	lr =	simm.s32 $0x1  }
0x2: {  	[smem:$0x3F9B] =	sst lr;
	_ =	strace $0xD0000000  }
0x3: {  	_ = 	snop  }
0x4: {  	_ = 	snop  }
0x5: {  	_ = 	snop  }
0x6: {  	_ = 	snop  }
0x7: {  	_ = 	snop  }
__scs_overlays_trampoline_lowered:
0x8: {  	[smem:$0x3FAA] =	sst s0  }
0x9: {  	[smem:$0x3FAB] =	sst s1  }
0xa: {  	[smem:$0x3FAC] =	sst s2  }
0xb: {  	[smem:$0x3FAD] =	sst s3  }
0xc: {  	[smem:$0x3FAE] =	sst s4  }
0xd: {  	[smem:$0x3FAF] =	sst s5  }
0xe: {  	[smem:$0x3FB0] =	sst s6  }
0xf: {  	[smem:$0x3FB1] =	sst s7  }
0x10: {  	[smem:$0x3FB2] =	sst s8  }
0x11: {  	[smem:$0x3FB3] =	sst s9;
	s0 =	simm.s32 @!p0 $0x0  }
0x12: {  	s1 =	sld [smem:$0x3F99];
	s0 =	simm.s32 @p0 $0x1  }
0x13: {  	[smem:$0x3FB4] =	sst s0;
	s0 =	simm.s32 @!p1 $0x0  }
0x14: {  	s2 =	sld [smem:$0x3F98];
	s0 =	simm.s32 @p1 $0x1  }
0x15: {  	[smem:$0x3FB5] =	sst s0;
	s0 =	simm.s32 @!p2 $0x0  }
0x16: {  	s3 =	sld [smem:$0x3FDB];
	s0 =	simm.s32 @p2 $0x1  }
0x17: {  	s4 =	simm.s32 $0x1BF5;
	[smem:$0x3FB7] =	sst s0  }
0x18: {  	s0 =	sld [smem:$0x3F9A];
	_ =	swait.ge [sflag:s4], $0x0  }
0x19: {  	s7 =	sld [smem:$0x3F9B]  }
0x1a: {  	s8 =	sadd.s32 $0xFFFFE003, lr  }
0x1b: {  	s9 =	sadd.s32 $0xFFFFFEF7, lr;
	s5 =	simm.s32 $0xFFFFFFFF;
	p2 =	slt.u32 s8, $0xFFFFF086  }
0x1c: {  	p1 =	slt.u32 s9, $0xF7A;
	s5 =	simm.s32 @!p2 $0x0  }
0x1d: {  	s5 =	simm.s32 @p1 $0x1;
	p0 =	seq.s32 s7, s2  }
0x1e: {  	s7 =	smul.u32 @!p0 $0xF7A, s2;
	p2 =	seq.s32 @!p0 s5, $0x0  }
0x1f: {  	s9 =	smul.u32 $0xF7A, s1;
	s8 =	simm.s32 @!p0 $0x1BF5;
	p2 =	por !p2, p0  }
0x20: {  	[sflag:s8] =	ssyncset.s32 @!p0 $0xFFFFF086;
	s6 =	sadd.s32 @!p0 s3, s7;
	s7 =	simm.s32 @!p0 $0x108  }
0x21: {  	s3 =	sadd.s32 s3, s9;
	s6 =	sadd.s32 @!p0 $0x88, s6;
	s7 =	simm.s32 @p2 $0x1082  }
0x22: {  	[simem:s7], [sflag:s8] =	dma.local @!p0 [hbm:s6], $0xF7A  }
0x23: {  	s9 =	sor.u32 $0xD0000000, s2;
	s6 =	simm.s32 $0x108;
	_ =	swait.ge @!p0 [sflag:s8], $0x0  }
0x24: {  	s3 =	sadd.s32 $0x88, s3;
	s6 =	simm.s32 @!p1 $0x1082;
	[sflag:s4] =	ssyncset.s32 $0xFFFFF086  }
0x25: {  	[simem:s6], [sflag:s4] =	dma.local [hbm:s3], $0xF7A  }
0x26: {  	[smem:$0x3F9B] =	sst s1;
	(tag) =	ssettag s2;
	_ =	strace s9  }
0x27: {  	s1 =	sld [smem:$0x3FAB]  }
0x28: {  	s2 =	sld [smem:$0x3FAC]  }
0x29: {  	s4 =	sld [smem:$0x3FAE]  }
0x2a: {  	p0 =	seq.s32 s5, $0x0;
	s5 =	sld [smem:$0x3FAF]  }
0x2b: {  	s6 =	sld [smem:$0x3FB0]  }
0x2c: {  	s7 =	sld [smem:$0x3FB1]  }
0x2d: {  	s3 =	simm.s32 $0x108;
	s8 =	sld [smem:$0x3FB2]  }
0x2e: {  	s3 =	simm.s32 @!p0 $0x1082;
	s9 =	sld [smem:$0x3FB3]  }
0x2f: {  	lr =	sadd.s32 s0, s3;
	s0 =	sld [smem:$0x3FAA]  }
0x30: {  	s3 =	sld [smem:$0x3FAD]  }
0x31: {  	[smem:$0x3FB6] =	sst s10  }
0x32: {  	s10 =	sld [smem:$0x3FB4];
	_ =	sdelay $0x3  }
0x33: {  	p0 =	seq.s32 s10, $0x1;
	s10 =	sld [smem:$0x3FB6];
	_ =	sdelay $0x3  }
0x34: {  	[smem:$0x3FB6] =	sst s10  }
0x35: {  	s10 =	sld [smem:$0x3FB5];
	_ =	sdelay $0x3  }
0x36: {  	p1 =	seq.s32 s10, $0x1;
	s10 =	sld [smem:$0x3FB6];
	_ =	sdelay $0x3  }
0x37: {  	[smem:$0x3FB6] =	sst s10  }
0x38: {  	s10 =	sld [smem:$0x3FB7]  }
0x39: {  	_ = 	snop;
	(pc) =	sbr.ind lr, $3  }
0x3a: {  	_ = 	snop  }
0x3b: {  	_ = 	snop  }
0x3c: {  	p2 =	seq.s32 s10, $0x1;
	s10 =	sld [smem:$0x3FB6]  }
0x3d: {  	_ =	shalt  }
0x3e: {  	_ =	shalt  }
0x3f: {  	_ =	shalt  }
0x40: {  	_ =	shalt  }
0x41: {  	_ =	shalt  }
0x42: {  	_ =	shalt  }
0x43: {  	_ =	shalt  }
0x44: {  	_ =	shalt  }
0x45: {  	_ =	shalt  }
0x46: {  	_ =	shalt  }
0x47: {  	_ =	shalt  }
0x48: {  	_ =	shalt  }
0x49: {  	_ =	shalt  }
0x4a: {  	_ =	shalt  }
0x4b: {  	_ =	shalt  }
0x4c: {  	_ =	shalt  }
0x4d: {  	_ =	shalt  }
0x4e: {  	_ =	shalt  }
0x4f: {  	_ =	shalt  }
0x50: {  	_ =	shalt  }
0x51: {  	_ =	shalt  }
0x52: {  	_ =	shalt  }
0x53: {  	_ =	shalt  }
0x54: {  	_ =	shalt  }
0x55: {  	_ =	shalt  }
0x56: {  	_ =	shalt  }
0x57: {  	_ =	shalt  }
0x58: {  	_ =	shalt  }
0x59: {  	_ =	shalt  }
0x5a: {  	_ =	shalt  }
0x5b: {  	_ =	shalt  }
0x5c: {  	_ =	shalt  }
0x5d: {  	_ =	shalt  }
0x5e: {  	_ =	shalt  }
0x5f: {  	_ =	shalt  }
0x60: {  	_ =	shalt  }
0x61: {  	_ =	shalt  }
0x62: {  	_ =	shalt  }
0x63: {  	_ =	shalt  }
0x64: {  	_ =	shalt  }
0x65: {  	_ =	shalt  }
0x66: {  	_ =	shalt  }
0x67: {  	_ =	shalt  }
0x68: {  	_ =	shalt  }
0x69: {  	_ =	shalt  }
0x6a: {  	_ =	shalt  }
0x6b: {  	_ =	shalt  }
0x6c: {  	_ =	shalt  }
0x6d: {  	_ =	shalt  }
0x6e: {  	_ =	shalt  }
0x6f: {  	_ =	shalt  }
0x70: {  	_ =	shalt  }
0x71: {  	_ =	shalt  }
0x72: {  	_ =	shalt  }
0x73: {  	_ =	shalt  }
0x74: {  	_ =	shalt  }
0x75: {  	_ =	shalt  }
0x76: {  	_ =	shalt  }
0x77: {  	_ =	shalt  }
0x78: {  	_ =	shalt  }
0x79: {  	_ =	shalt  }
0x7a: {  	_ =	shalt  }
0x7b: {  	_ =	shalt  }
0x7c: {  	_ =	shalt  }
0x7d: {  	_ =	shalt  }
0x7e: {  	_ =	shalt  }
0x7f: {  	_ =	shalt  }
0x80: {  	_ =	shalt  }
0x81: {  	_ =	shalt  }
0x82: {  	_ =	shalt  }
0x83: {  	_ =	shalt  }
0x84: {  	_ =	shalt  }
0x85: {  	_ =	shalt  }
0x86: {  	_ =	shalt  }
0x87: {  	_ =	shalt  }
.Lfunc_end0:
.L_simem_size_0:
called_computation.1_lowered:
.L_overlay_start_0:
0x88: {  	s2 =	sld [smem:$0x3FD9]  }
0x89: {  	s3 =	sld [smem:$0x3FFE];
	_ =	sdelay $0x1  }
0x8a: {  	s1 =	srdreg.scid  }
0x8b: {  	s0 =	sand.u32 $0x1, s1  }
0x8c: {  	s16 =	sshll.u32 s0, $0xA;
	s2 =	sadd.s32 s3, s2  }
0x8d: {  	s2 =	sadd.s32 s2, s16  }
0x8e: {  	[smem:$0x3FC2] =	sst s2  }
0x8f: {  	_ = 	snop  }
0x90: {  	(tm) =	ssettm $0x1  }
0x91: {  	s17 =	sld [smem:$0x3FFB];
	_ =	sdelay $0x3  }
0x92: {  	_ =	strace s17  }
0x93: {  	s2 =	sld [smem:$0x3FFC];
	_ =	sdelay $0x3  }
0x94: {  	_ =	strace s2  }
0x95: {  	s2 =	sld [smem:$0x3FFD];
	_ =	sdelay $0x3  }
0x96: {  	_ =	strace s2  }
0x97: {  	_ =	strace $0x8FFFFFFF  }
0x98: {  	s18 =	sld [smem:$0x3FDB];
	_ =	sdelay $0x1  }
0x99: {  	s19 =	simm.s32 $_scs_section_size  }
0x9a: {  	s4 =	simm.s32 $_size__tile_overlayer_lowered;
	s5 =	simm.s32 $_tile_overlayer_lowered  }
0x9b: {  	s22 =	simm.s32 $0x1BFF;
	s21 =	sshll.u32 s5, $0x1;
	s2 =	sadd.s32 s19, s18  }
0x9c: {  	s6 =	simm.s32 $0x0;
	s20 =	sshll.u32 s4, $0x1;
	s4 =	sadd.s32 s21, s2  }
0x9d: {  	[timem:s6], [sflag:s22] =	dma.local [hbm:s4], s20  }
0x9e: {  	_ =	swait.ge [sflag:s22], s20  }
0x9f: {  	s3 =	ssub.s32 $0x0, s20;
	[sflag:s22] =	ssyncset.done $0x0  }
0xa0: {  	[sflag:s22] =	ssyncadd.s32 s3;
	_ =	sdelay $0x1  }
0xa1: {  	s23 =	simm.s32 $0x1B8B  }
0xa2: {  	_ =	swait.ge [sflag:s23], $0x1  }
0xa3: {  	[sflag:s23] =	ssyncset.done $0x0  }
0xa4: {  	s25 =	simm.s32 $0x1B8E;
	s24 =	sld [smem:$0x3FFE];
	[sflag:s23] =	ssyncadd.s32 $0xFFFFFFFF  }
0xa5: {  	s26 =	simm.s32 $execute0_lowered;
	[smem:$0x3FD2] =	sst s25  }
0xa6: {  	s4 =	sshll.u32 s26, $0x1;
	_ =	strace $0x80000049;
	[dreg:$0x1] =	wrdreg $0xFFFFFFFF  }
0xa7: {  	s28 =	simm.s32 $_size_execute0_lowered;
	s2 =	sadd.s32 s2, s4;
	[dreg:$0x0] =	wrdreg $0x0  }
0xa8: {  	s4 =	sshll.u32 s28, $0x1;
	[dreg:$0x2] =	wrdreg s2  }
0xa9: {  	[dreg:$0x3] =	wrdreg s4  }
0xaa: {  	[dreg:$0x4] =	wrdreg $0xC0  }
0xab: {  	_ =	task [dreg:s6], $0x5FFFF  }
0xac: {  	[dreg:$0x1] =	wrdreg $0xFFFFFFFF  }
0xad: {  	[dreg:$0x0] =	wrdreg $0x60  }
0xae: {  	[dreg:$0x2] =	wrdreg s24  }
0xaf: {  	[dreg:$0x3] =	wrdreg $0xA8000  }
0xb0: {  	[dreg:$0x4] =	wrdreg $0x9  }
0xb1: {  	_ =	task.clear_ibuf [dreg:s6], $0x5FFFF;
	_ =	strace $0x90000049  }
0xb2: {  	s29 =	simm.s32 $0x9;
	_ =	strace $0x8000004B  }
0xb3: {  	_ =	swait.ge [sflag:s29], $0x1  }
0xb4: {  	[sflag:s29] =	ssyncadd.s32 $0xFFFFFFFF  }
0xb5: {  	_ =	strace $0x9000004B  }
0xb6: {  	_ =	sfence  }
0xb7: {  	s30 =	sld [smem:$0x0];
	_ =	sdelay $0x2  }
0xb8: {  	s31 =	sshll.u32 s1, $0xD;
	s1 =	sshrl.u32 s1, $0x2  }
0xb9: {  	s3 =	sand.u32 $0x4000, s31;
	s1 =	sadd.s32 s1, s30  }
0xba: {  	s0 =	sor.u32 s3, s0;
	s1 =	sshll.u32 s1, $0x11  }
0xbb: {  	s0 =	sor.u32 s1, s0  }
0xbc: {  	s0 =	sadd.s32 $0x8F2B, s0  }
0xbd: {  	[sflag:s0] =	ssyncadd.remote.s32 $0x1  }
0xbe: {  	_ =	sfence.sel $0xFFFF  }
0xbf: {  	[dreg:$0x0] =	wrdreg $0xFFFFFFFF;
	(pc) =	sbr.abs _section_cstart, $3  }
0xc0: {  	[dreg:$0x1] =	wrdreg $0xFFFFFFFF  }
0xc1: {  	_ =	task.clear_ibuf [dreg:s6], $0x2FFFF;
	_ =	strace $0x9FFFFFFF  }
0xc2: {  	(tm) =	ssettm $0x7FFFFFFF  }
0xc3: {  	_ =	shalt  }
tec
execute0_lowered:
.L_overlay_start_1:
0x0: {  	(tag) =	ssettag $0x1  }
0x1: {  	s0 =	rddreg [dreg:$0x0]  }
0x2: {  	s2 =	rddreg [dreg:$0x1];
	s3 =	simm.s32 $0x0  }
0x3: {  	s1 =	srdreg.scid;
	s11 =	stileid.u32;
	s28 =	simm.s32 $0x80  }
0x4: {  	s29 =	simm.s32 $0x6800;
	s30 =	simm.s32 $0x1;
	s31 =	simm.s32 $0x2  }
0x5: {  	[smem:$0x7FF] =	sst s3;
	s1 =	sand.u32 $0x1, s1;
	s5 =	smul.u32 $0x50000, s11  }
0x6: {  	s4 =	sshll.u32 s11, $0x1;
	s6 =	sadd.s32 $0xBE00, s0;
	s12 =	smul.u32 $0x14000, s11  }
0x7: {  	s4 =	sor.u32 s1, s4;
	s9 =	ssub.s32 $0x2, s1;
	s1 =	smul.u32 $0x140000, s1  }
0x8: {  	s7 =	sadd.s32 $0x1E00, s0;
	_ =	strace $0x8000004A;
	s8 =	smul.u32 $0x2800, s4  }
0x9: {  	s4 =	sadd.s32 $0x15E00, s0;
	s0 =	sadd.s32 $0x3DE00, s0;
	s10 =	sshrl.u32 s9, $0x1  }
0xa: {  	s5 =	sshrl.u32 s5, $0x2;
	s20 =	sadd.s32 $0x4000, s12;
	s23 =	sadd.s32 $0x8000, s12  }
0xb: {  	s9 =	ssub.s32 s9, s10;
	s5 =	sadd.s32 s5, s2;
	s19 =	sadd.s32 s1, s12  }
0xc: {  	s21 =	sadd.s32 s1, s20;
	s24 =	sadd.s32 s1, s23;
	s8 =	sshrl.u32 s8, $0x3  }
0xd: {  	s16 =	smax.u32 s9, $0x1;
	s17 =	sadd.s32 $0x4000, s5;
	s18 =	sadd.s32 $0x8000, s5  }
0xe: {  	s13 =	sadd.s32 $0xC000, s5;
	s14 =	sadd.s32 $0x10000, s5;
	[dreg:$0x7] =	wrdreg s16  }
0xf: {  	s22 =	sshrl.u32 s21, $0x3;
	s25 =	sadd.s32 s6, s8;
	[dreg:$0x8] =	wrdreg s17  }
0x10: {  	s26 =	sadd.s32 s7, s8;
	s8 =	sadd.s32 $0x280, s8;
	[dreg:$0x9] =	wrdreg s18  }
0x11: {  	s16 =	sadd.s32 s20, s2;
	s17 =	sadd.s32 s0, s22;
	[dreg:$0x3] =	wrdreg s25  }
0x12: {  	s18 =	sadd.s32 s23, s2;
	[dreg:$0x4] =	wrdreg s26;
	s6 =	sadd.s32 s6, s8  }
0x13: {  	s10 =	sadd.s32 s7, s8;
	s7 =	sshrl.u32 s19, $0x3;
	[dreg:$0x5] =	wrdreg s6  }
0x14: {  	s25 =	sadd.s32 $0xC000, s12;
	[dreg:$0x6] =	wrdreg s10;
	s15 =	sadd.s32 s0, s7  }
0x15: {  	s7 =	sshrl.u32 s24, $0x3;
	s26 =	sadd.s32 s1, s25;
	s6 =	sadd.s32 $0x10000, s12  }
0x16: {  	s20 =	sadd.s32 s25, s2;
	s24 =	simm.s32 $0x2800;
	s25 =	simm.s32 $0x3  }
0x17: {  	s19 =	sadd.s32 s0, s7;
	s7 =	sshrl.u32 s26, $0x3;
	s1 =	sadd.s32 s1, s6  }
0x18: {  	s22 =	sadd.s32 s6, s2;
	s26 =	simm.s32 $0x1400;
	s6 =	simm.s32 $0x2780  }
0x19: {  	s21 =	sadd.s32 s0, s7;
	s1 =	sshrl.u32 s1, $0x3;
	s7 =	simm.s32 $0x0  }
0x1a: {  	v0 =	vimm.f32 $0.0e+00;
	s23 =	sadd.s32 s0, s1;
	s0 =	simm.s32 $0x1380;
	s1 =	simm.s32 $0x2700  }
.LBB2_1:
0x1b: {  	s8 =	simm.s32 $0x0;
	s9 =	simm.s32 $0x200  }
.LBB2_2:
0x1c: {  	p0 =	sne.s32 s9, $0xFE00;
	[tilespmem:s8+$0x2870] =	vst v0  }
0x1d: {  	[tilespmem:s8+$0x2800] =	vst v0  }
0x1e: {  	[tilespmem:s8+$0x2810] =	vst v0  }
.Ltmp0:
0x1f: {  	[tilespmem:s8+$0x2820] =	vst v0;
	(pc) =	sbr.rel @p0 .LBB2_2-.Ltmp0, $4  }
0x20: {  	[tilespmem:s8+$0x2830] =	vst v0  }
0x21: {  	[tilespmem:s8+$0x2840] =	vst v0  }
0x22: {  	[tilespmem:s8+$0x2850] =	vst v0  }
0x23: {  	[tilespmem:s8+$0x2860] =	vst v0;
	s8 =	sshra.s32 s9, $0x2;
	s9 =	sadd.s32 $0x200, s9  }
0x24: {  	[tilespmem:s8+$0x2870] =	vst v0  }
0x25: {  	[tilespmem:s8+$0x2800] =	vst v0  }
0x26: {  	[tilespmem:s8+$0x2810] =	vst v0  }
0x27: {  	[tilespmem:s8+$0x2820] =	vst v0  }
0x28: {  	[tilespmem:s8+$0x2830] =	vst v0  }
0x29: {  	[tilespmem:s8+$0x2840] =	vst v0  }
0x2a: {  	[tilespmem:s8+$0x2850] =	vst v0  }
0x2b: {  	[tilespmem:s8+$0x2860] =	vst v0  }
0x2c: {  	[spmem:s5] =	stream.linear.scatter [tilespmem:s24], [sflag:$0x3], $0x4000, $0x38;
	[tilespmem:$0x1E800] =	vst v63  }
0x2d: {  	_ =	swait.ge [sflag:s25], $0x4000  }
0x2e: {  	[sflag:s25] =	ssyncset.done $0x0  }
0x2f: {  	s9 =	rddreg [dreg:$0x8];
	[sflag:s25] =	ssyncadd.s32 $0xFFFFC000  }
0x30: {  	[spmem:s9] =	stream.linear.scatter [tilespmem:s24], [sflag:$0x3], $0x4000, $0x38;
	[tilespmem:$0x1E800] =	vst v63  }
0x31: {  	_ =	swait.ge [sflag:s25], $0x4000  }
0x32: {  	[sflag:s25] =	ssyncset.done $0x0  }
0x33: {  	s10 =	rddreg [dreg:$0x9];
	[sflag:s25] =	ssyncadd.s32 $0xFFFFC000  }
0x34: {  	[spmem:s10] =	stream.linear.scatter [tilespmem:s24], [sflag:$0x3], $0x4000, $0x38;
	[tilespmem:$0x1E800] =	vst v63  }
0x35: {  	_ =	swait.ge [sflag:s25], $0x4000  }
0x36: {  	[sflag:s25] =	ssyncset.done $0x0  }
0x37: {  	[sflag:s25] =	ssyncadd.s32 $0xFFFFC000  }
0x38: {  	[spmem:s13] =	stream.linear.scatter [tilespmem:s24], [sflag:$0x3], $0x4000, $0x38;
	[tilespmem:$0x1E800] =	vst v63  }
0x39: {  	_ =	swait.ge [sflag:s25], $0x4000  }
0x3a: {  	[sflag:s25] =	ssyncset.done $0x0  }
0x3b: {  	[sflag:s25] =	ssyncadd.s32 $0xFFFFC000  }
0x3c: {  	[spmem:s14] =	stream.linear.scatter [tilespmem:s24], [sflag:$0x3], $0x4000, $0x38;
	[tilespmem:$0x1E800] =	vst v63  }
0x3d: {  	_ =	swait.ge [sflag:s25], $0x4000  }
0x3e: {  	[sflag:s25] =	ssyncset.done $0x0  }
0x3f: {  	[sflag:s25] =	ssyncadd.s32 $0xFFFFC000  }
0x40: {  	[bflag:$0x0] =	sbarrier.arrive $0xFFFF  }
0x41: {  	s11 =	simm.s32 $0x0;
	s9 =	rddreg [dreg:$0x3]  }
0x42: {  	[tilespmem:s11], [sflag:$0x3] =	stream.linear.gather [hbm4b:s9+s11], $0x1400, $0x38;
	[tilespmem:$0x1E800] =	vst v63  }
0x43: {  	_ =	swait.ge [sflag:s25], $0x1400  }
0x44: {  	[sflag:s25] =	ssyncset.done $0x0  }
0x45: {  	s12 =	rddreg [dreg:$0x4];
	[sflag:s25] =	ssyncadd.s32 $0xFFFFEC00  }
0x46: {  	[tilespmem:s26], [sflag:$0x3] =	stream.linear.gather [hbm4b:s12+s11], $0x1400, $0x38;
	[tilespmem:$0x1E800] =	vst v63  }
0x47: {  	_ =	swait.ge [sflag:s25], $0x1400  }
0x48: {  	[sflag:s25] =	ssyncset.done $0x0  }
0x49: {  	[sflag:s25] =	ssyncadd.s32 $0xFFFFEC00  }
0x4a: {  	[tilespmem:s24], [sflag:$0x1] =	stream.indirect.gather [hbm4b:s4+s28], $0x80, s11, s28, $0xb8;
	[tilespmem:$0x1E800] =	vst v63  }
0x4b: {  	s9 =	simm.s32 $0x80  }
0x4c: {  	[tilespmem:s29], [sflag:$0x2] =	stream.indirect.gather [hbm4b:s4+s28], $0x80, s9, s28, $0xb8;
	[tilespmem:$0x1E800] =	vst v63  }
0x4d: {  	_ =	swait.ge [sflag:s30], $0x4000  }
0x4e: {  	[sflag:s30] =	ssyncset.done $0x0  }
0x4f: {  	s10 =	simm.s32 $0x1400;
	[sflag:s30] =	ssyncadd.s32 $0xFFFFC000  }
0x50: {  	[spmem:s2] =	stream.indirect.scatter.add.f32 [tilespmem:s24], [sflag:$0x3], $0x80, s10, s28, $0xb8;
	[tilespmem:$0x1E800] =	vst v63  }
0x51: {  	_ =	swait.ge [sflag:s25], $0x4000  }
0x52: {  	[sflag:s25] =	ssyncset.done $0x0  }
0x53: {  	s11 =	simm.s32 $0x100;
	[sflag:s25] =	ssyncadd.s32 $0xFFFFC000  }
0x54: {  	[tilespmem:s24], [sflag:$0x1] =	stream.indirect.gather [hbm4b:s4+s28], $0x80, s11, s28, $0xb8;
	[tilespmem:$0x1E800] =	vst v63  }
0x55: {  	_ =	swait.ge [sflag:s31], $0x4000  }
0x56: {  	[sflag:s31] =	ssyncset.done $0x0  }
0x57: {  	s12 =	simm.s32 $0x1480;
	[sflag:s31] =	ssyncadd.s32 $0xFFFFC000  }
0x58: {  	[spmem:s2] =	stream.indirect.scatter.add.f32 [tilespmem:s29], [sflag:$0x3], $0x80, s12, s28, $0xb8;
	[tilespmem:$0x1E800] =	vst v63  }
0x59: {  	_ =	swait.ge [sflag:s25], $0x4000  }
0x5a: {  	s8 =	simm.s32 $0x100;
	s9 =	simm.s32 $0x800;
	[sflag:s25] =	ssyncset.done $0x0  }
.LBB2_4:
0x5b: {  	s10 =	sadd.s32 $0x80, s8  }
0x5c: {  	[sflag:s25] =	ssyncadd.s32 $0xFFFFC000;
	s11 =	smov.u32 s9;
	s12 =	sadd.s32 $0x400, s9  }
0x5d: {  	[tilespmem:s29], [sflag:$0x2] =	stream.indirect.gather [hbm4b:s4+s28], $0x80, s10, s28, $0xb8;
	[tilespmem:$0x1E800] =	vst v63  }
0x5e: {  	p0 =	sne.s32 s9, $0x4800;
	_ =	swait.ge [sflag:s30], $0x4000  }
0x5f: {  	[sflag:s30] =	ssyncset.done $0x0  }
0x60: {  	s9 =	sadd.s32 $0x1400, s8;
	[sflag:s30] =	ssyncadd.s32 $0xFFFFC000  }
0x61: {  	[spmem:s2] =	stream.indirect.scatter.add.f32 [tilespmem:s24], [sflag:$0x3], $0x80, s9, s28, $0xb8;
	[tilespmem:$0x1E800] =	vst v63  }
0x62: {  	_ =	swait.ge [sflag:s25], $0x4000  }
0x63: {  	[sflag:s25] =	ssyncset.done $0x0  }
0x64: {  	s9 =	sadd.s32 $0x100, s8;
	[sflag:s25] =	ssyncadd.s32 $0xFFFFC000  }
0x65: {  	[tilespmem:s24], [sflag:$0x1] =	stream.indirect.gather [hbm4b:s4+s28], $0x80, s9, s28, $0xb8;
	[tilespmem:$0x1E800] =	vst v63  }
0x66: {  	_ =	swait.ge [sflag:s31], $0x4000  }
.Ltmp1:
0x67: {  	[sflag:s31] =	ssyncset.done $0x0;
	(pc) =	sbr.rel @p0 .LBB2_4-.Ltmp1, $4  }
0x68: {  	s8 =	sadd.s32 $0x1480, s8;
	[sflag:s31] =	ssyncadd.s32 $0xFFFFC000  }
0x69: {  	[spmem:s2] =	stream.indirect.scatter.add.f32 [tilespmem:s29], [sflag:$0x3], $0x80, s8, s28, $0xb8;
	[tilespmem:$0x1E800] =	vst v63  }
0x6a: {  	_ =	swait.ge [sflag:s25], $0x4000  }
0x6b: {  	s9 =	smov.u32 s12;
	s8 =	sshra.s32 s11, $0x2;
	[sflag:s25] =	ssyncset.done $0x0  }
0x6c: {  	s9 =	sadd.s32 $0x80, s8;
	[sflag:s25] =	ssyncadd.s32 $0xFFFFC000  }
0x6d: {  	[tilespmem:s29], [sflag:$0x2] =	stream.indirect.gather [hbm4b:s4+s28], $0x80, s9, s28, $0xb8;
	[tilespmem:$0x1E800] =	vst v63  }
0x6e: {  	_ =	swait.ge [sflag:s30], $0x4000  }
0x6f: {  	[sflag:s30] =	ssyncset.done $0x0  }
0x70: {  	s11 =	sadd.s32 $0x1400, s8;
	[sflag:s30] =	ssyncadd.s32 $0xFFFFC000  }
0x71: {  	[spmem:s2] =	stream.indirect.scatter.add.f32 [tilespmem:s24], [sflag:$0x3], $0x80, s11, s28, $0xb8;
	[tilespmem:$0x1E800] =	vst v63  }
0x72: {  	_ =	swait.ge [sflag:s25], $0x4000  }
0x73: {  	[sflag:s25] =	ssyncset.done $0x0  }
0x74: {  	s12 =	sadd.s32 $0x100, s8;
	[sflag:s25] =	ssyncadd.s32 $0xFFFFC000  }
0x75: {  	[tilespmem:s24], [sflag:$0x1] =	stream.indirect.gather [hbm4b:s4+s28], $0x80, s12, s28, $0xb8;
	[tilespmem:$0x1E800] =	vst v63  }
0x76: {  	_ =	swait.ge [sflag:s31], $0x4000  }
0x77: {  	[sflag:s31] =	ssyncset.done $0x0  }
0x78: {  	s9 =	sadd.s32 $0x1480, s8;
	[sflag:s31] =	ssyncadd.s32 $0xFFFFC000  }
0x79: {  	[spmem:s2] =	stream.indirect.scatter.add.f32 [tilespmem:s29], [sflag:$0x3], $0x80, s9, s28, $0xb8;
	[tilespmem:$0x1E800] =	vst v63  }
0x7a: {  	_ =	swait.ge [sflag:s25], $0x4000  }
0x7b: {  	[sflag:s25] =	ssyncset.done $0x0  }
0x7c: {  	[sflag:s25] =	ssyncadd.s32 $0xFFFFC000  }
0x7d: {  	[tilespmem:s29], [sflag:$0x2] =	stream.indirect.gather [hbm4b:s4+s28], $0x80, s0, s28, $0xb8;
	[tilespmem:$0x1E800] =	vst v63  }
0x7e: {  	_ =	swait.ge [sflag:s30], $0x4000  }
0x7f: {  	[sflag:s30] =	ssyncset.done $0x0  }
0x80: {  	[sflag:s30] =	ssyncadd.s32 $0xFFFFC000  }
0x81: {  	[spmem:s2] =	stream.indirect.scatter.add.f32 [tilespmem:s24], [sflag:$0x3], $0x80, s1, s28, $0xb8;
	[tilespmem:$0x1E800] =	vst v63  }
0x82: {  	_ =	swait.ge [sflag:s25], $0x4000  }
0x83: {  	[sflag:s25] =	ssyncset.done $0x0  }
0x84: {  	[sflag:s25] =	ssyncadd.s32 $0xFFFFC000  }
0x85: {  	_ =	swait.ge [sflag:s31], $0x4000  }
0x86: {  	[sflag:s31] =	ssyncset.done $0x0  }
0x87: {  	[sflag:s31] =	ssyncadd.s32 $0xFFFFC000  }
0x88: {  	[spmem:s2] =	stream.indirect.scatter.add.f32 [tilespmem:s29], [sflag:$0x3], $0x80, s6, s28, $0xb8;
	[tilespmem:$0x1E800] =	vst v63  }
0x89: {  	_ =	swait.ge [sflag:s25], $0x4000  }
0x8a: {  	[sflag:s25] =	ssyncset.done $0x0  }
0x8b: {  	s10 =	simm.s32 $0x0;
	s11 =	rddreg [dreg:$0x5];
	[sflag:s25] =	ssyncadd.s32 $0xFFFFC000  }
0x8c: {  	[tilespmem:s10], [sflag:$0x3] =	stream.linear.gather [hbm4b:s11+s10], $0x1400, $0x38;
	[tilespmem:$0x1E800] =	vst v63  }
0x8d: {  	_ =	swait.ge [sflag:s25], $0x1400  }
0x8e: {  	[sflag:s25] =	ssyncset.done $0x0  }
0x8f: {  	s12 =	rddreg [dreg:$0x6];
	[sflag:s25] =	ssyncadd.s32 $0xFFFFEC00  }
0x90: {  	[tilespmem:s26], [sflag:$0x3] =	stream.linear.gather [hbm4b:s12+s10], $0x1400, $0x38;
	[tilespmem:$0x1E800] =	vst v63  }
0x91: {  	_ =	swait.ge [sflag:s25], $0x1400  }
0x92: {  	[sflag:s25] =	ssyncset.done $0x0  }
0x93: {  	[sflag:s25] =	ssyncadd.s32 $0xFFFFEC00  }
0x94: {  	[tilespmem:s24], [sflag:$0x1] =	stream.indirect.gather [hbm4b:s4+s28], $0x80, s10, s28, $0xb8;
	[tilespmem:$0x1E800] =	vst v63  }
0x95: {  	s9 =	simm.s32 $0x80  }
0x96: {  	[tilespmem:s29], [sflag:$0x2] =	stream.indirect.gather [hbm4b:s4+s28], $0x80, s9, s28, $0xb8;
	[tilespmem:$0x1E800] =	vst v63  }
0x97: {  	_ =	swait.ge [sflag:s30], $0x4000  }
0x98: {  	[sflag:s30] =	ssyncset.done $0x0  }
0x99: {  	s10 =	simm.s32 $0x1400;
	[sflag:s30] =	ssyncadd.s32 $0xFFFFC000  }
0x9a: {  	[spmem:s2] =	stream.indirect.scatter.add.f32 [tilespmem:s24], [sflag:$0x3], $0x80, s10, s28, $0xb8;
	[tilespmem:$0x1E800] =	vst v63  }
0x9b: {  	_ =	swait.ge [sflag:s25], $0x4000  }
0x9c: {  	[sflag:s25] =	ssyncset.done $0x0  }
0x9d: {  	s11 =	simm.s32 $0x100;
	[sflag:s25] =	ssyncadd.s32 $0xFFFFC000  }
0x9e: {  	[tilespmem:s24], [sflag:$0x1] =	stream.indirect.gather [hbm4b:s4+s28], $0x80, s11, s28, $0xb8;
	[tilespmem:$0x1E800] =	vst v63  }
0x9f: {  	_ =	swait.ge [sflag:s31], $0x4000  }
0xa0: {  	[sflag:s31] =	ssyncset.done $0x0  }
0xa1: {  	s12 =	simm.s32 $0x1480;
	[sflag:s31] =	ssyncadd.s32 $0xFFFFC000  }
0xa2: {  	[spmem:s2] =	stream.indirect.scatter.add.f32 [tilespmem:s29], [sflag:$0x3], $0x80, s12, s28, $0xb8;
	[tilespmem:$0x1E800] =	vst v63  }
0xa3: {  	_ =	swait.ge [sflag:s25], $0x4000  }
0xa4: {  	s8 =	simm.s32 $0x100;
	s9 =	simm.s32 $0x800;
	[sflag:s25] =	ssyncset.done $0x0  }
.LBB2_6:
0xa5: {  	s10 =	sadd.s32 $0x80, s8  }
0xa6: {  	[sflag:s25] =	ssyncadd.s32 $0xFFFFC000;
	s11 =	smov.u32 s9;
	s12 =	sadd.s32 $0x400, s9  }
0xa7: {  	[tilespmem:s29], [sflag:$0x2] =	stream.indirect.gather [hbm4b:s4+s28], $0x80, s10, s28, $0xb8;
	[tilespmem:$0x1E800] =	vst v63  }
0xa8: {  	p0 =	sne.s32 s9, $0x4800;
	_ =	swait.ge [sflag:s30], $0x4000  }
0xa9: {  	[sflag:s30] =	ssyncset.done $0x0  }
0xaa: {  	s9 =	sadd.s32 $0x1400, s8;
	[sflag:s30] =	ssyncadd.s32 $0xFFFFC000  }
0xab: {  	[spmem:s2] =	stream.indirect.scatter.add.f32 [tilespmem:s24], [sflag:$0x3], $0x80, s9, s28, $0xb8;
	[tilespmem:$0x1E800] =	vst v63  }
0xac: {  	_ =	swait.ge [sflag:s25], $0x4000  }
0xad: {  	[sflag:s25] =	ssyncset.done $0x0  }
0xae: {  	s9 =	sadd.s32 $0x100, s8;
	[sflag:s25] =	ssyncadd.s32 $0xFFFFC000  }
0xaf: {  	[tilespmem:s24], [sflag:$0x1] =	stream.indirect.gather [hbm4b:s4+s28], $0x80, s9, s28, $0xb8;
	[tilespmem:$0x1E800] =	vst v63  }
0xb0: {  	_ =	swait.ge [sflag:s31], $0x4000  }
.Ltmp2:
0xb1: {  	[sflag:s31] =	ssyncset.done $0x0;
	(pc) =	sbr.rel @p0 .LBB2_6-.Ltmp2, $4  }
0xb2: {  	s8 =	sadd.s32 $0x1480, s8;
	[sflag:s31] =	ssyncadd.s32 $0xFFFFC000  }
0xb3: {  	[spmem:s2] =	stream.indirect.scatter.add.f32 [tilespmem:s29], [sflag:$0x3], $0x80, s8, s28, $0xb8;
	[tilespmem:$0x1E800] =	vst v63  }
0xb4: {  	_ =	swait.ge [sflag:s25], $0x4000  }
0xb5: {  	s9 =	smov.u32 s12;
	s8 =	sshra.s32 s11, $0x2;
	[sflag:s25] =	ssyncset.done $0x0  }
0xb6: {  	s9 =	sadd.s32 $0x80, s8;
	[sflag:s25] =	ssyncadd.s32 $0xFFFFC000  }
0xb7: {  	[tilespmem:s29], [sflag:$0x2] =	stream.indirect.gather [hbm4b:s4+s28], $0x80, s9, s28, $0xb8;
	[tilespmem:$0x1E800] =	vst v63  }
0xb8: {  	_ =	swait.ge [sflag:s30], $0x4000  }
0xb9: {  	[sflag:s30] =	ssyncset.done $0x0  }
0xba: {  	s12 =	sadd.s32 $0x1400, s8;
	[sflag:s30] =	ssyncadd.s32 $0xFFFFC000  }
0xbb: {  	[spmem:s2] =	stream.indirect.scatter.add.f32 [tilespmem:s24], [sflag:$0x3], $0x80, s12, s28, $0xb8;
	[tilespmem:$0x1E800] =	vst v63  }
0xbc: {  	_ =	swait.ge [sflag:s25], $0x4000  }
0xbd: {  	[sflag:s25] =	ssyncset.done $0x0  }
0xbe: {  	s10 =	sadd.s32 $0x100, s8;
	[sflag:s25] =	ssyncadd.s32 $0xFFFFC000  }
0xbf: {  	[tilespmem:s24], [sflag:$0x1] =	stream.indirect.gather [hbm4b:s4+s28], $0x80, s10, s28, $0xb8;
	[tilespmem:$0x1E800] =	vst v63  }
0xc0: {  	_ =	swait.ge [sflag:s31], $0x4000  }
0xc1: {  	[sflag:s31] =	ssyncset.done $0x0  }
0xc2: {  	s11 =	sadd.s32 $0x1480, s8;
	[sflag:s31] =	ssyncadd.s32 $0xFFFFC000  }
0xc3: {  	[spmem:s2] =	stream.indirect.scatter.add.f32 [tilespmem:s29], [sflag:$0x3], $0x80, s11, s28, $0xb8;
	[tilespmem:$0x1E800] =	vst v63  }
0xc4: {  	_ =	swait.ge [sflag:s25], $0x4000  }
0xc5: {  	[sflag:s25] =	ssyncset.done $0x0  }
0xc6: {  	[sflag:s25] =	ssyncadd.s32 $0xFFFFC000  }
0xc7: {  	[tilespmem:s29], [sflag:$0x2] =	stream.indirect.gather [hbm4b:s4+s28], $0x80, s0, s28, $0xb8;
	[tilespmem:$0x1E800] =	vst v63  }
0xc8: {  	_ =	swait.ge [sflag:s30], $0x4000  }
0xc9: {  	[sflag:s30] =	ssyncset.done $0x0  }
0xca: {  	[sflag:s30] =	ssyncadd.s32 $0xFFFFC000  }
0xcb: {  	[spmem:s2] =	stream.indirect.scatter.add.f32 [tilespmem:s24], [sflag:$0x3], $0x80, s1, s28, $0xb8;
	[tilespmem:$0x1E800] =	vst v63  }
0xcc: {  	_ =	swait.ge [sflag:s25], $0x4000  }
0xcd: {  	[sflag:s25] =	ssyncset.done $0x0  }
0xce: {  	[sflag:s25] =	ssyncadd.s32 $0xFFFFC000  }
0xcf: {  	_ =	swait.ge [sflag:s31], $0x4000  }
0xd0: {  	[sflag:s31] =	ssyncset.done $0x0  }
0xd1: {  	[sflag:s31] =	ssyncadd.s32 $0xFFFFC000  }
0xd2: {  	[spmem:s2] =	stream.indirect.scatter.add.f32 [tilespmem:s29], [sflag:$0x3], $0x80, s6, s28, $0xb8;
	[tilespmem:$0x1E800] =	vst v63  }
0xd3: {  	_ =	swait.ge [sflag:s25], $0x4000  }
0xd4: {  	[sflag:s25] =	ssyncset.done $0x0  }
0xd5: {  	[sflag:s25] =	ssyncadd.s32 $0xFFFFC000  }
0xd6: {  	[bflag:$0x0] =	sbarrier.arrive $0xFFFF  }
0xd7: {  	[tilespmem:s24], [sflag:$0x3] =	stream.linear.gather [spmem:s5], $0x4000, $0x38;
	[tilespmem:$0x1E800] =	vst v63  }
0xd8: {  	_ =	swait.ge [sflag:s25], $0x4000  }
0xd9: {  	[sflag:s25] =	ssyncset.done $0x0  }
0xda: {  	[sflag:s25] =	ssyncadd.s32 $0xFFFFC000  }
0xdb: {  	[hbm4b:s15+s3] =	stream.linear.scatter [tilespmem:s24], [sflag:$0x3], $0x4000, $0x38;
	[tilespmem:$0x1E800] =	vst v63  }
0xdc: {  	_ =	swait.ge [sflag:s25], $0x4000  }
0xdd: {  	[sflag:s25] =	ssyncset.done $0x0  }
0xde: {  	[sflag:s25] =	ssyncadd.s32 $0xFFFFC000  }
0xdf: {  	[tilespmem:s24], [sflag:$0x3] =	stream.linear.gather [spmem:s16], $0x4000, $0x38;
	[tilespmem:$0x1E800] =	vst v63  }
0xe0: {  	_ =	swait.ge [sflag:s25], $0x4000  }
0xe1: {  	[sflag:s25] =	ssyncset.done $0x0  }
0xe2: {  	[sflag:s25] =	ssyncadd.s32 $0xFFFFC000  }
0xe3: {  	[hbm4b:s17+s3] =	stream.linear.scatter [tilespmem:s24], [sflag:$0x3], $0x4000, $0x38;
	[tilespmem:$0x1E800] =	vst v63  }
0xe4: {  	_ =	swait.ge [sflag:s25], $0x4000  }
0xe5: {  	[sflag:s25] =	ssyncset.done $0x0  }
0xe6: {  	[sflag:s25] =	ssyncadd.s32 $0xFFFFC000  }
0xe7: {  	[tilespmem:s24], [sflag:$0x3] =	stream.linear.gather [spmem:s18], $0x4000, $0x38;
	[tilespmem:$0x1E800] =	vst v63  }
0xe8: {  	_ =	swait.ge [sflag:s25], $0x4000  }
0xe9: {  	[sflag:s25] =	ssyncset.done $0x0  }
0xea: {  	[sflag:s25] =	ssyncadd.s32 $0xFFFFC000  }
0xeb: {  	[hbm4b:s19+s3] =	stream.linear.scatter [tilespmem:s24], [sflag:$0x3], $0x4000, $0x38;
	[tilespmem:$0x1E800] =	vst v63  }
0xec: {  	_ =	swait.ge [sflag:s25], $0x4000  }
0xed: {  	[sflag:s25] =	ssyncset.done $0x0  }
0xee: {  	[sflag:s25] =	ssyncadd.s32 $0xFFFFC000  }
0xef: {  	[tilespmem:s24], [sflag:$0x3] =	stream.linear.gather [spmem:s20], $0x4000, $0x38;
	[tilespmem:$0x1E800] =	vst v63  }
0xf0: {  	_ =	swait.ge [sflag:s25], $0x4000  }
0xf1: {  	[sflag:s25] =	ssyncset.done $0x0  }
0xf2: {  	[sflag:s25] =	ssyncadd.s32 $0xFFFFC000  }
0xf3: {  	[hbm4b:s21+s3] =	stream.linear.scatter [tilespmem:s24], [sflag:$0x3], $0x4000, $0x38;
	[tilespmem:$0x1E800] =	vst v63  }
0xf4: {  	_ =	swait.ge [sflag:s25], $0x4000  }
0xf5: {  	[sflag:s25] =	ssyncset.done $0x0  }
0xf6: {  	[sflag:s25] =	ssyncadd.s32 $0xFFFFC000  }
0xf7: {  	[tilespmem:s24], [sflag:$0x3] =	stream.linear.gather [spmem:s22], $0x4000, $0x38;
	[tilespmem:$0x1E800] =	vst v63  }
0xf8: {  	_ =	swait.ge [sflag:s25], $0x4000  }
0xf9: {  	[sflag:s25] =	ssyncset.done $0x0  }
0xfa: {  	[sflag:s25] =	ssyncadd.s32 $0xFFFFC000  }
0xfb: {  	[hbm4b:s23+s3] =	stream.linear.scatter [tilespmem:s24], [sflag:$0x3], $0x4000, $0x38;
	[tilespmem:$0x1E800] =	vst v63  }
0xfc: {  	_ =	swait.ge [sflag:s25], $0x4000  }
0xfd: {  	s7 =	sadd.s32 $0x1, s7;
	s12 =	rddreg [dreg:$0x7]  }
0xfe: {  	p0 =	sne.s32 s7, s12  }
.Ltmp3:
0xff: {  	_ = 	snop;
	(pc) =	sbr.rel @p0 .LBB2_1-.Ltmp3, $3  }
0x100: {  	_ =	sdelay $0x1  }
0x101: {  	[sflag:s25] =	ssyncset.done $0x0  }
0x102: {  	[sflag:s25] =	ssyncadd.s32 $0xFFFFC000  }
0x103: {  	_ =	sfence.sel $0x180000  }
0x104: {  	[bflag:$0x0] =	sbarrier.arrive $0xFFFF  }
0x105: {  	_ =	strace $0x9000004A  }
0x106: {  	s0 =	stileid.u32;
	[bflag:$0x2] =	sbarrier.arrive $0xFFFF  }
0x107: {  	p0 =	sne.s32 s0, $0x0;
	s0 =	rddreg [dreg:$0x2]  }
0x108: {  	s0 =	sadd.s32 @!p0 $0x100000, s0  }
0x109: {  	[sflag:s0] =	ssyncadd.tile.s32 @!p0 $0x1;
	_ =	shalt  }
.Lfunc_end2:
_tile_overlayer_lowered:
.L_overlay_start_2:
0x10a: {  	(tag) =	ssettag $0x2  }
0x10b: {  	s0 =	rddreg [dreg:$0x0];
	s2 =	stileid.u32  }
0x10c: {  	s1 =	rddreg [dreg:$0x1];
	p0 =	sne.s32 s2, $0x0  }
0x10d: {  	s3 =	rddreg [dreg:$0x2];
	[bflag:$0x3] =	sbarrier.arrive $0xFFFF;
	s2 =	simm.s32 @!p0 $0x1C03  }
0x10e: {  	[timem:s3], [sflag:s2] =	dma.local @!p0 [hbm:s0], s1  }
0x10f: {  	s0 =	simm.s32 @!p0 $0x3  }
0x110: {  	_ =	swait.ge @!p0 [sflag:s0], s1  }
0x111: {  	s1 =	ssub.s32 @!p0 $0x0, s1;
	[sflag:s0] =	ssyncset.done @!p0 $0x0  }
0x112: {  	[sflag:s0] =	ssyncadd.s32 @!p0 s1  }
0x113: {  	[bflag:$0x3] =	sbarrier.arrive $0xFFFF  }
0x114: {  	_ =	shalt  }

// kernel: kernel.15.cloned.1.call-start
scs
__scs_entry_jumppad:
0x0: {  	(pc) =	sbr.rel $0x88, $3  }
0x1: {  	(tag) =	ssettag $0x0;
	lr =	simm.s32 $0x1  }
0x2: {  	[smem:$0x3F9B] =	sst lr;
	_ =	strace $0xD0000000  }
0x3: {  	_ = 	snop  }
0x4: {  	_ = 	snop  }
0x5: {  	_ = 	snop  }
0x6: {  	_ = 	snop  }
0x7: {  	_ = 	snop  }
__scs_overlays_trampoline_lowered:
0x8: {  	[smem:$0x3FAA] =	sst s0  }
0x9: {  	[smem:$0x3FAB] =	sst s1  }
0xa: {  	[smem:$0x3FAC] =	sst s2  }
0xb: {  	[smem:$0x3FAD] =	sst s3  }
0xc: {  	[smem:$0x3FAE] =	sst s4  }
0xd: {  	[smem:$0x3FAF] =	sst s5  }
0xe: {  	[smem:$0x3FB0] =	sst s6  }
0xf: {  	[smem:$0x3FB1] =	sst s7  }
0x10: {  	[smem:$0x3FB2] =	sst s8  }
0x11: {  	[smem:$0x3FB3] =	sst s9;
	s0 =	simm.s32 @!p0 $0x0  }
0x12: {  	s1 =	sld [smem:$0x3F99];
	s0 =	simm.s32 @p0 $0x1  }
0x13: {  	[smem:$0x3FB4] =	sst s0;
	s0 =	simm.s32 @!p1 $0x0  }
0x14: {  	s2 =	sld [smem:$0x3F98];
	s0 =	simm.s32 @p1 $0x1  }
0x15: {  	[smem:$0x3FB5] =	sst s0;
	s0 =	simm.s32 @!p2 $0x0  }
0x16: {  	s3 =	sld [smem:$0x3FDB];
	s0 =	simm.s32 @p2 $0x1  }
0x17: {  	s4 =	simm.s32 $0x1BF5;
	[smem:$0x3FB7] =	sst s0  }
0x18: {  	s0 =	sld [smem:$0x3F9A];
	_ =	swait.ge [sflag:s4], $0x0  }
0x19: {  	s7 =	sld [smem:$0x3F9B]  }
0x1a: {  	s8 =	sadd.s32 $0xFFFFE003, lr  }
0x1b: {  	s9 =	sadd.s32 $0xFFFFFEF7, lr;
	s5 =	simm.s32 $0xFFFFFFFF;
	p2 =	slt.u32 s8, $0xFFFFF086  }
0x1c: {  	p1 =	slt.u32 s9, $0xF7A;
	s5 =	simm.s32 @!p2 $0x0  }
0x1d: {  	s5 =	simm.s32 @p1 $0x1;
	p0 =	seq.s32 s7, s2  }
0x1e: {  	s7 =	smul.u32 @!p0 $0xF7A, s2;
	p2 =	seq.s32 @!p0 s5, $0x0  }
0x1f: {  	s9 =	smul.u32 $0xF7A, s1;
	s8 =	simm.s32 @!p0 $0x1BF5;
	p2 =	por !p2, p0  }
0x20: {  	[sflag:s8] =	ssyncset.s32 @!p0 $0xFFFFF086;
	s6 =	sadd.s32 @!p0 s3, s7;
	s7 =	simm.s32 @!p0 $0x108  }
0x21: {  	s3 =	sadd.s32 s3, s9;
	s6 =	sadd.s32 @!p0 $0x88, s6;
	s7 =	simm.s32 @p2 $0x1082  }
0x22: {  	[simem:s7], [sflag:s8] =	dma.local @!p0 [hbm:s6], $0xF7A  }
0x23: {  	s9 =	sor.u32 $0xD0000000, s2;
	s6 =	simm.s32 $0x108;
	_ =	swait.ge @!p0 [sflag:s8], $0x0  }
0x24: {  	s3 =	sadd.s32 $0x88, s3;
	s6 =	simm.s32 @!p1 $0x1082;
	[sflag:s4] =	ssyncset.s32 $0xFFFFF086  }
0x25: {  	[simem:s6], [sflag:s4] =	dma.local [hbm:s3], $0xF7A  }
0x26: {  	[smem:$0x3F9B] =	sst s1;
	(tag) =	ssettag s2;
	_ =	strace s9  }
0x27: {  	s1 =	sld [smem:$0x3FAB]  }
0x28: {  	s2 =	sld [smem:$0x3FAC]  }
0x29: {  	s4 =	sld [smem:$0x3FAE]  }
0x2a: {  	p0 =	seq.s32 s5, $0x0;
	s5 =	sld [smem:$0x3FAF]  }
0x2b: {  	s6 =	sld [smem:$0x3FB0]  }
0x2c: {  	s7 =	sld [smem:$0x3FB1]  }
0x2d: {  	s3 =	simm.s32 $0x108;
	s8 =	sld [smem:$0x3FB2]  }
0x2e: {  	s3 =	simm.s32 @!p0 $0x1082;
	s9 =	sld [smem:$0x3FB3]  }
0x2f: {  	lr =	sadd.s32 s0, s3;
	s0 =	sld [smem:$0x3FAA]  }
0x30: {  	s3 =	sld [smem:$0x3FAD]  }
0x31: {  	[smem:$0x3FB6] =	sst s10  }
0x32: {  	s10 =	sld [smem:$0x3FB4];
	_ =	sdelay $0x3  }
0x33: {  	p0 =	seq.s32 s10, $0x1;
	s10 =	sld [smem:$0x3FB6];
	_ =	sdelay $0x3  }
0x34: {  	[smem:$0x3FB6] =	sst s10  }
0x35: {  	s10 =	sld [smem:$0x3FB5];
	_ =	sdelay $0x3  }
0x36: {  	p1 =	seq.s32 s10, $0x1;
	s10 =	sld [smem:$0x3FB6];
	_ =	sdelay $0x3  }
0x37: {  	[smem:$0x3FB6] =	sst s10  }
0x38: {  	s10 =	sld [smem:$0x3FB7]  }
0x39: {  	_ = 	snop;
	(pc) =	sbr.ind lr, $3  }
0x3a: {  	_ = 	snop  }
0x3b: {  	_ = 	snop  }
0x3c: {  	p2 =	seq.s32 s10, $0x1;
	s10 =	sld [smem:$0x3FB6]  }
0x3d: {  	_ =	shalt  }
0x3e: {  	_ =	shalt  }
0x3f: {  	_ =	shalt  }
0x40: {  	_ =	shalt  }
0x41: {  	_ =	shalt  }
0x42: {  	_ =	shalt  }
0x43: {  	_ =	shalt  }
0x44: {  	_ =	shalt  }
0x45: {  	_ =	shalt  }
0x46: {  	_ =	shalt  }
0x47: {  	_ =	shalt  }
0x48: {  	_ =	shalt  }
0x49: {  	_ =	shalt  }
0x4a: {  	_ =	shalt  }
0x4b: {  	_ =	shalt  }
0x4c: {  	_ =	shalt  }
0x4d: {  	_ =	shalt  }
0x4e: {  	_ =	shalt  }
0x4f: {  	_ =	shalt  }
0x50: {  	_ =	shalt  }
0x51: {  	_ =	shalt  }
0x52: {  	_ =	shalt  }
0x53: {  	_ =	shalt  }
0x54: {  	_ =	shalt  }
0x55: {  	_ =	shalt  }
0x56: {  	_ =	shalt  }
0x57: {  	_ =	shalt  }
0x58: {  	_ =	shalt  }
0x59: {  	_ =	shalt  }
0x5a: {  	_ =	shalt  }
0x5b: {  	_ =	shalt  }
0x5c: {  	_ =	shalt  }
0x5d: {  	_ =	shalt  }
0x5e: {  	_ =	shalt  }
0x5f: {  	_ =	shalt  }
0x60: {  	_ =	shalt  }
0x61: {  	_ =	shalt  }
0x62: {  	_ =	shalt  }
0x63: {  	_ =	shalt  }
0x64: {  	_ =	shalt  }
0x65: {  	_ =	shalt  }
0x66: {  	_ =	shalt  }
0x67: {  	_ =	shalt  }
0x68: {  	_ =	shalt  }
0x69: {  	_ =	shalt  }
0x6a: {  	_ =	shalt  }
0x6b: {  	_ =	shalt  }
0x6c: {  	_ =	shalt  }
0x6d: {  	_ =	shalt  }
0x6e: {  	_ =	shalt  }
0x6f: {  	_ =	shalt  }
0x70: {  	_ =	shalt  }
0x71: {  	_ =	shalt  }
0x72: {  	_ =	shalt  }
0x73: {  	_ =	shalt  }
0x74: {  	_ =	shalt  }
0x75: {  	_ =	shalt  }
0x76: {  	_ =	shalt  }
0x77: {  	_ =	shalt  }
0x78: {  	_ =	shalt  }
0x79: {  	_ =	shalt  }
0x7a: {  	_ =	shalt  }
0x7b: {  	_ =	shalt  }
0x7c: {  	_ =	shalt  }
0x7d: {  	_ =	shalt  }
0x7e: {  	_ =	shalt  }
0x7f: {  	_ =	shalt  }
0x80: {  	_ =	shalt  }
0x81: {  	_ =	shalt  }
0x82: {  	_ =	shalt  }
0x83: {  	_ =	shalt  }
0x84: {  	_ =	shalt  }
0x85: {  	_ =	shalt  }
0x86: {  	_ =	shalt  }
0x87: {  	_ =	shalt  }
.Lfunc_end0:
.L_simem_size_0:
called_computation.2_lowered:
.L_overlay_start_0:
0x88: {  	s2 =	sld [smem:$0x3FD9]  }
0x89: {  	s3 =	sld [smem:$0x3FFE];
	_ =	sdelay $0x1  }
0x8a: {  	s1 =	srdreg.scid  }
0x8b: {  	s0 =	sand.u32 $0x1, s1  }
0x8c: {  	s16 =	sshll.u32 s0, $0xA;
	s2 =	sadd.s32 s3, s2  }
0x8d: {  	s2 =	sadd.s32 s2, s16  }
0x8e: {  	[smem:$0x3FC2] =	sst s2  }
0x8f: {  	_ = 	snop  }
0x90: {  	(tm) =	ssettm $0x1  }
0x91: {  	s17 =	sld [smem:$0x3FFB];
	_ =	sdelay $0x3  }
0x92: {  	_ =	strace s17  }
0x93: {  	s2 =	sld [smem:$0x3FFC];
	_ =	sdelay $0x3  }
0x94: {  	_ =	strace s2  }
0x95: {  	s2 =	sld [smem:$0x3FFD];
	_ =	sdelay $0x3  }
0x96: {  	_ =	strace s2  }
0x97: {  	_ =	strace $0x8FFFFFFF  }
0x98: {  	s18 =	sld [smem:$0x3FDB];
	_ =	sdelay $0x1  }
0x99: {  	s19 =	simm.s32 $_scs_section_size  }
0x9a: {  	s4 =	simm.s32 $_size__tile_overlayer_lowered;
	s5 =	simm.s32 $_tile_overlayer_lowered  }
0x9b: {  	s22 =	simm.s32 $0x1BFF;
	s21 =	sshll.u32 s5, $0x1;
	s2 =	sadd.s32 s19, s18  }
0x9c: {  	s6 =	simm.s32 $0x0;
	s20 =	sshll.u32 s4, $0x1;
	s4 =	sadd.s32 s21, s2  }
0x9d: {  	[timem:s6], [sflag:s22] =	dma.local [hbm:s4], s20  }
0x9e: {  	_ =	swait.ge [sflag:s22], s20  }
0x9f: {  	s3 =	ssub.s32 $0x0, s20;
	[sflag:s22] =	ssyncset.done $0x0  }
0xa0: {  	[sflag:s22] =	ssyncadd.s32 s3;
	_ =	sdelay $0x1  }
0xa1: {  	s23 =	simm.s32 $0x1B8B  }
0xa2: {  	_ =	swait.ge [sflag:s23], $0x1  }
0xa3: {  	[sflag:s23] =	ssyncset.done $0x0  }
0xa4: {  	s25 =	simm.s32 $0x1B8E;
	s24 =	sld [smem:$0x3FFE];
	[sflag:s23] =	ssyncadd.s32 $0xFFFFFFFF  }
0xa5: {  	s26 =	simm.s32 $execute0_lowered;
	[smem:$0x3FD2] =	sst s25  }
0xa6: {  	s4 =	sshll.u32 s26, $0x1;
	_ =	strace $0x8000004C;
	[dreg:$0x1] =	wrdreg $0xFFFFFFFF  }
0xa7: {  	s28 =	simm.s32 $_size_execute0_lowered;
	s2 =	sadd.s32 s2, s4;
	[dreg:$0x0] =	wrdreg $0x0  }
0xa8: {  	s4 =	sshll.u32 s28, $0x1;
	[dreg:$0x2] =	wrdreg s2  }
0xa9: {  	[dreg:$0x3] =	wrdreg s4  }
0xaa: {  	[dreg:$0x4] =	wrdreg $0xC0  }
0xab: {  	_ =	task [dreg:s6], $0x5FFFF  }
0xac: {  	[dreg:$0x1] =	wrdreg $0xFFFFFFFF  }
0xad: {  	[dreg:$0x0] =	wrdreg $0x60  }
0xae: {  	[dreg:$0x2] =	wrdreg s24  }
0xaf: {  	[dreg:$0x3] =	wrdreg $0x7B800  }
0xb0: {  	[dreg:$0x4] =	wrdreg $0x9  }
0xb1: {  	_ =	task.clear_ibuf [dreg:s6], $0x5FFFF;
	_ =	strace $0x9000004C  }
0xb2: {  	s29 =	simm.s32 $0x9;
	_ =	strace $0x8000004E  }
0xb3: {  	_ =	swait.ge [sflag:s29], $0x1  }
0xb4: {  	[sflag:s29] =	ssyncadd.s32 $0xFFFFFFFF  }
0xb5: {  	_ =	strace $0x9000004E  }
0xb6: {  	_ =	sfence  }
0xb7: {  	s30 =	sld [smem:$0x0];
	_ =	sdelay $0x2  }
0xb8: {  	s31 =	sshll.u32 s1, $0xD;
	s1 =	sshrl.u32 s1, $0x2  }
0xb9: {  	s3 =	sand.u32 $0x4000, s31;
	s1 =	sadd.s32 s1, s30  }
0xba: {  	s0 =	sor.u32 s3, s0;
	s1 =	sshll.u32 s1, $0x11  }
0xbb: {  	s0 =	sor.u32 s1, s0  }
0xbc: {  	s0 =	sadd.s32 $0x8F2B, s0  }
0xbd: {  	[sflag:s0] =	ssyncadd.remote.s32 $0x1  }
0xbe: {  	_ =	sfence.sel $0xFFFF  }
0xbf: {  	[dreg:$0x0] =	wrdreg $0xFFFFFFFF;
	(pc) =	sbr.abs _section_cstart, $3  }
0xc0: {  	[dreg:$0x1] =	wrdreg $0xFFFFFFFF  }
0xc1: {  	_ =	task.clear_ibuf [dreg:s6], $0x2FFFF;
	_ =	strace $0x9FFFFFFF  }
0xc2: {  	(tm) =	ssettm $0x7FFFFFFF  }
0xc3: {  	_ =	shalt  }
tec
execute0_lowered:
.L_overlay_start_1:
0x0: {  	(tag) =	ssettag $0x1  }
0x1: {  	s1 =	srdreg.scid;
	s5 =	rddreg [dreg:$0x0]  }
0x2: {  	s0 =	stileid.u32;
	s2 =	rddreg [dreg:$0x1];
	s3 =	simm.s32 $0x0  }
0x3: {  	s12 =	simm.s32 $0x2800;
	s13 =	simm.s32 $0x5000;
	s14 =	simm.s32 $0x80  }
0x4: {  	s15 =	simm.s32 $0x7800;
	s16 =	simm.s32 $0x2880;
	s17 =	simm.s32 $0x7880  }
0x5: {  	s18 =	simm.s32 $0x1;
	s19 =	simm.s32 $0x2;
	s20 =	simm.s32 $0x0  }
0x6: {  	s4 =	sand.u32 $0x1, s1;
	s29 =	sshll.u32 s0, $0x1;
	s7 =	smul.u32 $0x280, s0  }
0x7: {  	[smem:$0x7FF] =	sst s3;
	s1 =	sor.u32 s4, s29;
	s8 =	smul.u32 $0x2800, s4  }
0x8: {  	s31 =	ssub.s32 $0x2, s4;
	s4 =	sadd.s32 $0x15E00, s5;
	s6 =	smul.u32 $0x500, s1  }
0x9: {  	s1 =	rddreg [dreg:$0x2];
	_ =	strace $0x8000004D;
	s30 =	sadd.s32 s7, s8  }
0xa: {  	s10 =	sshrl.u32 s31, $0x1;
	s9 =	sadd.s32 s6, s5;
	s6 =	sshrl.u32 s30, $0x3  }
0xb: {  	s10 =	ssub.s32 s31, s10;
	s11 =	sadd.s32 s6, s5;
	s5 =	sadd.s32 s7, s2  }
0xc: {  	s6 =	sadd.s32 $0xBE00, s9;
	s7 =	sadd.s32 $0x1E00, s9;
	s9 =	smax.u32 s10, $0x1  }
0xd: {  	v0 =	vimm.f32 $0.0e+00;
	s10 =	simm.s32 $0x7900;
	s8 =	sadd.s32 $0x16400, s11;
	s11 =	simm.s32 $0x3  }
.LBB2_1:
0xe: {  	[tilespmem:$0x7900] =	vst v0  }
0xf: {  	[tilespmem:$0x7910] =	vst v0  }
0x10: {  	[tilespmem:$0x7920] =	vst v0  }
0x11: {  	[tilespmem:$0x7930] =	vst v0  }
0x12: {  	[tilespmem:$0x7940] =	vst v0  }
0x13: {  	[tilespmem:$0x7950] =	vst v0  }
0x14: {  	[tilespmem:$0x7960] =	vst v0  }
0x15: {  	[tilespmem:$0x7970] =	vst v0  }
0x16: {  	[tilespmem:$0x7980] =	vst v0  }
0x17: {  	[tilespmem:$0x7990] =	vst v0  }
0x18: {  	[tilespmem:$0x79A0] =	vst v0  }
0x19: {  	[tilespmem:$0x79B0] =	vst v0  }
0x1a: {  	[tilespmem:$0x79C0] =	vst v0  }
0x1b: {  	[tilespmem:$0x79D0] =	vst v0  }
0x1c: {  	[tilespmem:$0x79E0] =	vst v0  }
0x1d: {  	[tilespmem:$0x79F0] =	vst v0  }
0x1e: {  	[tilespmem:$0x7A00] =	vst v0  }
0x1f: {  	[tilespmem:$0x7A10] =	vst v0  }
0x20: {  	[tilespmem:$0x7A20] =	vst v0  }
0x21: {  	[tilespmem:$0x7A30] =	vst v0  }
0x22: {  	[tilespmem:$0x7A40] =	vst v0  }
0x23: {  	[tilespmem:$0x7A50] =	vst v0  }
0x24: {  	[tilespmem:$0x7A60] =	vst v0  }
0x25: {  	[tilespmem:$0x7A70] =	vst v0  }
0x26: {  	[tilespmem:$0x7A80] =	vst v0  }
0x27: {  	[tilespmem:$0x7A90] =	vst v0  }
0x28: {  	[tilespmem:$0x7AA0] =	vst v0  }
0x29: {  	[tilespmem:$0x7AB0] =	vst v0  }
0x2a: {  	[tilespmem:$0x7AC0] =	vst v0  }
0x2b: {  	[tilespmem:$0x7AD0] =	vst v0  }
0x2c: {  	[tilespmem:$0x7AE0] =	vst v0  }
0x2d: {  	[tilespmem:$0x7AF0] =	vst v0  }
0x2e: {  	[tilespmem:$0x7B00] =	vst v0  }
0x2f: {  	[tilespmem:$0x7B10] =	vst v0  }
0x30: {  	[tilespmem:$0x7B20] =	vst v0  }
0x31: {  	[tilespmem:$0x7B30] =	vst v0  }
0x32: {  	[tilespmem:$0x7B40] =	vst v0  }
0x33: {  	[tilespmem:$0x7B50] =	vst v0  }
0x34: {  	[tilespmem:$0x7B60] =	vst v0  }
0x35: {  	[tilespmem:$0x7B70] =	vst v0  }
0x36: {  	[spmem:s5] =	stream.linear.scatter [tilespmem:s10], [sflag:$0x3], $0x280, $0x38;
	[tilespmem:$0x7E00] =	vst v63  }
0x37: {  	_ =	swait.ge [sflag:s11], $0x280  }
0x38: {  	[sflag:s11] =	ssyncset.done $0x0  }
0x39: {  	[sflag:s11] =	ssyncadd.s32 $0xFFFFFD80  }
0x3a: {  	[tilespmem:s3], [sflag:$0x3] =	stream.linear.gather [hbm4b:s6+s3], $0x2800, $0x38;
	[tilespmem:$0x7E00] =	vst v63  }
0x3b: {  	_ =	swait.ge [sflag:s11], $0x2800  }
0x3c: {  	[sflag:s11] =	ssyncset.done $0x0  }
0x3d: {  	[sflag:s11] =	ssyncadd.s32 $0xFFFFD800  }
0x3e: {  	[tilespmem:s12], [sflag:$0x3] =	stream.linear.gather [hbm4b:s7+s3], $0x2800, $0x38;
	[tilespmem:$0x7E00] =	vst v63  }
0x3f: {  	_ =	swait.ge [sflag:s11], $0x2800  }
0x40: {  	[sflag:s11] =	ssyncset.done $0x0  }
0x41: {  	[sflag:s11] =	ssyncadd.s32 $0xFFFFD800  }
0x42: {  	[tilespmem:s13], [sflag:$0x3] =	stream.linear.gather [hbm4b:s4+s3], $0x2800, $0x38;
	[tilespmem:$0x7E00] =	vst v63  }
0x43: {  	_ =	swait.ge [sflag:s11], $0x2800  }
0x44: {  	[sflag:s11] =	ssyncset.done $0x0  }
0x45: {  	[sflag:s11] =	ssyncadd.s32 $0xFFFFD800  }
0x46: {  	[bflag:$0x0] =	sbarrier.arrive $0xFFFF  }
0x47: {  	v1 =	vld [tilespmem:$0x0];
	_ =	sdelay $0x5  }
0x48: {  	v2 =	vld [tilespmem:$0x10];
	_ =	sdelay $0x1  }
0x49: {  	v1 =	vld.idx.msk [tilespmem:v1+s13+$0x0], $0xffff;
	_ =	sdelay $0x3  }
0x4a: {  	v3 =	vld [tilespmem:$0x20]  }
0x4b: {  	[tilespmem:$0x7800] =	vst v1  }
0x4c: {  	v1 =	vld.idx.msk [tilespmem:v2+s13+$0x0], $0xffff;
	_ =	sdelay $0x3  }
0x4d: {  	v2 =	vld [tilespmem:$0x30]  }
0x4e: {  	[tilespmem:$0x7810] =	vst v1  }
0x4f: {  	v1 =	vld.idx.msk [tilespmem:v3+s13+$0x0], $0xffff;
	_ =	sdelay $0x3  }
0x50: {  	v3 =	vld [tilespmem:$0x40]  }
0x51: {  	[tilespmem:$0x7820] =	vst v1  }
0x52: {  	v1 =	vld.idx.msk [tilespmem:v2+s13+$0x0], $0xffff;
	_ =	sdelay $0x3  }
0x53: {  	v2 =	vld [tilespmem:$0x50]  }
0x54: {  	[tilespmem:$0x7830] =	vst v1  }
0x55: {  	v1 =	vld.idx.msk [tilespmem:v3+s13+$0x0], $0xffff;
	_ =	sdelay $0x3  }
0x56: {  	v3 =	vld [tilespmem:$0x60]  }
0x57: {  	[tilespmem:$0x7840] =	vst v1  }
0x58: {  	v1 =	vld.idx.msk [tilespmem:v2+s13+$0x0], $0xffff;
	_ =	sdelay $0x3  }
0x59: {  	v2 =	vld [tilespmem:$0x70]  }
0x5a: {  	[tilespmem:$0x7850] =	vst v1  }
0x5b: {  	v1 =	vld.idx.msk [tilespmem:v3+s13+$0x0], $0xffff;
	_ =	sdelay $0x4  }
0x5c: {  	[tilespmem:$0x7860] =	vst v1  }
0x5d: {  	v1 =	vld.idx.msk [tilespmem:v2+s13+$0x0], $0xffff;
	_ =	sdelay $0x4  }
0x5e: {  	[tilespmem:$0x7870] =	vst v1  }
0x5f: {  	[spmem:s2] =	stream.indirect.scatter.add.f32 [tilespmem:s15], [sflag:$0x1], $0x1, s12, s14, $0xb8;
	[tilespmem:$0x7E00] =	vst v63  }
0x60: {  	v1 =	vld [tilespmem:$0x80];
	_ =	sdelay $0x5  }
0x61: {  	v2 =	vld [tilespmem:$0x90];
	_ =	sdelay $0x1  }
0x62: {  	v1 =	vld.idx.msk [tilespmem:v1+s13+$0x0], $0xffff;
	_ =	sdelay $0x3  }
0x63: {  	v3 =	vld [tilespmem:$0xA0]  }
0x64: {  	[tilespmem:$0x7880] =	vst v1  }
0x65: {  	v1 =	vld.idx.msk [tilespmem:v2+s13+$0x0], $0xffff;
	_ =	sdelay $0x3  }
0x66: {  	v2 =	vld [tilespmem:$0xB0]  }
0x67: {  	[tilespmem:$0x7890] =	vst v1  }
0x68: {  	v1 =	vld.idx.msk [tilespmem:v3+s13+$0x0], $0xffff;
	_ =	sdelay $0x3  }
0x69: {  	v3 =	vld [tilespmem:$0xC0]  }
0x6a: {  	[tilespmem:$0x78A0] =	vst v1  }
0x6b: {  	v1 =	vld.idx.msk [tilespmem:v2+s13+$0x0], $0xffff;
	_ =	sdelay $0x3  }
0x6c: {  	v2 =	vld [tilespmem:$0xD0]  }
0x6d: {  	[tilespmem:$0x78B0] =	vst v1  }
0x6e: {  	v1 =	vld.idx.msk [tilespmem:v3+s13+$0x0], $0xffff;
	_ =	sdelay $0x3  }
0x6f: {  	v3 =	vld [tilespmem:$0xE0]  }
0x70: {  	[tilespmem:$0x78C0] =	vst v1  }
0x71: {  	v1 =	vld.idx.msk [tilespmem:v2+s13+$0x0], $0xffff;
	_ =	sdelay $0x3  }
0x72: {  	v2 =	vld [tilespmem:$0xF0]  }
0x73: {  	[tilespmem:$0x78D0] =	vst v1  }
0x74: {  	v1 =	vld.idx.msk [tilespmem:v3+s13+$0x0], $0xffff;
	_ =	sdelay $0x4  }
0x75: {  	[tilespmem:$0x78E0] =	vst v1  }
0x76: {  	v1 =	vld.idx.msk [tilespmem:v2+s13+$0x0], $0xffff;
	_ =	sdelay $0x4  }
0x77: {  	s21 =	simm.s32 $0x0;
	[tilespmem:$0x78F0] =	vst v1  }
0x78: {  	[spmem:s2] =	stream.indirect.scatter.add.f32 [tilespmem:s17], [sflag:$0x2], $0x1, s16, s14, $0xb8;
	[tilespmem:$0x7E00] =	vst v63  }
.LBB2_2:
0x79: {  	_ =	swait.ge [sflag:s18], $0x80  }
0x7a: {  	[sflag:s18] =	ssyncset.done $0x0  }
0x7b: {  	s22 =	sshra.s32 s21, $0x2;
	[sflag:s18] =	ssyncadd.s32 $0xFFFFFF80  }
0x7c: {  	v1 =	vld [tilespmem:s22+$0x100];
	_ =	sdelay $0x7  }
0x7d: {  	v1 =	vld.idx.msk [tilespmem:v1+s13+$0x0], $0xffff;
	_ =	sdelay $0x4  }
0x7e: {  	[tilespmem:$0x7800] =	vst v1  }
0x7f: {  	v1 =	vld [tilespmem:s22+$0x110];
	_ =	sdelay $0x7  }
0x80: {  	v1 =	vld.idx.msk [tilespmem:v1+s13+$0x0], $0xffff;
	_ =	sdelay $0x4  }
0x81: {  	[tilespmem:$0x7810] =	vst v1  }
0x82: {  	v1 =	vld [tilespmem:s22+$0x120];
	_ =	sdelay $0x7  }
0x83: {  	v1 =	vld.idx.msk [tilespmem:v1+s13+$0x0], $0xffff;
	_ =	sdelay $0x4  }
0x84: {  	[tilespmem:$0x7820] =	vst v1  }
0x85: {  	v1 =	vld [tilespmem:s22+$0x130];
	_ =	sdelay $0x7  }
0x86: {  	v1 =	vld.idx.msk [tilespmem:v1+s13+$0x0], $0xffff;
	_ =	sdelay $0x4  }
0x87: {  	[tilespmem:$0x7830] =	vst v1  }
0x88: {  	v1 =	vld [tilespmem:s22+$0x140];
	_ =	sdelay $0x7  }
0x89: {  	v1 =	vld.idx.msk [tilespmem:v1+s13+$0x0], $0xffff;
	_ =	sdelay $0x4  }
0x8a: {  	[tilespmem:$0x7840] =	vst v1  }
0x8b: {  	v1 =	vld [tilespmem:s22+$0x150];
	_ =	sdelay $0x7  }
0x8c: {  	v1 =	vld.idx.msk [tilespmem:v1+s13+$0x0], $0xffff;
	_ =	sdelay $0x4  }
0x8d: {  	[tilespmem:$0x7850] =	vst v1  }
0x8e: {  	v1 =	vld [tilespmem:s22+$0x160];
	_ =	sdelay $0x7  }
0x8f: {  	v1 =	vld.idx.msk [tilespmem:v1+s13+$0x0], $0xffff;
	_ =	sdelay $0x4  }
0x90: {  	[tilespmem:$0x7860] =	vst v1  }
0x91: {  	v1 =	vld [tilespmem:s22+$0x170];
	_ =	sdelay $0x7  }
0x92: {  	v1 =	vld.idx.msk [tilespmem:v1+s13+$0x0], $0xffff;
	_ =	sdelay $0x4  }
0x93: {  	s23 =	sadd.s32 $0x2900, s22;
	[tilespmem:$0x7870] =	vst v1  }
0x94: {  	[spmem:s2] =	stream.indirect.scatter.add.f32 [tilespmem:s15], [sflag:$0x1], $0x1, s23, s14, $0xb8;
	[tilespmem:$0x7E00] =	vst v63  }
0x95: {  	_ =	swait.ge [sflag:s19], $0x80  }
0x96: {  	[sflag:s19] =	ssyncset.done $0x0  }
0x97: {  	[sflag:s19] =	ssyncadd.s32 $0xFFFFFF80  }
0x98: {  	v1 =	vld [tilespmem:s22+$0x180];
	_ =	sdelay $0x7  }
0x99: {  	v1 =	vld.idx.msk [tilespmem:v1+s13+$0x0], $0xffff;
	_ =	sdelay $0x4  }
0x9a: {  	[tilespmem:$0x7880] =	vst v1  }
0x9b: {  	v1 =	vld [tilespmem:s22+$0x190];
	_ =	sdelay $0x7  }
0x9c: {  	v1 =	vld.idx.msk [tilespmem:v1+s13+$0x0], $0xffff;
	_ =	sdelay $0x4  }
0x9d: {  	[tilespmem:$0x7890] =	vst v1  }
0x9e: {  	v1 =	vld [tilespmem:s22+$0x1A0];
	_ =	sdelay $0x7  }
0x9f: {  	v1 =	vld.idx.msk [tilespmem:v1+s13+$0x0], $0xffff;
	_ =	sdelay $0x4  }
0xa0: {  	[tilespmem:$0x78A0] =	vst v1  }
0xa1: {  	v1 =	vld [tilespmem:s22+$0x1B0];
	_ =	sdelay $0x7  }
0xa2: {  	v1 =	vld.idx.msk [tilespmem:v1+s13+$0x0], $0xffff;
	_ =	sdelay $0x4  }
0xa3: {  	[tilespmem:$0x78B0] =	vst v1  }
0xa4: {  	v1 =	vld [tilespmem:s22+$0x1C0];
	_ =	sdelay $0x7  }
0xa5: {  	v1 =	vld.idx.msk [tilespmem:v1+s13+$0x0], $0xffff;
	_ =	sdelay $0x4  }
0xa6: {  	[tilespmem:$0x78C0] =	vst v1  }
0xa7: {  	v1 =	vld [tilespmem:s22+$0x1D0];
	_ =	sdelay $0x7  }
0xa8: {  	v1 =	vld.idx.msk [tilespmem:v1+s13+$0x0], $0xffff;
	_ =	sdelay $0x4  }
0xa9: {  	[tilespmem:$0x78D0] =	vst v1  }
0xaa: {  	v1 =	vld [tilespmem:s22+$0x1E0];
	_ =	sdelay $0x7  }
0xab: {  	v1 =	vld.idx.msk [tilespmem:v1+s13+$0x0], $0xffff;
	_ =	sdelay $0x4  }
0xac: {  	[tilespmem:$0x78E0] =	vst v1  }
0xad: {  	v1 =	vld [tilespmem:s22+$0x1F0];
	_ =	sdelay $0x7  }
0xae: {  	v1 =	vld.idx.msk [tilespmem:v1+s13+$0x0], $0xffff  }
0xaf: {  	p0 =	sne.s32 s21, $0x9800  }
.Ltmp0:
0xb0: {  	_ = 	snop;
	(pc) =	sbr.rel @p0 .LBB2_2-.Ltmp0, $3  }
0xb1: {  	_ =	sdelay $0x1  }
0xb2: {  	s21 =	sadd.s32 $0x400, s21;
	s22 =	sadd.s32 $0x2980, s22;
	[tilespmem:$0x78F0] =	vst v1  }
0xb3: {  	[spmem:s2] =	stream.indirect.scatter.add.f32 [tilespmem:s17], [sflag:$0x2], $0x1, s22, s14, $0xb8;
	[tilespmem:$0x7E00] =	vst v63  }
0xb4: {  	_ =	swait.ge [sflag:s18], $0x80  }
0xb5: {  	[sflag:s18] =	ssyncset.done $0x0  }
0xb6: {  	[sflag:s18] =	ssyncadd.s32 $0xFFFFFF80  }
0xb7: {  	_ =	swait.ge [sflag:s19], $0x80  }
0xb8: {  	[sflag:s19] =	ssyncset.done $0x0  }
0xb9: {  	[sflag:s19] =	ssyncadd.s32 $0xFFFFFF80  }
0xba: {  	[bflag:$0x0] =	sbarrier.arrive $0xFFFF  }
0xbb: {  	[tilespmem:s10], [sflag:$0x3] =	stream.linear.gather [spmem:s5], $0x280, $0x38;
	[tilespmem:$0x7E00] =	vst v63  }
0xbc: {  	s20 =	sadd.s32 $0x1, s20;
	_ =	swait.ge [sflag:s11], $0x280  }
0xbd: {  	p0 =	sne.s32 s20, s9;
	[sflag:s11] =	ssyncset.done $0x0  }
.Ltmp1:
0xbe: {  	[sflag:s11] =	ssyncadd.s32 $0xFFFFFD80;
	(pc) =	sbr.rel @p0 .LBB2_1-.Ltmp1, $4  }
0xbf: {  	[hbm4b:s8+s3] =	stream.linear.scatter [tilespmem:s10], [sflag:$0x3], $0x280, $0x38;
	[tilespmem:$0x7E00] =	vst v63  }
0xc0: {  	_ =	swait.ge [sflag:s11], $0x280  }
0xc1: {  	[sflag:s11] =	ssyncset.done $0x0  }
0xc2: {  	[sflag:s11] =	ssyncadd.s32 $0xFFFFFD80  }
0xc3: {  	_ =	sfence.sel $0x180000  }
0xc4: {  	[bflag:$0x0] =	sbarrier.arrive $0xFFFF  }
0xc5: {  	p0 =	sne.s32 s0, $0x0;
	_ =	strace $0x9000004D  }
0xc6: {  	s0 =	sadd.s32 @!p0 $0x100000, s1;
	[bflag:$0x2] =	sbarrier.arrive $0xFFFF  }
0xc7: {  	[sflag:s0] =	ssyncadd.tile.s32 @!p0 $0x1;
	_ =	shalt  }
.Lfunc_end2:
_tile_overlayer_lowered:
.L_overlay_start_2:
0xc8: {  	(tag) =	ssettag $0x2  }
0xc9: {  	s0 =	rddreg [dreg:$0x0];
	s2 =	stileid.u32  }
0xca: {  	s1 =	rddreg [dreg:$0x1];
	p0 =	sne.s32 s2, $0x0  }
0xcb: {  	s3 =	rddreg [dreg:$0x2];
	[bflag:$0x3] =	sbarrier.arrive $0xFFFF;
	s2 =	simm.s32 @!p0 $0x1C03  }
0xcc: {  	[timem:s3], [sflag:s2] =	dma.local @!p0 [hbm:s0], s1  }
0xcd: {  	s0 =	simm.s32 @!p0 $0x3  }
0xce: {  	_ =	swait.ge @!p0 [sflag:s0], s1  }
0xcf: {  	s1 =	ssub.s32 @!p0 $0x0, s1;
	[sflag:s0] =	ssyncset.done @!p0 $0x0  }
0xd0: {  	[sflag:s0] =	ssyncadd.s32 @!p0 s1  }
0xd1: {  	[bflag:$0x3] =	sbarrier.arrive $0xFFFF  }
0xd2: {  	_ =	shalt  }

// kernel: kernel.9.cloned.1.call-start
scs
__scs_entry_jumppad:
0x0: {  	(pc) =	sbr.rel $0x88, $3  }
0x1: {  	(tag) =	ssettag $0x0;
	lr =	simm.s32 $0x1  }
0x2: {  	[smem:$0x3F9B] =	sst lr;
	_ =	strace $0xD0000000  }
0x3: {  	_ = 	snop  }
0x4: {  	_ = 	snop  }
0x5: {  	_ = 	snop  }
0x6: {  	_ = 	snop  }
0x7: {  	_ = 	snop  }
__scs_overlays_trampoline_lowered:
0x8: {  	[smem:$0x3FAA] =	sst s0  }
0x9: {  	[smem:$0x3FAB] =	sst s1  }
0xa: {  	[smem:$0x3FAC] =	sst s2  }
0xb: {  	[smem:$0x3FAD] =	sst s3  }
0xc: {  	[smem:$0x3FAE] =	sst s4  }
0xd: {  	[smem:$0x3FAF] =	sst s5  }
0xe: {  	[smem:$0x3FB0] =	sst s6  }
0xf: {  	[smem:$0x3FB1] =	sst s7  }
0x10: {  	[smem:$0x3FB2] =	sst s8  }
0x11: {  	[smem:$0x3FB3] =	sst s9;
	s0 =	simm.s32 @!p0 $0x0  }
0x12: {  	s1 =	sld [smem:$0x3F99];
	s0 =	simm.s32 @p0 $0x1  }
0x13: {  	[smem:$0x3FB4] =	sst s0;
	s0 =	simm.s32 @!p1 $0x0  }
0x14: {  	s2 =	sld [smem:$0x3F98];
	s0 =	simm.s32 @p1 $0x1  }
0x15: {  	[smem:$0x3FB5] =	sst s0;
	s0 =	simm.s32 @!p2 $0x0  }
0x16: {  	s3 =	sld [smem:$0x3FDB];
	s0 =	simm.s32 @p2 $0x1  }
0x17: {  	s4 =	simm.s32 $0x1BF5;
	[smem:$0x3FB7] =	sst s0  }
0x18: {  	s0 =	sld [smem:$0x3F9A];
	_ =	swait.ge [sflag:s4], $0x0  }
0x19: {  	s7 =	sld [smem:$0x3F9B]  }
0x1a: {  	s8 =	sadd.s32 $0xFFFFE003, lr  }
0x1b: {  	s9 =	sadd.s32 $0xFFFFFEF7, lr;
	s5 =	simm.s32 $0xFFFFFFFF;
	p2 =	slt.u32 s8, $0xFFFFF086  }
0x1c: {  	p1 =	slt.u32 s9, $0xF7A;
	s5 =	simm.s32 @!p2 $0x0  }
0x1d: {  	s5 =	simm.s32 @p1 $0x1;
	p0 =	seq.s32 s7, s2  }
0x1e: {  	s7 =	smul.u32 @!p0 $0xF7A, s2;
	p2 =	seq.s32 @!p0 s5, $0x0  }
0x1f: {  	s9 =	smul.u32 $0xF7A, s1;
	s8 =	simm.s32 @!p0 $0x1BF5;
	p2 =	por !p2, p0  }
0x20: {  	[sflag:s8] =	ssyncset.s32 @!p0 $0xFFFFF086;
	s6 =	sadd.s32 @!p0 s3, s7;
	s7 =	simm.s32 @!p0 $0x108  }
0x21: {  	s3 =	sadd.s32 s3, s9;
	s6 =	sadd.s32 @!p0 $0x88, s6;
	s7 =	simm.s32 @p2 $0x1082  }
0x22: {  	[simem:s7], [sflag:s8] =	dma.local @!p0 [hbm:s6], $0xF7A  }
0x23: {  	s9 =	sor.u32 $0xD0000000, s2;
	s6 =	simm.s32 $0x108;
	_ =	swait.ge @!p0 [sflag:s8], $0x0  }
0x24: {  	s3 =	sadd.s32 $0x88, s3;
	s6 =	simm.s32 @!p1 $0x1082;
	[sflag:s4] =	ssyncset.s32 $0xFFFFF086  }
0x25: {  	[simem:s6], [sflag:s4] =	dma.local [hbm:s3], $0xF7A  }
0x26: {  	[smem:$0x3F9B] =	sst s1;
	(tag) =	ssettag s2;
	_ =	strace s9  }
0x27: {  	s1 =	sld [smem:$0x3FAB]  }
0x28: {  	s2 =	sld [smem:$0x3FAC]  }
0x29: {  	s4 =	sld [smem:$0x3FAE]  }
0x2a: {  	p0 =	seq.s32 s5, $0x0;
	s5 =	sld [smem:$0x3FAF]  }
0x2b: {  	s6 =	sld [smem:$0x3FB0]  }
0x2c: {  	s7 =	sld [smem:$0x3FB1]  }
0x2d: {  	s3 =	simm.s32 $0x108;
	s8 =	sld [smem:$0x3FB2]  }
0x2e: {  	s3 =	simm.s32 @!p0 $0x1082;
	s9 =	sld [smem:$0x3FB3]  }
0x2f: {  	lr =	sadd.s32 s0, s3;
	s0 =	sld [smem:$0x3FAA]  }
0x30: {  	s3 =	sld [smem:$0x3FAD]  }
0x31: {  	[smem:$0x3FB6] =	sst s10  }
0x32: {  	s10 =	sld [smem:$0x3FB4];
	_ =	sdelay $0x3  }
0x33: {  	p0 =	seq.s32 s10, $0x1;
	s10 =	sld [smem:$0x3FB6];
	_ =	sdelay $0x3  }
0x34: {  	[smem:$0x3FB6] =	sst s10  }
0x35: {  	s10 =	sld [smem:$0x3FB5];
	_ =	sdelay $0x3  }
0x36: {  	p1 =	seq.s32 s10, $0x1;
	s10 =	sld [smem:$0x3FB6];
	_ =	sdelay $0x3  }
0x37: {  	[smem:$0x3FB6] =	sst s10  }
0x38: {  	s10 =	sld [smem:$0x3FB7]  }
0x39: {  	_ = 	snop;
	(pc) =	sbr.ind lr, $3  }
0x3a: {  	_ = 	snop  }
0x3b: {  	_ = 	snop  }
0x3c: {  	p2 =	seq.s32 s10, $0x1;
	s10 =	sld [smem:$0x3FB6]  }
0x3d: {  	_ =	shalt  }
0x3e: {  	_ =	shalt  }
0x3f: {  	_ =	shalt  }
0x40: {  	_ =	shalt  }
0x41: {  	_ =	shalt  }
0x42: {  	_ =	shalt  }
0x43: {  	_ =	shalt  }
0x44: {  	_ =	shalt  }
0x45: {  	_ =	shalt  }
0x46: {  	_ =	shalt  }
0x47: {  	_ =	shalt  }
0x48: {  	_ =	shalt  }
0x49: {  	_ =	shalt  }
0x4a: {  	_ =	shalt  }
0x4b: {  	_ =	shalt  }
0x4c: {  	_ =	shalt  }
0x4d: {  	_ =	shalt  }
0x4e: {  	_ =	shalt  }
0x4f: {  	_ =	shalt  }
0x50: {  	_ =	shalt  }
0x51: {  	_ =	shalt  }
0x52: {  	_ =	shalt  }
0x53: {  	_ =	shalt  }
0x54: {  	_ =	shalt  }
0x55: {  	_ =	shalt  }
0x56: {  	_ =	shalt  }
0x57: {  	_ =	shalt  }
0x58: {  	_ =	shalt  }
0x59: {  	_ =	shalt  }
0x5a: {  	_ =	shalt  }
0x5b: {  	_ =	shalt  }
0x5c: {  	_ =	shalt  }
0x5d: {  	_ =	shalt  }
0x5e: {  	_ =	shalt  }
0x5f: {  	_ =	shalt  }
0x60: {  	_ =	shalt  }
0x61: {  	_ =	shalt  }
0x62: {  	_ =	shalt  }
0x63: {  	_ =	shalt  }
0x64: {  	_ =	shalt  }
0x65: {  	_ =	shalt  }
0x66: {  	_ =	shalt  }
0x67: {  	_ =	shalt  }
0x68: {  	_ =	shalt  }
0x69: {  	_ =	shalt  }
0x6a: {  	_ =	shalt  }
0x6b: {  	_ =	shalt  }
0x6c: {  	_ =	shalt  }
0x6d: {  	_ =	shalt  }
0x6e: {  	_ =	shalt  }
0x6f: {  	_ =	shalt  }
0x70: {  	_ =	shalt  }
0x71: {  	_ =	shalt  }
0x72: {  	_ =	shalt  }
0x73: {  	_ =	shalt  }
0x74: {  	_ =	shalt  }
0x75: {  	_ =	shalt  }
0x76: {  	_ =	shalt  }
0x77: {  	_ =	shalt  }
0x78: {  	_ =	shalt  }
0x79: {  	_ =	shalt  }
0x7a: {  	_ =	shalt  }
0x7b: {  	_ =	shalt  }
0x7c: {  	_ =	shalt  }
0x7d: {  	_ =	shalt  }
0x7e: {  	_ =	shalt  }
0x7f: {  	_ =	shalt  }
0x80: {  	_ =	shalt  }
0x81: {  	_ =	shalt  }
0x82: {  	_ =	shalt  }
0x83: {  	_ =	shalt  }
0x84: {  	_ =	shalt  }
0x85: {  	_ =	shalt  }
0x86: {  	_ =	shalt  }
0x87: {  	_ =	shalt  }
.Lfunc_end0:
.L_simem_size_0:
called_computation_lowered:
.L_overlay_start_0:
0x88: {  	s2 =	sld [smem:$0x3FD9]  }
0x89: {  	s3 =	sld [smem:$0x3FFE];
	_ =	sdelay $0x1  }
0x8a: {  	s1 =	srdreg.scid  }
0x8b: {  	s0 =	sand.u32 $0x1, s1  }
0x8c: {  	s16 =	sshll.u32 s0, $0xA;
	s2 =	sadd.s32 s3, s2  }
0x8d: {  	s2 =	sadd.s32 s2, s16  }
0x8e: {  	[smem:$0x3FC2] =	sst s2  }
0x8f: {  	_ = 	snop  }
0x90: {  	(tm) =	ssettm $0x1  }
0x91: {  	s17 =	sld [smem:$0x3FFB];
	_ =	sdelay $0x3  }
0x92: {  	_ =	strace s17  }
0x93: {  	s2 =	sld [smem:$0x3FFC];
	_ =	sdelay $0x3  }
0x94: {  	_ =	strace s2  }
0x95: {  	s2 =	sld [smem:$0x3FFD];
	_ =	sdelay $0x3  }
0x96: {  	_ =	strace s2  }
0x97: {  	_ =	strace $0x8FFFFFFF  }
0x98: {  	s18 =	sld [smem:$0x3FDB];
	_ =	sdelay $0x1  }
0x99: {  	s19 =	simm.s32 $_scs_section_size  }
0x9a: {  	s4 =	simm.s32 $_size__tile_overlayer_lowered;
	s5 =	simm.s32 $_tile_overlayer_lowered  }
0x9b: {  	s22 =	simm.s32 $0x1BFF;
	s21 =	sshll.u32 s5, $0x1;
	s2 =	sadd.s32 s19, s18  }
0x9c: {  	s6 =	simm.s32 $0x0;
	s20 =	sshll.u32 s4, $0x1;
	s4 =	sadd.s32 s21, s2  }
0x9d: {  	[timem:s6], [sflag:s22] =	dma.local [hbm:s4], s20  }
0x9e: {  	_ =	swait.ge [sflag:s22], s20  }
0x9f: {  	s3 =	ssub.s32 $0x0, s20;
	[sflag:s22] =	ssyncset.done $0x0  }
0xa0: {  	[sflag:s22] =	ssyncadd.s32 s3;
	_ =	sdelay $0x1  }
0xa1: {  	s23 =	simm.s32 $0x1B8B  }
0xa2: {  	_ =	swait.ge [sflag:s23], $0x1  }
0xa3: {  	[sflag:s23] =	ssyncset.done $0x0  }
0xa4: {  	s25 =	simm.s32 $0x1B8E;
	s24 =	sld [smem:$0x3FFE];
	[sflag:s23] =	ssyncadd.s32 $0xFFFFFFFF  }
0xa5: {  	s26 =	simm.s32 $execute0_lowered;
	[smem:$0x3FD2] =	sst s25  }
0xa6: {  	s4 =	sshll.u32 s26, $0x1;
	_ =	strace $0x80000046;
	[dreg:$0x1] =	wrdreg $0xFFFFFFFF  }
0xa7: {  	s28 =	simm.s32 $_size_execute0_lowered;
	s2 =	sadd.s32 s2, s4;
	[dreg:$0x0] =	wrdreg $0x0  }
0xa8: {  	s4 =	sshll.u32 s28, $0x1;
	[dreg:$0x2] =	wrdreg s2  }
0xa9: {  	[dreg:$0x3] =	wrdreg s4  }
0xaa: {  	[dreg:$0x4] =	wrdreg $0xC0  }
0xab: {  	_ =	task [dreg:s6], $0x5FFFF  }
0xac: {  	[dreg:$0x1] =	wrdreg $0xFFFFFFFF  }
0xad: {  	[dreg:$0x0] =	wrdreg $0x60  }
0xae: {  	[dreg:$0x2] =	wrdreg s24  }
0xaf: {  	[dreg:$0x3] =	wrdreg $0x2B000  }
0xb0: {  	[dreg:$0x4] =	wrdreg $0x9  }
0xb1: {  	_ =	task.clear_ibuf [dreg:s6], $0x5FFFF;
	_ =	strace $0x90000046  }
0xb2: {  	s29 =	simm.s32 $0x9;
	_ =	strace $0x80000048  }
0xb3: {  	_ =	swait.ge [sflag:s29], $0x1  }
0xb4: {  	[sflag:s29] =	ssyncadd.s32 $0xFFFFFFFF  }
0xb5: {  	_ =	strace $0x90000048  }
0xb6: {  	_ =	sfence  }
0xb7: {  	s30 =	sld [smem:$0x0];
	_ =	sdelay $0x2  }
0xb8: {  	s31 =	sshll.u32 s1, $0xD;
	s1 =	sshrl.u32 s1, $0x2  }
0xb9: {  	s3 =	sand.u32 $0x4000, s31;
	s1 =	sadd.s32 s1, s30  }
0xba: {  	s0 =	sor.u32 s3, s0;
	s1 =	sshll.u32 s1, $0x11  }
0xbb: {  	s0 =	sor.u32 s1, s0  }
0xbc: {  	s0 =	sadd.s32 $0x8F2B, s0  }
0xbd: {  	[sflag:s0] =	ssyncadd.remote.s32 $0x1  }
0xbe: {  	_ =	sfence.sel $0xFFFF  }
0xbf: {  	[dreg:$0x0] =	wrdreg $0xFFFFFFFF;
	(pc) =	sbr.abs _section_cstart, $3  }
0xc0: {  	[dreg:$0x1] =	wrdreg $0xFFFFFFFF  }
0xc1: {  	_ =	task.clear_ibuf [dreg:s6], $0x2FFFF;
	_ =	strace $0x9FFFFFFF  }
0xc2: {  	(tm) =	ssettm $0x7FFFFFFF  }
0xc3: {  	_ =	shalt  }
tec
execute0_lowered:
.L_overlay_start_1:
0x0: {  	(tag) =	ssettag $0x1  }
0x1: {  	s4 =	rddreg [dreg:$0x0]  }
0x2: {  	s2 =	rddreg [dreg:$0x1]  }
0x3: {  	s0 =	rddreg [dreg:$0x2];
	s3 =	srdreg.scid  }
0x4: {  	s1 =	stileid.u32;
	s10 =	simm.s32 $0x80;
	s11 =	simm.s32 $0x2800  }
0x5: {  	s12 =	simm.s32 $0x100;
	s13 =	simm.s32 $0x180;
	s14 =	simm.s32 $0x200  }
0x6: {  	s15 =	simm.s32 $0x280;
	s16 =	simm.s32 $0x300;
	s17 =	simm.s32 $0x380  }
0x7: {  	s18 =	simm.s32 $0x1;
	s5 =	sand.u32 $0x1, s3;
	s7 =	smul.u32 $0x280, s1  }
0x8: {  	s6 =	sshll.u32 s1, $0x1;
	s3 =	simm.s32 $0x0;
	s8 =	smul.u32 $0x2800, s5  }
0x9: {  	s19 =	simm.s32 $0x0;
	s6 =	sor.u32 s5, s6;
	[smem:$0x7FF] =	sst s3  }
0xa: {  	s5 =	ssub.s32 $0x2, s5;
	s6 =	smul.u32 $0x500, s6;
	s8 =	sadd.s32 s7, s8  }
0xb: {  	_ =	strace $0x80000047;
	s9 =	sshrl.u32 s5, $0x1;
	s8 =	sshrl.u32 s8, $0x3  }
0xc: {  	s9 =	ssub.s32 s5, s9;
	s6 =	sadd.s32 s6, s4;
	s8 =	sadd.s32 s8, s4  }
0xd: {  	s4 =	sadd.s32 s7, s2;
	s5 =	sadd.s32 $0x1E00, s6;
	s7 =	smax.u32 s9, $0x1  }
0xe: {  	v0 =	vimm.f32 $0.0e+00;
	v1 =	vimm.f32 $1.000000000e+00;
	s9 =	simm.s32 $0x2;
	s6 =	sadd.s32 $0x15E00, s8;
	s8 =	simm.s32 $0x2880  }
.LBB2_1:
0xf: {  	[tilespmem:$0x2880] =	vst v0  }
0x10: {  	[tilespmem:$0x2890] =	vst v0  }
0x11: {  	[tilespmem:$0x28A0] =	vst v0  }
0x12: {  	[tilespmem:$0x28B0] =	vst v0  }
0x13: {  	[tilespmem:$0x28C0] =	vst v0  }
0x14: {  	[tilespmem:$0x28D0] =	vst v0  }
0x15: {  	[tilespmem:$0x28E0] =	vst v0  }
0x16: {  	[tilespmem:$0x28F0] =	vst v0  }
0x17: {  	[tilespmem:$0x2900] =	vst v0  }
0x18: {  	[tilespmem:$0x2910] =	vst v0  }
0x19: {  	[tilespmem:$0x2920] =	vst v0  }
0x1a: {  	[tilespmem:$0x2930] =	vst v0  }
0x1b: {  	[tilespmem:$0x2940] =	vst v0  }
0x1c: {  	[tilespmem:$0x2950] =	vst v0  }
0x1d: {  	[tilespmem:$0x2960] =	vst v0  }
0x1e: {  	[tilespmem:$0x2970] =	vst v0  }
0x1f: {  	[tilespmem:$0x2980] =	vst v0  }
0x20: {  	[tilespmem:$0x2990] =	vst v0  }
0x21: {  	[tilespmem:$0x29A0] =	vst v0  }
0x22: {  	[tilespmem:$0x29B0] =	vst v0  }
0x23: {  	[tilespmem:$0x29C0] =	vst v0  }
0x24: {  	[tilespmem:$0x29D0] =	vst v0  }
0x25: {  	[tilespmem:$0x29E0] =	vst v0  }
0x26: {  	[tilespmem:$0x29F0] =	vst v0  }
0x27: {  	[tilespmem:$0x2A00] =	vst v0  }
0x28: {  	[tilespmem:$0x2A10] =	vst v0  }
0x29: {  	[tilespmem:$0x2A20] =	vst v0  }
0x2a: {  	[tilespmem:$0x2A30] =	vst v0  }
0x2b: {  	[tilespmem:$0x2A40] =	vst v0  }
0x2c: {  	[tilespmem:$0x2A50] =	vst v0  }
0x2d: {  	[tilespmem:$0x2A60] =	vst v0  }
0x2e: {  	[tilespmem:$0x2A70] =	vst v0  }
0x2f: {  	[tilespmem:$0x2A80] =	vst v0  }
0x30: {  	[tilespmem:$0x2A90] =	vst v0  }
0x31: {  	[tilespmem:$0x2AA0] =	vst v0  }
0x32: {  	[tilespmem:$0x2AB0] =	vst v0  }
0x33: {  	[tilespmem:$0x2AC0] =	vst v0  }
0x34: {  	[tilespmem:$0x2AD0] =	vst v0  }
0x35: {  	[tilespmem:$0x2AE0] =	vst v0  }
0x36: {  	[tilespmem:$0x2AF0] =	vst v0  }
0x37: {  	[spmem:s4] =	stream.linear.scatter [tilespmem:s8], [sflag:$0x2], $0x280, $0x38;
	[tilespmem:$0x2D80] =	vst v63  }
0x38: {  	_ =	swait.ge [sflag:s9], $0x280  }
0x39: {  	[sflag:s9] =	ssyncset.done $0x0  }
0x3a: {  	[sflag:s9] =	ssyncadd.s32 $0xFFFFFD80  }
0x3b: {  	[tilespmem:s3], [sflag:$0x2] =	stream.linear.gather [hbm4b:s5+s3], $0x2800, $0x38;
	[tilespmem:$0x2D80] =	vst v63  }
0x3c: {  	_ =	swait.ge [sflag:s9], $0x2800  }
0x3d: {  	[sflag:s9] =	ssyncset.done $0x0  }
0x3e: {  	[sflag:s9] =	ssyncadd.s32 $0xFFFFD800  }
0x3f: {  	[tilespmem:$0x2800] =	vst v1  }
0x40: {  	[tilespmem:$0x2810] =	vst v1  }
0x41: {  	[tilespmem:$0x2820] =	vst v1  }
0x42: {  	[tilespmem:$0x2830] =	vst v1  }
0x43: {  	[tilespmem:$0x2840] =	vst v1  }
0x44: {  	[tilespmem:$0x2850] =	vst v1  }
0x45: {  	[tilespmem:$0x2860] =	vst v1  }
0x46: {  	[tilespmem:$0x2870] =	vst v1  }
0x47: {  	[bflag:$0x0] =	sbarrier.arrive $0xFFFF  }
0x48: {  	[spmem:s2] =	stream.indirect.scatter.add.f32 [tilespmem:s11], [sflag:$0x1], $0x1, s3, s10, $0xb8;
	[tilespmem:$0x2D80] =	vst v63  }
0x49: {  	_ = 	snop  }
0x4a: {  	[spmem:s2] =	stream.indirect.scatter.add.f32 [tilespmem:s11], [sflag:$0x1], $0x1, s10, s10, $0xb8;
	[tilespmem:$0x2D80] =	vst v63  }
0x4b: {  	_ = 	snop  }
0x4c: {  	[spmem:s2] =	stream.indirect.scatter.add.f32 [tilespmem:s11], [sflag:$0x1], $0x1, s12, s10, $0xb8;
	[tilespmem:$0x2D80] =	vst v63  }
0x4d: {  	_ = 	snop  }
0x4e: {  	[spmem:s2] =	stream.indirect.scatter.add.f32 [tilespmem:s11], [sflag:$0x1], $0x1, s13, s10, $0xb8;
	[tilespmem:$0x2D80] =	vst v63  }
0x4f: {  	_ = 	snop  }
0x50: {  	[spmem:s2] =	stream.indirect.scatter.add.f32 [tilespmem:s11], [sflag:$0x1], $0x1, s14, s10, $0xb8;
	[tilespmem:$0x2D80] =	vst v63  }
0x51: {  	_ = 	snop  }
0x52: {  	[spmem:s2] =	stream.indirect.scatter.add.f32 [tilespmem:s11], [sflag:$0x1], $0x1, s15, s10, $0xb8;
	[tilespmem:$0x2D80] =	vst v63  }
0x53: {  	_ = 	snop  }
0x54: {  	[spmem:s2] =	stream.indirect.scatter.add.f32 [tilespmem:s11], [sflag:$0x1], $0x1, s16, s10, $0xb8;
	[tilespmem:$0x2D80] =	vst v63  }
0x55: {  	_ = 	snop  }
0x56: {  	[spmem:s2] =	stream.indirect.scatter.add.f32 [tilespmem:s11], [sflag:$0x1], $0x1, s17, s10, $0xb8;
	[tilespmem:$0x2D80] =	vst v63  }
0x57: {  	_ =	swait.ge [sflag:s18], $0x80  }
0x58: {  	[sflag:s18] =	ssyncset.done $0x0  }
0x59: {  	s20 =	simm.s32 $0x1200;
	s21 =	simm.s32 $0x400;
	[sflag:s18] =	ssyncadd.s32 $0xFFFFFF80  }
.LBB2_2:
0x5a: {  	[spmem:s2] =	stream.indirect.scatter.add.f32 [tilespmem:s11], [sflag:$0x1], $0x1, s21, s10, $0xb8;
	[tilespmem:$0x2D80] =	vst v63  }
0x5b: {  	s21 =	smov.u32 s20;
	p0 =	sne.s32 s20, $0x9E00  }
.Ltmp0:
0x5c: {  	s20 =	sadd.s32 $0x200, s20;
	(pc) =	sbr.rel @p0 .LBB2_2-.Ltmp0, $4  }
0x5d: {  	_ = 	snop  }
0x5e: {  	_ =	swait.ge [sflag:s18], $0x80  }
0x5f: {  	[sflag:s18] =	ssyncset.done $0x0  }
0x60: {  	s21 =	sshra.s32 s21, $0x2;
	[sflag:s18] =	ssyncadd.s32 $0xFFFFFF80  }
0x61: {  	[spmem:s2] =	stream.indirect.scatter.add.f32 [tilespmem:s11], [sflag:$0x1], $0x1, s21, s10, $0xb8;
	[tilespmem:$0x2D80] =	vst v63  }
0x62: {  	_ =	swait.ge [sflag:s18], $0x80  }
0x63: {  	[sflag:s18] =	ssyncset.done $0x0  }
0x64: {  	[sflag:s18] =	ssyncadd.s32 $0xFFFFFF80  }
0x65: {  	_ =	swait.ge [sflag:s18], $0x80  }
0x66: {  	[sflag:s18] =	ssyncset.done $0x0  }
0x67: {  	[sflag:s18] =	ssyncadd.s32 $0xFFFFFF80  }
0x68: {  	_ =	swait.ge [sflag:s18], $0x80  }
0x69: {  	[sflag:s18] =	ssyncset.done $0x0  }
0x6a: {  	[sflag:s18] =	ssyncadd.s32 $0xFFFFFF80  }
0x6b: {  	_ =	swait.ge [sflag:s18], $0x80  }
0x6c: {  	[sflag:s18] =	ssyncset.done $0x0  }
0x6d: {  	[sflag:s18] =	ssyncadd.s32 $0xFFFFFF80  }
0x6e: {  	_ =	swait.ge [sflag:s18], $0x80  }
0x6f: {  	[sflag:s18] =	ssyncset.done $0x0  }
0x70: {  	[sflag:s18] =	ssyncadd.s32 $0xFFFFFF80  }
0x71: {  	_ =	swait.ge [sflag:s18], $0x80  }
0x72: {  	[sflag:s18] =	ssyncset.done $0x0  }
0x73: {  	[sflag:s18] =	ssyncadd.s32 $0xFFFFFF80  }
0x74: {  	_ =	swait.ge [sflag:s18], $0x80  }
0x75: {  	[sflag:s18] =	ssyncset.done $0x0  }
0x76: {  	[sflag:s18] =	ssyncadd.s32 $0xFFFFFF80  }
0x77: {  	_ =	swait.ge [sflag:s18], $0x80  }
0x78: {  	[sflag:s18] =	ssyncset.done $0x0  }
0x79: {  	[sflag:s18] =	ssyncadd.s32 $0xFFFFFF80  }
0x7a: {  	[bflag:$0x0] =	sbarrier.arrive $0xFFFF  }
0x7b: {  	[tilespmem:s8], [sflag:$0x2] =	stream.linear.gather [spmem:s4], $0x280, $0x38;
	[tilespmem:$0x2D80] =	vst v63  }
0x7c: {  	s19 =	sadd.s32 $0x1, s19;
	_ =	swait.ge [sflag:s9], $0x280  }
0x7d: {  	p0 =	sne.s32 s19, s7;
	[sflag:s9] =	ssyncset.done $0x0  }
.Ltmp1:
0x7e: {  	[sflag:s9] =	ssyncadd.s32 $0xFFFFFD80;
	(pc) =	sbr.rel @p0 .LBB2_1-.Ltmp1, $4  }
0x7f: {  	[hbm4b:s6+s3] =	stream.linear.scatter [tilespmem:s8], [sflag:$0x2], $0x280, $0x38;
	[tilespmem:$0x2D80] =	vst v63  }
0x80: {  	_ =	swait.ge [sflag:s9], $0x280  }
0x81: {  	[sflag:s9] =	ssyncset.done $0x0  }
0x82: {  	[sflag:s9] =	ssyncadd.s32 $0xFFFFFD80  }
0x83: {  	_ =	sfence.sel $0x180000  }
0x84: {  	[bflag:$0x0] =	sbarrier.arrive $0xFFFF  }
0x85: {  	p0 =	sne.s32 s1, $0x0;
	_ =	strace $0x90000047  }
0x86: {  	s0 =	sadd.s32 @!p0 $0x100000, s0;
	[bflag:$0x2] =	sbarrier.arrive $0xFFFF  }
0x87: {  	[sflag:s0] =	ssyncadd.tile.s32 @!p0 $0x1;
	_ =	shalt  }
.Lfunc_end2:
_tile_overlayer_lowered:
.L_overlay_start_2:
0x88: {  	(tag) =	ssettag $0x2  }
0x89: {  	s0 =	rddreg [dreg:$0x0];
	s2 =	stileid.u32  }
0x8a: {  	s1 =	rddreg [dreg:$0x1];
	p0 =	sne.s32 s2, $0x0  }
0x8b: {  	s3 =	rddreg [dreg:$0x2];
	[bflag:$0x3] =	sbarrier.arrive $0xFFFF;
	s2 =	simm.s32 @!p0 $0x1C02  }
0x8c: {  	[timem:s3], [sflag:s2] =	dma.local @!p0 [hbm:s0], s1  }
0x8d: {  	s0 =	simm.s32 @!p0 $0x2  }
0x8e: {  	_ =	swait.ge @!p0 [sflag:s0], s1  }
0x8f: {  	s1 =	ssub.s32 @!p0 $0x0, s1;
	[sflag:s0] =	ssyncset.done @!p0 $0x0  }
0x90: {  	[sflag:s0] =	ssyncadd.s32 @!p0 s1  }
0x91: {  	[bflag:$0x3] =	sbarrier.arrive $0xFFFF  }
0x92: {  	_ =	shalt  }

</sc_bundles>
